<compile_context>
chip_gen: v7x
topology: tpu7x:2x2x1
jax: 0.10.2.dev20260603
libtpu: 0.0.44.dev20260713+nightly
codegen_flags: <defaults>
</compile_context>

<pallas_src>
import jax
import jax.numpy as jnp
from jax.experimental import pallas as pl
from jax.experimental.pallas import tpu as pltpu
from jax.experimental.pallas import tpu_sc as plsc

REF_TOKEN_ID = 32000
SEG_OFF = 256
R_MAX = 16
LANES = 16


def _sc_index_body(ids_hbm, idx_hbm, valid_hbm, ids_v, idx_v, tmp_v):
    B, S = ids_hbm.shape
    cid = jax.lax.axis_index("c")
    sid = jax.lax.axis_index("s")
    wid = sid * 2 + cid

    @pl.when(wid < B)
    def _():
        b = wid
        pltpu.sync_copy(ids_hbm.at[b], ids_v)
        idx_v[...] = jnp.zeros((LANES,), jnp.int32)
        lane = jax.lax.iota(jnp.int32, LANES)
        ref_tok = jnp.full((LANES,), REF_TOKEN_ID, jnp.int32)
        ones_v = jnp.full((LANES,), 1, jnp.int32)
        rmax_v = jnp.full((LANES,), R_MAX, jnp.int32)
        seg_v = jnp.full((LANES,), SEG_OFF, jnp.int32)

        def chunk(j, cnt):
            v = ids_v[pl.ds(j * LANES, LANES)]
            pos = jnp.full((LANES,), j * LANES, jnp.int32) + lane
            m = (v == ref_tok) & (pos >= ones_v)
            mi = jnp.where(m, ones_v, 0)
            csum = plsc.cumsum(mi)
            tgt = jnp.full((LANES,), cnt, jnp.int32) + csum - ones_v
            m2 = m & (tgt < rmax_v)
            plsc.store_scatter(idx_v, [tgt], pos + seg_v, mask=m2)
            return cnt + jnp.sum(mi)

        cnt = jax.lax.fori_loop(0, S // LANES, chunk, jnp.int32(0))
        pltpu.sync_copy(idx_v, idx_hbm.at[pl.ds(b * R_MAX, R_MAX)])
        cnt_v = jnp.full((LANES,), cnt, jnp.int32)
        tmp_v[...] = jnp.where(lane < cnt_v, ones_v, 0)
        pltpu.sync_copy(tmp_v, valid_hbm.at[pl.ds(b * R_MAX, R_MAX)])


def _gm_body(idx_ref, valid_ref, hs_ref, w_ref, b_ref, out_ref, scr, sem):
    B = 8
    copies = []
    for b in range(B):
        for r in range(R_MAX):
            k = b * R_MAX + r
            i = idx_ref[k]
            c = pltpu.make_async_copy(
                hs_ref.at[pl.ds(i, 1), b, :], scr.at[pl.ds(k, 1), :], sem)
            c.start()
            copies.append(c)
    for c in copies:
        c.wait()
    x = scr[...]
    y = jnp.dot(x, w_ref[...], preferred_element_type=jnp.float32)
    y = y + b_ref[...]
    y = jnp.where(valid_ref[...] > 0, y, 0.0)
    out_ref[...] = y


def kernel(input_ids, last_hidden_state, W_proj, b_proj):
    B, S = input_ids.shape
    _, L, D = last_hidden_state.shape
    DG = W_proj.shape[1]
    ids32 = input_ids.astype(jnp.int32)

    mesh = plsc.VectorSubcoreMesh(core_axis_name="c", subcore_axis_name="s")
    sc_call = pl.kernel(
        _sc_index_body,
        out_type=(
            jax.ShapeDtypeStruct((B * R_MAX,), jnp.int32),
            jax.ShapeDtypeStruct((B * R_MAX,), jnp.int32),
        ),
        mesh=mesh,
        compiler_params=pltpu.CompilerParams(needs_layout_passes=False),
        scratch_types=[
            pltpu.VMEM((S,), jnp.int32),
            pltpu.VMEM((LANES,), jnp.int32),
            pltpu.VMEM((LANES,), jnp.int32),
        ],
    )
    idx, valid = sc_call(ids32)

    out = pl.pallas_call(
        _gm_body,
        in_specs=[
            pl.BlockSpec(memory_space=pltpu.SMEM),
            pl.BlockSpec((B * R_MAX, 1), lambda: (0, 0)),
            pl.BlockSpec(memory_space=pl.ANY),
            pl.BlockSpec((D, DG), lambda: (0, 0)),
            pl.BlockSpec((1, DG), lambda: (0, 0)),
        ],
        out_specs=pl.BlockSpec((B * R_MAX, DG), lambda: (0, 0)),
        out_shape=jax.ShapeDtypeStruct((B * R_MAX, DG), jnp.float32),
        scratch_shapes=[
            pltpu.VMEM((B * R_MAX, D), jnp.float32),
            pltpu.SemaphoreType.DMA,
        ],
    )(idx, valid.reshape(B * R_MAX, 1),
      jnp.transpose(last_hidden_state, (1, 0, 2)), W_proj,
      b_proj.reshape(1, DG))
    return out.reshape(B, R_MAX, DG)

# --- scband reference (transcript-rebuilt; emitter-appended) ---
"""Pipeline reference for scband-spatial-reasoner-meta-for-causal-lm-73778948210692 (READ-ONLY COPY).

The authoritative reference and input builder live on the scoring server;
editing this copy changes nothing except your own understanding.
"""

import jax, jax.numpy as jnp
import numpy as np

REF_TOKEN = 32000
NUM_ENC_SCENE_TOK = 256
USE_SCENE_START_END = 1
N0 = NUM_ENC_SCENE_TOK + 2 * USE_SCENE_START_END  # 258
B, S, D, DG = 8, 2048, 4096, 256
L = N0 + S - 1  # 2305
COUNTS = [12, 7, 16, 4, 9, 14, 6, 11]  # ragged ref-token counts per row


def setup_inputs(seed: int = 0) -> dict:
    key = jax.random.key(seed)
    k0, k1 = jax.random.split(key, 2)
    rng = np.random.default_rng(0)
    # base token ids strictly below REF_TOKEN so only planted refs match
    ids = rng.integers(0, 31999, size=(B, S)).astype(np.int64)
    counts = COUNTS
    for i, c in enumerate(counts):
        pos = rng.choice(np.arange(1, S), size=c, replace=False)  # mask uses input_ids[:, 1:]
        ids[i, pos] = REF_TOKEN
    input_ids = jnp.asarray(ids)
    last_hidden_state = jax.random.normal(k0, (B, L, D), dtype=jnp.float32)
    W_proj = jax.random.normal(k1, (D, DG), dtype=jnp.float32) * 0.02
    b_proj = jnp.zeros((DG,), dtype=jnp.float32)
    return {
        'input_ids': input_ids,
        'last_hidden_state': last_hidden_state,
        'W_proj': W_proj,
        'b_proj': b_proj,
    }


def reference(input_ids, last_hidden_state, W_proj, b_proj):
    # Faithful jax port of extract_ref_hidden_state + ragged wrap into
    # ref_embeddings_wrapped (the padded [B, max_num_ref_tokens, DG] tensor).
    Bx, Sx = input_ids.shape
    mask = (input_ids[:, 1:] == REF_TOKEN)
    seg_mask = jnp.concatenate([
        jnp.zeros((Bx, N0 - 1), dtype=bool),
        mask,
        jnp.zeros((Bx, 1), dtype=bool),
    ], axis=1)  # [B, L]
    seg_token_count = seg_mask.astype(jnp.int32).sum(-1)
    max_num_ref_tokens = max(COUNTS)
    # stable argsort puts True (0) positions first, preserving order ->
    # equivalent to boolean-mask flatten + per-row re-split + zero-pad
    order = jnp.argsort((~seg_mask).astype(jnp.int32), axis=1)[:, :max_num_ref_tokens]  # [B, R]
    gathered = jnp.take_along_axis(last_hidden_state, order[:, :, None], axis=1)  # [B, R, D]
    # grounding projector applied to flattened ref embeddings (linear -> per-token)
    proj = gathered @ W_proj + b_proj  # [B, R, DG]
    valid = jnp.arange(max_num_ref_tokens)[None, :] < seg_token_count[:, None]
    ref_embeddings_wrapped = jnp.where(valid[:, :, None], proj, 0.0)
    return ref_embeddings_wrapped

if __name__ == "__main__":
    import jax
    _d = setup_inputs()
    print(jax.jit(kernel)(*tuple(_d.values())))

</pallas_src>

<mosaic_0001>
#map = affine_map<(d0, d1) -> (0, 0)>
#map1 = affine_map<(d0, d1) -> (0)>
module attributes {stable_mosaic.version = 14 : i64} {
  func.func @_sc_index_body(%arg0: i32, %arg1: i32, %arg2: memref<8x2048xi32, #tpu.memory_space<hbm>>, %arg3: memref<128xi32, #tpu.memory_space<hbm>>, %arg4: memref<128xi32, #tpu.memory_space<hbm>>, %arg5: memref<2048xi32, #tpu.memory_space<vmem>>, %arg6: memref<16xi32, #tpu.memory_space<vmem>>, %arg7: memref<16xi32, #tpu.memory_space<vmem>>) attributes {dimension_semantics = [#tpu.dimension_semantics<core_parallel>, #tpu.dimension_semantics<subcore_parallel>], iteration_bounds = array<i64: 2, 16>, scalar_prefetch = 0 : i64, scratch_operands = 3 : i64, tpu.core_type = #tpu.core_type<sc_vector_subcore>, window_params = [{transform_indices = #map}, {transform_indices = #map1}, {transform_indices = #map1}]} {
    %mul3A = arith.constant 2 : i32
    %mul3A_0 = arith.muli %arg1, %mul3A : i32
    %add3A = arith.addi %mul3A_0, %arg0 : i32
    %lt3A = arith.constant 8 : i32
    %lt3A_1 = arith.cmpi slt, %add3A, %lt3A : i32
    %convert_element_type3A = arith.extui %lt3A_1 : i1 to i32
    %cond3A = arith.constant 0 : i32
    %cond3A_2 = arith.cmpi ne, %convert_element_type3A, %cond3A : i32
    scf.if %cond3A_2 {
      "tpu.region"() ({
        %run_scoped3A = tpu.sem_alloc : memref<!tpu.dma_semaphore, #tpu.memory_space<semaphore_mem>>
        %dma_start3A = arith.constant 0 : i32
        %dma_start3A_28 = tpu.memref_slice %arg2[%add3A, %dma_start3A] : memref<8x2048xi32, #tpu.memory_space<hbm>> -> memref<1x2048xi32, #tpu.memory_space<hbm>>
        %dma_start3A_29 = tpu.memref_squeeze %dma_start3A_28 : memref<1x2048xi32, #tpu.memory_space<hbm>> -> memref<2048xi32, #tpu.memory_space<hbm>>
        %dma_start3A_30 = arith.constant 0 : i32
        %dma_start3A_31 = tpu.memref_slice %arg2[%add3A, %dma_start3A_30] : memref<8x2048xi32, #tpu.memory_space<hbm>> -> memref<1x2048xi32, #tpu.memory_space<hbm>>
        %dma_start3A_32 = tpu.memref_squeeze %dma_start3A_31 : memref<1x2048xi32, #tpu.memory_space<hbm>> -> memref<2048xi32, #tpu.memory_space<hbm>>
        tpu.enqueue_dma source(%dma_start3A_32 : memref<2048xi32, #tpu.memory_space<hbm>>) target(%arg5 : memref<2048xi32, #tpu.memory_space<vmem>>) target_semaphore(%run_scoped3A : memref<!tpu.dma_semaphore, #tpu.memory_space<semaphore_mem>>)
        %dma_wait3A = arith.constant 0 : i32
        %dma_wait3A_33 = tpu.memref_slice %arg2[%add3A, %dma_wait3A] : memref<8x2048xi32, #tpu.memory_space<hbm>> -> memref<1x2048xi32, #tpu.memory_space<hbm>>
        %dma_wait3A_34 = tpu.memref_squeeze %dma_wait3A_33 : memref<1x2048xi32, #tpu.memory_space<hbm>> -> memref<2048xi32, #tpu.memory_space<hbm>>
        %dma_wait3A_35 = arith.constant 0 : i32
        %dma_wait3A_36 = tpu.memref_slice %arg2[%add3A, %dma_wait3A_35] : memref<8x2048xi32, #tpu.memory_space<hbm>> -> memref<1x2048xi32, #tpu.memory_space<hbm>>
        %dma_wait3A_37 = tpu.memref_squeeze %dma_wait3A_36 : memref<1x2048xi32, #tpu.memory_space<hbm>> -> memref<2048xi32, #tpu.memory_space<hbm>>
        tpu.wait_dma2 semaphore(%run_scoped3A : memref<!tpu.dma_semaphore, #tpu.memory_space<semaphore_mem>>) src(%dma_wait3A_37 : memref<2048xi32, #tpu.memory_space<hbm>>) dst(%arg5 : memref<2048xi32, #tpu.memory_space<vmem>>)
        tpu.yield
      }) : () -> ()
      %broadcast_in_dim3A = arith.constant 0 : i32
      %broadcast_in_dim3A_3 = vector.broadcast %broadcast_in_dim3A : i32 to vector<16xi32>
      %swap3A = arith.constant 0 : index
      %swap3A_4 = tpu.vector_load %arg6[%swap3A] {strides = array<i32>} : memref<16xi32, #tpu.memory_space<vmem>>, vector<16xi32>,
      tpu.vector_store %arg6[%swap3A], %broadcast_in_dim3A_3 {strides = array<i32>} : memref<16xi32, #tpu.memory_space<vmem>>, vector<16xi32>,
      %iota3A = tpu.iota {dimensions = array<i32: 0>} : vector<16xi32>
      %broadcast_in_dim3A_5 = arith.constant 32000 : i32
      %broadcast_in_dim3A_6 = vector.broadcast %broadcast_in_dim3A_5 : i32 to vector<16xi32>
      %broadcast_in_dim3A_7 = arith.constant 1 : i32
      %broadcast_in_dim3A_8 = vector.broadcast %broadcast_in_dim3A_7 : i32 to vector<16xi32>
      %broadcast_in_dim3A_9 = arith.constant 16 : i32
      %broadcast_in_dim3A_10 = vector.broadcast %broadcast_in_dim3A_9 : i32 to vector<16xi32>
      %broadcast_in_dim3A_11 = arith.constant 256 : i32
      %broadcast_in_dim3A_12 = vector.broadcast %broadcast_in_dim3A_11 : i32 to vector<16xi32>
      %scan3A = arith.constant 0 : i32
      %scan3A_13 = arith.constant 0 : i32
      %scan3A_14 = arith.constant 128 : i32
      %scan3A_15 = arith.addi %scan3A_13, %scan3A_14 : i32
      %scan3A_16 = arith.constant 1 : i32
      %scan3A_17 = scf.for %scan3A_28 = %scan3A_13 to %scan3A_15 step %scan3A_16 iter_args(%scan3A_29 = %scan3A) -> (i32)  : i32 {
        %mul3A_30 = arith.constant 16 : i32
        %mul3A_31 = arith.muli %scan3A_28, %mul3A_30 : i32
        %get3A = arith.index_cast %mul3A_31 : i32 to index
        %get3A_32 = tpu.vector_load %arg5[%get3A] {strides = array<i32>} : memref<2048xi32, #tpu.memory_space<vmem>>, vector<16xi32>,
        %mul3A_33 = arith.constant 16 : i32
        %mul3A_34 = arith.muli %scan3A_28, %mul3A_33 : i32
        %broadcast_in_dim3A_35 = vector.broadcast %mul3A_34 : i32 to vector<16xi32>
        %add3A_36 = arith.addi %broadcast_in_dim3A_35, %iota3A : vector<16xi32>
        %eq3A = arith.cmpi eq, %get3A_32, %broadcast_in_dim3A_6 : vector<16xi32>
        %ge3A = arith.cmpi sge, %add3A_36, %broadcast_in_dim3A_8 : vector<16xi32>
        %and3A = arith.andi %eq3A, %ge3A : vector<16xi1>
        %jit3A_37 = arith.constant 0 : i32
        %broadcast_in_dim3A_38 = vector.broadcast %jit3A_37 : i32 to vector<16xi32>
        %select_n3A_39 = arith.select %and3A, %broadcast_in_dim3A_8, %broadcast_in_dim3A_38 : vector<16xi1>, vector<16xi32>
        %broadcast_in_dim3A_40 = arith.constant true
        %broadcast_in_dim3A_41 = vector.broadcast %broadcast_in_dim3A_40 : i1 to vector<16xi1>
        %masked_cumsum3A = tpu.scan <sum>, %select_n3A_39 masked %broadcast_in_dim3A_41 : vector<16xi32>, vector<16xi1> -> vector<16xi32>
        %broadcast_in_dim3A_42 = vector.broadcast %scan3A_29 : i32 to vector<16xi32>
        %add3A_43 = arith.addi %broadcast_in_dim3A_42, %masked_cumsum3A : vector<16xi32>
        %sub3A = arith.subi %add3A_43, %broadcast_in_dim3A_8 : vector<16xi32>
        %lt3A_44 = arith.cmpi slt, %sub3A, %broadcast_in_dim3A_10 : vector<16xi32>
        %and3A_45 = arith.andi %and3A, %lt3A_44 : vector<16xi1>
        %add3A_46 = arith.addi %add3A_36, %broadcast_in_dim3A_12 : vector<16xi32>
        tpu.vector_store_idx %arg6[%sub3A], %add3A_46 masked %and3A_45 : memref<16xi32, #tpu.memory_space<vmem>>[vector<16xi32>], vector<16xi32>, vector<16xi1>
        %reduce_sum3A = arith.constant true
        %reduce_sum3A_47 = vector.broadcast %reduce_sum3A : i1 to vector<16xi1>
        %reduce_sum3A_48 = tpu.scan <sum>, %select_n3A_39 masked %reduce_sum3A_47 : vector<16xi32>, vector<16xi1> -> vector<16xi32>
        %reduce_sum3A_49 = vector.extract %reduce_sum3A_48[15] : i32 from vector<16xi32>
        %add3A_50 = arith.addi %scan3A_29, %reduce_sum3A_49 : i32
        scf.yield %add3A_50 : i32
      }
      %scan3A_18 = arith.constant 128 : i32
      %mul3A_19 = arith.constant 16 : i32
      %mul3A_20 = arith.muli %add3A, %mul3A_19 : i32
      "tpu.region"() ({
        %run_scoped3A = tpu.sem_alloc : memref<!tpu.dma_semaphore, #tpu.memory_space<semaphore_mem>>
        %dma_start3A = tpu.memref_slice %arg3[%mul3A_20] : memref<128xi32, #tpu.memory_space<hbm>> -> memref<16xi32, #tpu.memory_space<hbm>>
        %dma_start3A_28 = tpu.memref_slice %arg3[%mul3A_20] : memref<128xi32, #tpu.memory_space<hbm>> -> memref<16xi32, #tpu.memory_space<hbm>>
        tpu.enqueue_dma source(%arg6 : memref<16xi32, #tpu.memory_space<vmem>>) target(%dma_start3A_28 : memref<16xi32, #tpu.memory_space<hbm>>) target_semaphore(%run_scoped3A : memref<!tpu.dma_semaphore, #tpu.memory_space<semaphore_mem>>)
        %dma_wait3A = tpu.memref_slice %arg3[%mul3A_20] : memref<128xi32, #tpu.memory_space<hbm>> -> memref<16xi32, #tpu.memory_space<hbm>>
        %dma_wait3A_29 = tpu.memref_slice %arg3[%mul3A_20] : memref<128xi32, #tpu.memory_space<hbm>> -> memref<16xi32, #tpu.memory_space<hbm>>
        tpu.wait_dma2 semaphore(%run_scoped3A : memref<!tpu.dma_semaphore, #tpu.memory_space<semaphore_mem>>) src(%arg6 : memref<16xi32, #tpu.memory_space<vmem>>) dst(%dma_wait3A_29 : memref<16xi32, #tpu.memory_space<hbm>>)
        tpu.yield
      }) : () -> ()
      %broadcast_in_dim3A_21 = vector.broadcast %scan3A_17 : i32 to vector<16xi32>
      %lt3A_22 = arith.cmpi slt, %iota3A, %broadcast_in_dim3A_21 : vector<16xi32>
      %jit3A = arith.constant 0 : i32
      %broadcast_in_dim3A_23 = vector.broadcast %jit3A : i32 to vector<16xi32>
      %select_n3A = arith.select %lt3A_22, %broadcast_in_dim3A_8, %broadcast_in_dim3A_23 : vector<16xi1>, vector<16xi32>
      %swap3A_24 = arith.constant 0 : index
      %swap3A_25 = tpu.vector_load %arg7[%swap3A_24] {strides = array<i32>} : memref<16xi32, #tpu.memory_space<vmem>>, vector<16xi32>,
      tpu.vector_store %arg7[%swap3A_24], %select_n3A {strides = array<i32>} : memref<16xi32, #tpu.memory_space<vmem>>, vector<16xi32>,
      %mul3A_26 = arith.constant 16 : i32
      %mul3A_27 = arith.muli %add3A, %mul3A_26 : i32
      "tpu.region"() ({
        %run_scoped3A = tpu.sem_alloc : memref<!tpu.dma_semaphore, #tpu.memory_space<semaphore_mem>>
        %dma_start3A = tpu.memref_slice %arg4[%mul3A_27] : memref<128xi32, #tpu.memory_space<hbm>> -> memref<16xi32, #tpu.memory_space<hbm>>
        %dma_start3A_28 = tpu.memref_slice %arg4[%mul3A_27] : memref<128xi32, #tpu.memory_space<hbm>> -> memref<16xi32, #tpu.memory_space<hbm>>
        tpu.enqueue_dma source(%arg7 : memref<16xi32, #tpu.memory_space<vmem>>) target(%dma_start3A_28 : memref<16xi32, #tpu.memory_space<hbm>>) target_semaphore(%run_scoped3A : memref<!tpu.dma_semaphore, #tpu.memory_space<semaphore_mem>>)
        %dma_wait3A = tpu.memref_slice %arg4[%mul3A_27] : memref<128xi32, #tpu.memory_space<hbm>> -> memref<16xi32, #tpu.memory_space<hbm>>
        %dma_wait3A_29 = tpu.memref_slice %arg4[%mul3A_27] : memref<128xi32, #tpu.memory_space<hbm>> -> memref<16xi32, #tpu.memory_space<hbm>>
        tpu.wait_dma2 semaphore(%run_scoped3A : memref<!tpu.dma_semaphore, #tpu.memory_space<semaphore_mem>>) src(%arg7 : memref<16xi32, #tpu.memory_space<vmem>>) dst(%dma_wait3A_29 : memref<16xi32, #tpu.memory_space<hbm>>)
        tpu.yield
      }) : () -> ()
    } else {
    }
    return
  }
}

module attributes {stable_mosaic.version = 14 : i64} {
  func.func @_gm_body(%arg0: memref<128xi32, #tpu.memory_space<smem>>, %arg1: memref<128x1xi32, #tpu.memory_space<vmem>>, %arg2: memref<2305x8x4096xf32, #tpu.memory_space<any>>, %arg3: memref<4096x256xf32, #tpu.memory_space<vmem>>, %arg4: memref<1x256xf32, #tpu.memory_space<vmem>>, %arg5: memref<128x256xf32, #tpu.memory_space<vmem>>, %arg6: memref<128x4096xf32, #tpu.memory_space<vmem>>, %arg7: memref<!tpu.dma_semaphore, #tpu.memory_space<semaphore_mem>>) attributes {dimension_semantics = [], scalar_prefetch = 0 : i64, scratch_operands = 2 : i64, tpu.core_type = #tpu.core_type<tc>} {
    %get3A = arith.constant 0 : index
    %get3A_0 = memref.load %arg0[%get3A] : memref<128xi32, #tpu.memory_space<smem>>
    %dma_start3A = arith.constant 0 : i32
    %dma_start3A_1 = arith.constant 0 : i32
    %dma_start3A_2 = arith.constant 0 : i32
    %dma_start3A_3 = tpu.memref_slice %arg6[%dma_start3A_1, %dma_start3A_2] : memref<128x4096xf32, #tpu.memory_space<vmem>> -> memref<1x4096xf32, #tpu.memory_space<vmem>>
    %dma_start3A_4 = arith.constant 0 : i32
    %dma_start3A_5 = tpu.memref_slice %arg2[%get3A_0, %dma_start3A, %dma_start3A_4] : memref<2305x8x4096xf32, #tpu.memory_space<any>> -> memref<1x1x4096xf32, #tpu.memory_space<any>>
    %dma_start3A_6 = tpu.memref_squeeze %dma_start3A_5 : memref<1x1x4096xf32, #tpu.memory_space<any>> -> memref<1x4096xf32, #tpu.memory_space<any>>
    tpu.enqueue_dma source(%dma_start3A_6 : memref<1x4096xf32, #tpu.memory_space<any>>) target(%dma_start3A_3 : memref<1x4096xf32, #tpu.memory_space<vmem>>) target_semaphore(%arg7 : memref<!tpu.dma_semaphore, #tpu.memory_space<semaphore_mem>>)
    %get3A_7 = arith.constant 1 : index
    %get3A_8 = memref.load %arg0[%get3A_7] : memref<128xi32, #tpu.memory_space<smem>>
    %dma_start3A_9 = arith.constant 0 : i32
    %dma_start3A_10 = arith.constant 1 : i32
    %dma_start3A_11 = arith.constant 0 : i32
    %dma_start3A_12 = tpu.memref_slice %arg6[%dma_start3A_10, %dma_start3A_11] : memref<128x4096xf32, #tpu.memory_space<vmem>> -> memref<1x4096xf32, #tpu.memory_space<vmem>>
    %dma_start3A_13 = arith.constant 0 : i32
    %dma_start3A_14 = tpu.memref_slice %arg2[%get3A_8, %dma_start3A_9, %dma_start3A_13] : memref<2305x8x4096xf32, #tpu.memory_space<any>> -> memref<1x1x4096xf32, #tpu.memory_space<any>>
    %dma_start3A_15 = tpu.memref_squeeze %dma_start3A_14 : memref<1x1x4096xf32, #tpu.memory_space<any>> -> memref<1x4096xf32, #tpu.memory_space<any>>
    tpu.enqueue_dma source(%dma_start3A_15 : memref<1x4096xf32, #tpu.memory_space<any>>) target(%dma_start3A_12 : memref<1x4096xf32, #tpu.memory_space<vmem>>) target_semaphore(%arg7 : memref<!tpu.dma_semaphore, #tpu.memory_space<semaphore_mem>>)
    %get3A_16 = arith.constant 2 : index
    %get3A_17 = memref.load %arg0[%get3A_16] : memref<128xi32, #tpu.memory_space<smem>>
    %dma_start3A_18 = arith.constant 0 : i32
    %dma_start3A_19 = arith.constant 2 : i32
    %dma_start3A_20 = arith.constant 0 : i32
    %dma_start3A_21 = tpu.memref_slice %arg6[%dma_start3A_19, %dma_start3A_20] : memref<128x4096xf32, #tpu.memory_space<vmem>> -> memref<1x4096xf32, #tpu.memory_space<vmem>>
    %dma_start3A_22 = arith.constant 0 : i32
    %dma_start3A_23 = tpu.memref_slice %arg2[%get3A_17, %dma_start3A_18, %dma_start3A_22] : memref<2305x8x4096xf32, #tpu.memory_space<any>> -> memref<1x1x4096xf32, #tpu.memory_space<any>>
    %dma_start3A_24 = tpu.memref_squeeze %dma_start3A_23 : memref<1x1x4096xf32, #tpu.memory_space<any>> -> memref<1x4096xf32, #tpu.memory_space<any>>
    tpu.enqueue_dma source(%dma_start3A_24 : memref<1x4096xf32, #tpu.memory_space<any>>) target(%dma_start3A_21 : memref<1x4096xf32, #tpu.memory_space<vmem>>) target_semaphore(%arg7 : memref<!tpu.dma_semaphore, #tpu.memory_space<semaphore_mem>>)
    %get3A_25 = arith.constant 3 : index
    %get3A_26 = memref.load %arg0[%get3A_25] : memref<128xi32, #tpu.memory_space<smem>>
    %dma_start3A_27 = arith.constant 0 : i32
    %dma_start3A_28 = arith.constant 3 : i32
    %dma_start3A_29 = arith.constant 0 : i32
    %dma_start3A_30 = tpu.memref_slice %arg6[%dma_start3A_28, %dma_start3A_29] : memref<128x4096xf32, #tpu.memory_space<vmem>> -> memref<1x4096xf32, #tpu.memory_space<vmem>>
    %dma_start3A_31 = arith.constant 0 : i32
    %dma_start3A_32 = tpu.memref_slice %arg2[%get3A_26, %dma_start3A_27, %dma_start3A_31] : memref<2305x8x4096xf32, #tpu.memory_space<any>> -> memref<1x1x4096xf32, #tpu.memory_space<any>>
    %dma_start3A_33 = tpu.memref_squeeze %dma_start3A_32 : memref<1x1x4096xf32, #tpu.memory_space<any>> -> memref<1x4096xf32, #tpu.memory_space<any>>
    tpu.enqueue_dma source(%dma_start3A_33 : memref<1x4096xf32, #tpu.memory_space<any>>) target(%dma_start3A_30 : memref<1x4096xf32, #tpu.memory_space<vmem>>) target_semaphore(%arg7 : memref<!tpu.dma_semaphore, #tpu.memory_space<semaphore_mem>>)
    %get3A_34 = arith.constant 4 : index
    %get3A_35 = memref.load %arg0[%get3A_34] : memref<128xi32, #tpu.memory_space<smem>>
    %dma_start3A_36 = arith.constant 0 : i32
    %dma_start3A_37 = arith.constant 4 : i32
    %dma_start3A_38 = arith.constant 0 : i32
    %dma_start3A_39 = tpu.memref_slice %arg6[%dma_start3A_37, %dma_start3A_38] : memref<128x4096xf32, #tpu.memory_space<vmem>> -> memref<1x4096xf32, #tpu.memory_space<vmem>>
    %dma_start3A_40 = arith.constant 0 : i32
    %dma_start3A_41 = tpu.memref_slice %arg2[%get3A_35, %dma_start3A_36, %dma_start3A_40] : memref<2305x8x4096xf32, #tpu.memory_space<any>> -> memref<1x1x4096xf32, #tpu.memory_space<any>>
    %dma_start3A_42 = tpu.memref_squeeze %dma_start3A_41 : memref<1x1x4096xf32, #tpu.memory_space<any>> -> memref<1x4096xf32, #tpu.memory_space<any>>
    tpu.enqueue_dma source(%dma_start3A_42 : memref<1x4096xf32, #tpu.memory_space<any>>) target(%dma_start3A_39 : memref<1x4096xf32, #tpu.memory_space<vmem>>) target_semaphore(%arg7 : memref<!tpu.dma_semaphore, #tpu.memory_space<semaphore_mem>>)
    %get3A_43 = arith.constant 5 : index
    %get3A_44 = memref.load %arg0[%get3A_43] : memref<128xi32, #tpu.memory_space<smem>>
    %dma_start3A_45 = arith.constant 0 : i32
    %dma_start3A_46 = arith.constant 5 : i32
    %dma_start3A_47 = arith.constant 0 : i32
    %dma_start3A_48 = tpu.memref_slice %arg6[%dma_start3A_46, %dma_start3A_47] : memref<128x4096xf32, #tpu.memory_space<vmem>> -> memref<1x4096xf32, #tpu.memory_space<vmem>>
    %dma_start3A_49 = arith.constant 0 : i32
    %dma_start3A_50 = tpu.memref_slice %arg2[%get3A_44, %dma_start3A_45, %dma_start3A_49] : memref<2305x8x4096xf32, #tpu.memory_space<any>> -> memref<1x1x4096xf32, #tpu.memory_space<any>>
    %dma_start3A_51 = tpu.memref_squeeze %dma_start3A_50 : memref<1x1x4096xf32, #tpu.memory_space<any>> -> memref<1x4096xf32, #tpu.memory_space<any>>
    tpu.enqueue_dma source(%dma_start3A_51 : memref<1x4096xf32, #tpu.memory_space<any>>) target(%dma_start3A_48 : memref<1x4096xf32, #tpu.memory_space<vmem>>) target_semaphore(%arg7 : memref<!tpu.dma_semaphore, #tpu.memory_space<semaphore_mem>>)
    %get3A_52 = arith.constant 6 : index
    %get3A_53 = memref.load %arg0[%get3A_52] : memref<128xi32, #tpu.memory_space<smem>>
    %dma_start3A_54 = arith.constant 0 : i32
    %dma_start3A_55 = arith.constant 6 : i32
    %dma_start3A_56 = arith.constant 0 : i32
    %dma_start3A_57 = tpu.memref_slice %arg6[%dma_start3A_55, %dma_start3A_56] : memref<128x4096xf32, #tpu.memory_space<vmem>> -> memref<1x4096xf32, #tpu.memory_space<vmem>>
    %dma_start3A_58 = arith.constant 0 : i32
    %dma_start3A_59 = tpu.memref_slice %arg2[%get3A_53, %dma_start3A_54, %dma_start3A_58] : memref<2305x8x4096xf32, #tpu.memory_space<any>> -> memref<1x1x4096xf32, #tpu.memory_space<any>>
    %dma_start3A_60 = tpu.memref_squeeze %dma_start3A_59 : memref<1x1x4096xf32, #tpu.memory_space<any>> -> memref<1x4096xf32, #tpu.memory_space<any>>
    tpu.enqueue_dma source(%dma_start3A_60 : memref<1x4096xf32, #tpu.memory_space<any>>) target(%dma_start3A_57 : memref<1x4096xf32, #tpu.memory_space<vmem>>) target_semaphore(%arg7 : memref<!tpu.dma_semaphore, #tpu.memory_space<semaphore_mem>>)
    %get3A_61 = arith.constant 7 : index
    %get3A_62 = memref.load %arg0[%get3A_61] : memref<128xi32, #tpu.memory_space<smem>>
    %dma_start3A_63 = arith.constant 0 : i32
    %dma_start3A_64 = arith.constant 7 : i32
    %dma_start3A_65 = arith.constant 0 : i32
    %dma_start3A_66 = tpu.memref_slice %arg6[%dma_start3A_64, %dma_start3A_65] : memref<128x4096xf32, #tpu.memory_space<vmem>> -> memref<1x4096xf32, #tpu.memory_space<vmem>>
    %dma_start3A_67 = arith.constant 0 : i32
    %dma_start3A_68 = tpu.memref_slice %arg2[%get3A_62, %dma_start3A_63, %dma_start3A_67] : memref<2305x8x4096xf32, #tpu.memory_space<any>> -> memref<1x1x4096xf32, #tpu.memory_space<any>>
    %dma_start3A_69 = tpu.memref_squeeze %dma_start3A_68 : memref<1x1x4096xf32, #tpu.memory_space<any>> -> memref<1x4096xf32, #tpu.memory_space<any>>
    tpu.enqueue_dma source(%dma_start3A_69 : memref<1x4096xf32, #tpu.memory_space<any>>) target(%dma_start3A_66 : memref<1x4096xf32, #tpu.memory_space<vmem>>) target_semaphore(%arg7 : memref<!tpu.dma_semaphore, #tpu.memory_space<semaphore_mem>>)
    %get3A_70 = arith.constant 8 : index
    %get3A_71 = memref.load %arg0[%get3A_70] : memref<128xi32, #tpu.memory_space<smem>>
    %dma_start3A_72 = arith.constant 0 : i32
    %dma_start3A_73 = arith.constant 8 : i32
    %dma_start3A_74 = arith.constant 0 : i32
    %dma_start3A_75 = tpu.memref_slice %arg6[%dma_start3A_73, %dma_start3A_74] : memref<128x4096xf32, #tpu.memory_space<vmem>> -> memref<1x4096xf32, #tpu.memory_space<vmem>>
    %dma_start3A_76 = arith.constant 0 : i32
    %dma_start3A_77 = tpu.memref_slice %arg2[%get3A_71, %dma_start3A_72, %dma_start3A_76] : memref<2305x8x4096xf32, #tpu.memory_space<any>> -> memref<1x1x4096xf32, #tpu.memory_space<any>>
    %dma_start3A_78 = tpu.memref_squeeze %dma_start3A_77 : memref<1x1x4096xf32, #tpu.memory_space<any>> -> memref<1x4096xf32, #tpu.memory_space<any>>
    tpu.enqueue_dma source(%dma_start3A_78 : memref<1x4096xf32, #tpu.memory_space<any>>) target(%dma_start3A_75 : memref<1x4096xf32, #tpu.memory_space<vmem>>) target_semaphore(%arg7 : memref<!tpu.dma_semaphore, #tpu.memory_space<semaphore_mem>>)
    %get3A_79 = arith.constant 9 : index
    %get3A_80 = memref.load %arg0[%get3A_79] : memref<128xi32, #tpu.memory_space<smem>>
    %dma_start3A_81 = arith.constant 0 : i32
    %dma_start3A_82 = arith.constant 9 : i32
    %dma_start3A_83 = arith.constant 0 : i32
    %dma_start3A_84 = tpu.memref_slice %arg6[%dma_start3A_82, %dma_start3A_83] : memref<128x4096xf32, #tpu.memory_space<vmem>> -> memref<1x4096xf32, #tpu.memory_space<vmem>>
    %dma_start3A_85 = arith.constant 0 : i32
    %dma_start3A_86 = tpu.memref_slice %arg2[%get3A_80, %dma_start3A_81, %dma_start3A_85] : memref<2305x8x4096xf32, #tpu.memory_space<any>> -> memref<1x1x4096xf32, #tpu.memory_space<any>>
    %dma_start3A_87 = tpu.memref_squeeze %dma_start3A_86 : memref<1x1x4096xf32, #tpu.memory_space<any>> -> memref<1x4096xf32, #tpu.memory_space<any>>
    tpu.enqueue_dma source(%dma_start3A_87 : memref<1x4096xf32, #tpu.memory_space<any>>) target(%dma_start3A_84 : memref<1x4096xf32, #tpu.memory_space<vmem>>) target_semaphore(%arg7 : memref<!tpu.dma_semaphore, #tpu.memory_space<semaphore_mem>>)
    %get3A_88 = arith.constant 10 : index
    %get3A_89 = memref.load %arg0[%get3A_88] : memref<128xi32, #tpu.memory_space<smem>>
    %dma_start3A_90 = arith.constant 0 : i32
    %dma_start3A_91 = arith.constant 10 : i32
    %dma_start3A_92 = arith.constant 0 : i32
    %dma_start3A_93 = tpu.memref_slice %arg6[%dma_start3A_91, %dma_start3A_92] : memref<128x4096xf32, #tpu.memory_space<vmem>> -> memref<1x4096xf32, #tpu.memory_space<vmem>>
    %dma_start3A_94 = arith.constant 0 : i32
    %dma_start3A_95 = tpu.memref_slice %arg2[%get3A_89, %dma_start3A_90, %dma_start3A_94] : memref<2305x8x4096xf32, #tpu.memory_space<any>> -> memref<1x1x4096xf32, #tpu.memory_space<any>>
    %dma_start3A_96 = tpu.memref_squeeze %dma_start3A_95 : memref<1x1x4096xf32, #tpu.memory_space<any>> -> memref<1x4096xf32, #tpu.memory_space<any>>
    tpu.enqueue_dma source(%dma_start3A_96 : memref<1x4096xf32, #tpu.memory_space<any>>) target(%dma_start3A_93 : memref<1x4096xf32, #tpu.memory_space<vmem>>) target_semaphore(%arg7 : memref<!tpu.dma_semaphore, #tpu.memory_space<semaphore_mem>>)
    %get3A_97 = arith.constant 11 : index
    %get3A_98 = memref.load %arg0[%get3A_97] : memref<128xi32, #tpu.memory_space<smem>>
    %dma_start3A_99 = arith.constant 0 : i32
    %dma_start3A_100 = arith.constant 11 : i32
    %dma_start3A_101 = arith.constant 0 : i32
    %dma_start3A_102 = tpu.memref_slice %arg6[%dma_start3A_100, %dma_start3A_101] : memref<128x4096xf32, #tpu.memory_space<vmem>> -> memref<1x4096xf32, #tpu.memory_space<vmem>>
    %dma_start3A_103 = arith.constant 0 : i32
    %dma_start3A_104 = tpu.memref_slice %arg2[%get3A_98, %dma_start3A_99, %dma_start3A_103] : memref<2305x8x4096xf32, #tpu.memory_space<any>> -> memref<1x1x4096xf32, #tpu.memory_space<any>>
    %dma_start3A_105 = tpu.memref_squeeze %dma_start3A_104 : memref<1x1x4096xf32, #tpu.memory_space<any>> -> memref<1x4096xf32, #tpu.memory_space<any>>
    tpu.enqueue_dma source(%dma_start3A_105 : memref<1x4096xf32, #tpu.memory_space<any>>) target(%dma_start3A_102 : memref<1x4096xf32, #tpu.memory_space<vmem>>) target_semaphore(%arg7 : memref<!tpu.dma_semaphore, #tpu.memory_space<semaphore_mem>>)
    %get3A_106 = arith.constant 12 : index
    %get3A_107 = memref.load %arg0[%get3A_106] : memref<128xi32, #tpu.memory_space<smem>>
    %dma_start3A_108 = arith.constant 0 : i32
    %dma_start3A_109 = arith.constant 12 : i32
    %dma_start3A_110 = arith.constant 0 : i32
    %dma_start3A_111 = tpu.memref_slice %arg6[%dma_start3A_109, %dma_start3A_110] : memref<128x4096xf32, #tpu.memory_space<vmem>> -> memref<1x4096xf32, #tpu.memory_space<vmem>>
    %dma_start3A_112 = arith.constant 0 : i32
    %dma_start3A_113 = tpu.memref_slice %arg2[%get3A_107, %dma_start3A_108, %dma_start3A_112] : memref<2305x8x4096xf32, #tpu.memory_space<any>> -> memref<1x1x4096xf32, #tpu.memory_space<any>>
    %dma_start3A_114 = tpu.memref_squeeze %dma_start3A_113 : memref<1x1x4096xf32, #tpu.memory_space<any>> -> memref<1x4096xf32, #tpu.memory_space<any>>
    tpu.enqueue_dma source(%dma_start3A_114 : memref<1x4096xf32, #tpu.memory_space<any>>) target(%dma_start3A_111 : memref<1x4096xf32, #tpu.memory_space<vmem>>) target_semaphore(%arg7 : memref<!tpu.dma_semaphore, #tpu.memory_space<semaphore_mem>>)
    %get3A_115 = arith.constant 13 : index
    %get3A_116 = memref.load %arg0[%get3A_115] : memref<128xi32, #tpu.memory_space<smem>>
    %dma_start3A_117 = arith.constant 0 : i32
    %dma_start3A_118 = arith.constant 13 : i32
    %dma_start3A_119 = arith.constant 0 : i32
    %dma_start3A_120 = tpu.memref_slice %arg6[%dma_start3A_118, %dma_start3A_119] : memref<128x4096xf32, #tpu.memory_space<vmem>> -> memref<1x4096xf32, #tpu.memory_space<vmem>>
    %dma_start3A_121 = arith.constant 0 : i32
    %dma_start3A_122 = tpu.memref_slice %arg2[%get3A_116, %dma_start3A_117, %dma_start3A_121] : memref<2305x8x4096xf32, #tpu.memory_space<any>> -> memref<1x1x4096xf32, #tpu.memory_space<any>>
    %dma_start3A_123 = tpu.memref_squeeze %dma_start3A_122 : memref<1x1x4096xf32, #tpu.memory_space<any>> -> memref<1x4096xf32, #tpu.memory_space<any>>
    tpu.enqueue_dma source(%dma_start3A_123 : memref<1x4096xf32, #tpu.memory_space<any>>) target(%dma_start3A_120 : memref<1x4096xf32, #tpu.memory_space<vmem>>) target_semaphore(%arg7 : memref<!tpu.dma_semaphore, #tpu.memory_space<semaphore_mem>>)
    %get3A_124 = arith.constant 14 : index
    %get3A_125 = memref.load %arg0[%get3A_124] : memref<128xi32, #tpu.memory_space<smem>>
    %dma_start3A_126 = arith.constant 0 : i32
    %dma_start3A_127 = arith.constant 14 : i32
    %dma_start3A_128 = arith.constant 0 : i32
    %dma_start3A_129 = tpu.memref_slice %arg6[%dma_start3A_127, %dma_start3A_128] : memref<128x4096xf32, #tpu.memory_space<vmem>> -> memref<1x4096xf32, #tpu.memory_space<vmem>>
    %dma_start3A_130 = arith.constant 0 : i32
    %dma_start3A_131 = tpu.memref_slice %arg2[%get3A_125, %dma_start3A_126, %dma_start3A_130] : memref<2305x8x4096xf32, #tpu.memory_space<any>> -> memref<1x1x4096xf32, #tpu.memory_space<any>>
    %dma_start3A_132 = tpu.memref_squeeze %dma_start3A_131 : memref<1x1x4096xf32, #tpu.memory_space<any>> -> memref<1x4096xf32, #tpu.memory_space<any>>
    tpu.enqueue_dma source(%dma_start3A_132 : memref<1x4096xf32, #tpu.memory_space<any>>) target(%dma_start3A_129 : memref<1x4096xf32, #tpu.memory_space<vmem>>) target_semaphore(%arg7 : memref<!tpu.dma_semaphore, #tpu.memory_space<semaphore_mem>>)
    %get3A_133 = arith.constant 15 : index
    %get3A_134 = memref.load %arg0[%get3A_133] : memref<128xi32, #tpu.memory_space<smem>>
    %dma_start3A_135 = arith.constant 0 : i32
    %dma_start3A_136 = arith.constant 15 : i32
    %dma_start3A_137 = arith.constant 0 : i32
    %dma_start3A_138 = tpu.memref_slice %arg6[%dma_start3A_136, %dma_start3A_137] : memref<128x4096xf32, #tpu.memory_space<vmem>> -> memref<1x4096xf32, #tpu.memory_space<vmem>>
    %dma_start3A_139 = arith.constant 0 : i32
    %dma_start3A_140 = tpu.memref_slice %arg2[%get3A_134, %dma_start3A_135, %dma_start3A_139] : memref<2305x8x4096xf32, #tpu.memory_space<any>> -> memref<1x1x4096xf32, #tpu.memory_space<any>>
    %dma_start3A_141 = tpu.memref_squeeze %dma_start3A_140 : memref<1x1x4096xf32, #tpu.memory_space<any>> -> memref<1x4096xf32, #tpu.memory_space<any>>
    tpu.enqueue_dma source(%dma_start3A_141 : memref<1x4096xf32, #tpu.memory_space<any>>) target(%dma_start3A_138 : memref<1x4096xf32, #tpu.memory_space<vmem>>) target_semaphore(%arg7 : memref<!tpu.dma_semaphore, #tpu.memory_space<semaphore_mem>>)
    %get3A_142 = arith.constant 16 : index
    %get3A_143 = memref.load %arg0[%get3A_142] : memref<128xi32, #tpu.memory_space<smem>>
    %dma_start3A_144 = arith.constant 1 : i32
    %dma_start3A_145 = arith.constant 16 : i32
    %dma_start3A_146 = arith.constant 0 : i32
    %dma_start3A_147 = tpu.memref_slice %arg6[%dma_start3A_145, %dma_start3A_146] : memref<128x4096xf32, #tpu.memory_space<vmem>> -> memref<1x4096xf32, #tpu.memory_space<vmem>>
    %dma_start3A_148 = arith.constant 0 : i32
    %dma_start3A_149 = tpu.memref_slice %arg2[%get3A_143, %dma_start3A_144, %dma_start3A_148] : memref<2305x8x4096xf32, #tpu.memory_space<any>> -> memref<1x1x4096xf32, #tpu.memory_space<any>>
    %dma_start3A_150 = tpu.memref_squeeze %dma_start3A_149 : memref<1x1x4096xf32, #tpu.memory_space<any>> -> memref<1x4096xf32, #tpu.memory_space<any>>
    tpu.enqueue_dma source(%dma_start3A_150 : memref<1x4096xf32, #tpu.memory_space<any>>) target(%dma_start3A_147 : memref<1x4096xf32, #tpu.memory_space<vmem>>) target_semaphore(%arg7 : memref<!tpu.dma_semaphore, #tpu.memory_space<semaphore_mem>>)
    %get3A_151 = arith.constant 17 : index
    %get3A_152 = memref.load %arg0[%get3A_151] : memref<128xi32, #tpu.memory_space<smem>>
    %dma_start3A_153 = arith.constant 1 : i32
    %dma_start3A_154 = arith.constant 17 : i32
    %dma_start3A_155 = arith.constant 0 : i32
    %dma_start3A_156 = tpu.memref_slice %arg6[%dma_start3A_154, %dma_start3A_155] : memref<128x4096xf32, #tpu.memory_space<vmem>> -> memref<1x4096xf32, #tpu.memory_space<vmem>>
    %dma_start3A_157 = arith.constant 0 : i32
    %dma_start3A_158 = tpu.memref_slice %arg2[%get3A_152, %dma_start3A_153, %dma_start3A_157] : memref<2305x8x4096xf32, #tpu.memory_space<any>> -> memref<1x1x4096xf32, #tpu.memory_space<any>>
    %dma_start3A_159 = tpu.memref_squeeze %dma_start3A_158 : memref<1x1x4096xf32, #tpu.memory_space<any>> -> memref<1x4096xf32, #tpu.memory_space<any>>
    tpu.enqueue_dma source(%dma_start3A_159 : memref<1x4096xf32, #tpu.memory_space<any>>) target(%dma_start3A_156 : memref<1x4096xf32, #tpu.memory_space<vmem>>) target_semaphore(%arg7 : memref<!tpu.dma_semaphore, #tpu.memory_space<semaphore_mem>>)
    %get3A_160 = arith.constant 18 : index
    %get3A_161 = memref.load %arg0[%get3A_160] : memref<128xi32, #tpu.memory_space<smem>>
    %dma_start3A_162 = arith.constant 1 : i32
    %dma_start3A_163 = arith.constant 18 : i32
    %dma_start3A_164 = arith.constant 0 : i32
    %dma_start3A_165 = tpu.memref_slice %arg6[%dma_start3A_163, %dma_start3A_164] : memref<128x4096xf32, #tpu.memory_space<vmem>> -> memref<1x4096xf32, #tpu.memory_space<vmem>>
    %dma_start3A_166 = arith.constant 0 : i32
    %dma_start3A_167 = tpu.memref_slice %arg2[%get3A_161, %dma_start3A_162, %dma_start3A_166] : memref<2305x8x4096xf32, #tpu.memory_space<any>> -> memref<1x1x4096xf32, #tpu.memory_space<any>>
    %dma_start3A_168 = tpu.memref_squeeze %dma_start3A_167 : memref<1x1x4096xf32, #tpu.memory_space<any>> -> memref<1x4096xf32, #tpu.memory_space<any>>
    tpu.enqueue_dma source(%dma_start3A_168 : memref<1x4096xf32, #tpu.memory_space<any>>) target(%dma_start3A_165 : memref<1x4096xf32, #tpu.memory_space<vmem>>) target_semaphore(%arg7 : memref<!tpu.dma_semaphore, #tpu.memory_space<semaphore_mem>>)
    %get3A_169 = arith.constant 19 : index
    %get3A_170 = memref.load %arg0[%get3A_169] : memref<128xi32, #tpu.memory_space<smem>>
    %dma_start3A_171 = arith.constant 1 : i32
    %dma_start3A_172 = arith.constant 19 : i32
    %dma_start3A_173 = arith.constant 0 : i32
    %dma_start3A_174 = tpu.memref_slice %arg6[%dma_start3A_172, %dma_start3A_173] : memref<128x4096xf32, #tpu.memory_space<vmem>> -> memref<1x4096xf32, #tpu.memory_space<vmem>>
    %dma_start3A_175 = arith.constant 0 : i32
    %dma_start3A_176 = tpu.memref_slice %arg2[%get3A_170, %dma_start3A_171, %dma_start3A_175] : memref<2305x8x4096xf32, #tpu.memory_space<any>> -> memref<1x1x4096xf32, #tpu.memory_space<any>>
    %dma_start3A_177 = tpu.memref_squeeze %dma_start3A_176 : memref<1x1x4096xf32, #tpu.memory_space<any>> -> memref<1x4096xf32, #tpu.memory_space<any>>
    tpu.enqueue_dma source(%dma_start3A_177 : memref<1x4096xf32, #tpu.memory_space<any>>) target(%dma_start3A_174 : memref<1x4096xf32, #tpu.memory_space<vmem>>) target_semaphore(%arg7 : memref<!tpu.dma_semaphore, #tpu.memory_space<semaphore_mem>>)
    %get3A_178 = arith.constant 20 : index
    %get3A_179 = memref.load %arg0[%get3A_178] : memref<128xi32, #tpu.memory_space<smem>>
    %dma_start3A_180 = arith.constant 1 : i32
    %dma_start3A_181 = arith.constant 20 : i32
    %dma_start3A_182 = arith.constant 0 : i32
    %dma_start3A_183 = tpu.memref_slice %arg6[%dma_start3A_181, %dma_start3A_182] : memref<128x4096xf32, #tpu.memory_space<vmem>> -> memref<1x4096xf32, #tpu.memory_space<vmem>>
    %dma_start3A_184 = arith.constant 0 : i32
    %dma_start3A_185 = tpu.memref_slice %arg2[%get3A_179, %dma_start3A_180, %dma_start3A_184] : memref<2305x8x4096xf32, #tpu.memory_space<any>> -> memref<1x1x4096xf32, #tpu.memory_space<any>>
    %dma_start3A_186 = tpu.memref_squeeze %dma_start3A_185 : memref<1x1x4096xf32, #tpu.memory_space<any>> -> memref<1x4096xf32, #tpu.memory_space<any>>
    tpu.enqueue_dma source(%dma_start3A_186 : memref<1x4096xf32, #tpu.memory_space<any>>) target(%dma_start3A_183 : memref<1x4096xf32, #tpu.memory_space<vmem>>) target_semaphore(%arg7 : memref<!tpu.dma_semaphore, #tpu.memory_space<semaphore_mem>>)
    %get3A_187 = arith.constant 21 : index
    %get3A_188 = memref.load %arg0[%get3A_187] : memref<128xi32, #tpu.memory_space<smem>>
    %dma_start3A_189 = arith.constant 1 : i32
    %dma_start3A_190 = arith.constant 21 : i32
    %dma_start3A_191 = arith.constant 0 : i32
    %dma_start3A_192 = tpu.memref_slice %arg6[%dma_start3A_190, %dma_start3A_191] : memref<128x4096xf32, #tpu.memory_space<vmem>> -> memref<1x4096xf32, #tpu.memory_space<vmem>>
    %dma_start3A_193 = arith.constant 0 : i32
    %dma_start3A_194 = tpu.memref_slice %arg2[%get3A_188, %dma_start3A_189, %dma_start3A_193] : memref<2305x8x4096xf32, #tpu.memory_space<any>> -> memref<1x1x4096xf32, #tpu.memory_space<any>>
    %dma_start3A_195 = tpu.memref_squeeze %dma_start3A_194 : memref<1x1x4096xf32, #tpu.memory_space<any>> -> memref<1x4096xf32, #tpu.memory_space<any>>
    tpu.enqueue_dma source(%dma_start3A_195 : memref<1x4096xf32, #tpu.memory_space<any>>) target(%dma_start3A_192 : memref<1x4096xf32, #tpu.memory_space<vmem>>) target_semaphore(%arg7 : memref<!tpu.dma_semaphore, #tpu.memory_space<semaphore_mem>>)
    %get3A_196 = arith.constant 22 : index
    %get3A_197 = memref.load %arg0[%get3A_196] : memref<128xi32, #tpu.memory_space<smem>>
    %dma_start3A_198 = arith.constant 1 : i32
    %dma_start3A_199 = arith.constant 22 : i32
    %dma_start3A_200 = arith.constant 0 : i32
    %dma_start3A_201 = tpu.memref_slice %arg6[%dma_start3A_199, %dma_start3A_200] : memref<128x4096xf32, #tpu.memory_space<vmem>> -> memref<1x4096xf32, #tpu.memory_space<vmem>>
    %dma_start3A_202 = arith.constant 0 : i32
    %dma_start3A_203 = tpu.memref_slice %arg2[%get3A_197, %dma_start3A_198, %dma_start3A_202] : memref<2305x8x4096xf32, #tpu.memory_space<any>> -> memref<1x1x4096xf32, #tpu.memory_space<any>>
    %dma_start3A_204 = tpu.memref_squeeze %dma_start3A_203 : memref<1x1x4096xf32, #tpu.memory_space<any>> -> memref<1x4096xf32, #tpu.memory_space<any>>
    tpu.enqueue_dma source(%dma_start3A_204 : memref<1x4096xf32, #tpu.memory_space<any>>) target(%dma_start3A_201 : memref<1x4096xf32, #tpu.memory_space<vmem>>) target_semaphore(%arg7 : memref<!tpu.dma_semaphore, #tpu.memory_space<semaphore_mem>>)
    %get3A_205 = arith.constant 23 : index
    %get3A_206 = memref.load %arg0[%get3A_205] : memref<128xi32, #tpu.memory_space<smem>>
    %dma_start3A_207 = arith.constant 1 : i32
    %dma_start3A_208 = arith.constant 23 : i32
    %dma_start3A_209 = arith.constant 0 : i32
    %dma_start3A_210 = tpu.memref_slice %arg6[%dma_start3A_208, %dma_start3A_209] : memref<128x4096xf32, #tpu.memory_space<vmem>> -> memref<1x4096xf32, #tpu.memory_space<vmem>>
    %dma_start3A_211 = arith.constant 0 : i32
    %dma_start3A_212 = tpu.memref_slice %arg2[%get3A_206, %dma_start3A_207, %dma_start3A_211] : memref<2305x8x4096xf32, #tpu.memory_space<any>> -> memref<1x1x4096xf32, #tpu.memory_space<any>>
    %dma_start3A_213 = tpu.memref_squeeze %dma_start3A_212 : memref<1x1x4096xf32, #tpu.memory_space<any>> -> memref<1x4096xf32, #tpu.memory_space<any>>
    tpu.enqueue_dma source(%dma_start3A_213 : memref<1x4096xf32, #tpu.memory_space<any>>) target(%dma_start3A_210 : memref<1x4096xf32, #tpu.memory_space<vmem>>) target_semaphore(%arg7 : memref<!tpu.dma_semaphore, #tpu.memory_space<semaphore_mem>>)
    %get3A_214 = arith.constant 24 : index
    %get3A_215 = memref.load %arg0[%get3A_214] : memref<128xi32, #tpu.memory_space<smem>>
    %dma_start3A_216 = arith.constant 1 : i32
    %dma_start3A_217 = arith.constant 24 : i32
    %dma_start3A_218 = arith.constant 0 : i32
    %dma_start3A_219 = tpu.memref_slice %arg6[%dma_start3A_217, %dma_start3A_218] : memref<128x4096xf32, #tpu.memory_space<vmem>> -> memref<1x4096xf32, #tpu.memory_space<vmem>>
    %dma_start3A_220 = arith.constant 0 : i32
    %dma_start3A_221 = tpu.memref_slice %arg2[%get3A_215, %dma_start3A_216, %dma_start3A_220] : memref<2305x8x4096xf32, #tpu.memory_space<any>> -> memref<1x1x4096xf32, #tpu.memory_space<any>>
    %dma_start3A_222 = tpu.memref_squeeze %dma_start3A_221 : memref<1x1x4096xf32, #tpu.memory_space<any>> -> memref<1x4096xf32, #tpu.memory_space<any>>
    tpu.enqueue_dma source(%dma_start3A_222 : memref<1x4096xf32, #tpu.memory_space<any>>) target(%dma_start3A_219 : memref<1x4096xf32, #tpu.memory_space<vmem>>) target_semaphore(%arg7 : memref<!tpu.dma_semaphore, #tpu.memory_space<semaphore_mem>>)
    %get3A_223 = arith.constant 25 : index
    %get3A_224 = memref.load %arg0[%get3A_223] : memref<128xi32, #tpu.memory_space<smem>>
    %dma_start3A_225 = arith.constant 1 : i32
    %dma_start3A_226 = arith.constant 25 : i32
    %dma_start3A_227 = arith.constant 0 : i32
    %dma_start3A_228 = tpu.memref_slice %arg6[%dma_start3A_226, %dma_start3A_227] : memref<128x4096xf32, #tpu.memory_space<vmem>> -> memref<1x4096xf32, #tpu.memory_space<vmem>>
    %dma_start3A_229 = arith.constant 0 : i32
    %dma_start3A_230 = tpu.memref_slice %arg2[%get3A_224, %dma_start3A_225, %dma_start3A_229] : memref<2305x8x4096xf32, #tpu.memory_space<any>> -> memref<1x1x4096xf32, #tpu.memory_space<any>>
    %dma_start3A_231 = tpu.memref_squeeze %dma_start3A_230 : memref<1x1x4096xf32, #tpu.memory_space<any>> -> memref<1x4096xf32, #tpu.memory_space<any>>
    tpu.enqueue_dma source(%dma_start3A_231 : memref<1x4096xf32, #tpu.memory_space<any>>) target(%dma_start3A_228 : memref<1x4096xf32, #tpu.memory_space<vmem>>) target_semaphore(%arg7 : memref<!tpu.dma_semaphore, #tpu.memory_space<semaphore_mem>>)
    %get3A_232 = arith.constant 26 : index
    %get3A_233 = memref.load %arg0[%get3A_232] : memref<128xi32, #tpu.memory_space<smem>>
    %dma_start3A_234 = arith.constant 1 : i32
    %dma_start3A_235 = arith.constant 26 : i32
    %dma_start3A_236 = arith.constant 0 : i32
    %dma_start3A_237 = tpu.memref_slice %arg6[%dma_start3A_235, %dma_start3A_236] : memref<128x4096xf32, #tpu.memory_space<vmem>> -> memref<1x4096xf32, #tpu.memory_space<vmem>>
    %dma_start3A_238 = arith.constant 0 : i32
    %dma_start3A_239 = tpu.memref_slice %arg2[%get3A_233, %dma_start3A_234, %dma_start3A_238] : memref<2305x8x4096xf32, #tpu.memory_space<any>> -> memref<1x1x4096xf32, #tpu.memory_space<any>>
    %dma_start3A_240 = tpu.memref_squeeze %dma_start3A_239 : memref<1x1x4096xf32, #tpu.memory_space<any>> -> memref<1x4096xf32, #tpu.memory_space<any>>
    tpu.enqueue_dma source(%dma_start3A_240 : memref<1x4096xf32, #tpu.memory_space<any>>) target(%dma_start3A_237 : memref<1x4096xf32, #tpu.memory_space<vmem>>) target_semaphore(%arg7 : memref<!tpu.dma_semaphore, #tpu.memory_space<semaphore_mem>>)
    %get3A_241 = arith.constant 27 : index
    %get3A_242 = memref.load %arg0[%get3A_241] : memref<128xi32, #tpu.memory_space<smem>>
    %dma_start3A_243 = arith.constant 1 : i32
    %dma_start3A_244 = arith.constant 27 : i32
    %dma_start3A_245 = arith.constant 0 : i32
    %dma_start3A_246 = tpu.memref_slice %arg6[%dma_start3A_244, %dma_start3A_245] : memref<128x4096xf32, #tpu.memory_space<vmem>> -> memref<1x4096xf32, #tpu.memory_space<vmem>>
    %dma_start3A_247 = arith.constant 0 : i32
    %dma_start3A_248 = tpu.memref_slice %arg2[%get3A_242, %dma_start3A_243, %dma_start3A_247] : memref<2305x8x4096xf32, #tpu.memory_space<any>> -> memref<1x1x4096xf32, #tpu.memory_space<any>>
    %dma_start3A_249 = tpu.memref_squeeze %dma_start3A_248 : memref<1x1x4096xf32, #tpu.memory_space<any>> -> memref<1x4096xf32, #tpu.memory_space<any>>
    tpu.enqueue_dma source(%dma_start3A_249 : memref<1x4096xf32, #tpu.memory_space<any>>) target(%dma_start3A_246 : memref<1x4096xf32, #tpu.memory_space<vmem>>) target_semaphore(%arg7 : memref<!tpu.dma_semaphore, #tpu.memory_space<semaphore_mem>>)
    %get3A_250 = arith.constant 28 : index
    %get3A_251 = memref.load %arg0[%get3A_250] : memref<128xi32, #tpu.memory_space<smem>>
    %dma_start3A_252 = arith.constant 1 : i32
    %dma_start3A_253 = arith.constant 28 : i32
    %dma_start3A_254 = arith.constant 0 : i32
    %dma_start3A_255 = tpu.memref_slice %arg6[%dma_start3A_253, %dma_start3A_254] : memref<128x4096xf32, #tpu.memory_space<vmem>> -> memref<1x4096xf32, #tpu.memory_space<vmem>>
    %dma_start3A_256 = arith.constant 0 : i32
    %dma_start3A_257 = tpu.memref_slice %arg2[%get3A_251, %dma_start3A_252, %dma_start3A_256] : memref<2305x8x4096xf32, #tpu.memory_space<any>> -> memref<1x1x4096xf32, #tpu.memory_space<any>>
    %dma_start3A_258 = tpu.memref_squeeze %dma_start3A_257 : memref<1x1x4096xf32, #tpu.memory_space<any>> -> memref<1x4096xf32, #tpu.memory_space<any>>
    tpu.enqueue_dma source(%dma_start3A_258 : memref<1x4096xf32, #tpu.memory_space<any>>) target(%dma_start3A_255 : memref<1x4096xf32, #tpu.memory_space<vmem>>) target_semaphore(%arg7 : memref<!tpu.dma_semaphore, #tpu.memory_space<semaphore_mem>>)
    %get3A_259 = arith.constant 29 : index
    %get3A_260 = memref.load %arg0[%get3A_259] : memref<128xi32, #tpu.memory_space<smem>>
    %dma_start3A_261 = arith.constant 1 : i32
    %dma_start3A_262 = arith.constant 29 : i32
    %dma_start3A_263 = arith.constant 0 : i32
    %dma_start3A_264 = tpu.memref_slice %arg6[%dma_start3A_262, %dma_start3A_263] : memref<128x4096xf32, #tpu.memory_space<vmem>> -> memref<1x4096xf32, #tpu.memory_space<vmem>>
    %dma_start3A_265 = arith.constant 0 : i32
    %dma_start3A_266 = tpu.memref_slice %arg2[%get3A_260, %dma_start3A_261, %dma_start3A_265] : memref<2305x8x4096xf32, #tpu.memory_space<any>> -> memref<1x1x4096xf32, #tpu.memory_space<any>>
    %dma_start3A_267 = tpu.memref_squeeze %dma_start3A_266 : memref<1x1x4096xf32, #tpu.memory_space<any>> -> memref<1x4096xf32, #tpu.memory_space<any>>
    tpu.enqueue_dma source(%dma_start3A_267 : memref<1x4096xf32, #tpu.memory_space<any>>) target(%dma_start3A_264 : memref<1x4096xf32, #tpu.memory_space<vmem>>) target_semaphore(%arg7 : memref<!tpu.dma_semaphore, #tpu.memory_space<semaphore_mem>>)
    %get3A_268 = arith.constant 30 : index
    %get3A_269 = memref.load %arg0[%get3A_268] : memref<128xi32, #tpu.memory_space<smem>>
    %dma_start3A_270 = arith.constant 1 : i32
    %dma_start3A_271 = arith.constant 30 : i32
    %dma_start3A_272 = arith.constant 0 : i32
    %dma_start3A_273 = tpu.memref_slice %arg6[%dma_start3A_271, %dma_start3A_272] : memref<128x4096xf32, #tpu.memory_space<vmem>> -> memref<1x4096xf32, #tpu.memory_space<vmem>>
    %dma_start3A_274 = arith.constant 0 : i32
    %dma_start3A_275 = tpu.memref_slice %arg2[%get3A_269, %dma_start3A_270, %dma_start3A_274] : memref<2305x8x4096xf32, #tpu.memory_space<any>> -> memref<1x1x4096xf32, #tpu.memory_space<any>>
    %dma_start3A_276 = tpu.memref_squeeze %dma_start3A_275 : memref<1x1x4096xf32, #tpu.memory_space<any>> -> memref<1x4096xf32, #tpu.memory_space<any>>
    tpu.enqueue_dma source(%dma_start3A_276 : memref<1x4096xf32, #tpu.memory_space<any>>) target(%dma_start3A_273 : memref<1x4096xf32, #tpu.memory_space<vmem>>) target_semaphore(%arg7 : memref<!tpu.dma_semaphore, #tpu.memory_space<semaphore_mem>>)
    %get3A_277 = arith.constant 31 : index
    %get3A_278 = memref.load %arg0[%get3A_277] : memref<128xi32, #tpu.memory_space<smem>>
    %dma_start3A_279 = arith.constant 1 : i32
    %dma_start3A_280 = arith.constant 31 : i32
    %dma_start3A_281 = arith.constant 0 : i32
    %dma_start3A_282 = tpu.memref_slice %arg6[%dma_start3A_280, %dma_start3A_281] : memref<128x4096xf32, #tpu.memory_space<vmem>> -> memref<1x4096xf32, #tpu.memory_space<vmem>>
    %dma_start3A_283 = arith.constant 0 : i32
    %dma_start3A_284 = tpu.memref_slice %arg2[%get3A_278, %dma_start3A_279, %dma_start3A_283] : memref<2305x8x4096xf32, #tpu.memory_space<any>> -> memref<1x1x4096xf32, #tpu.memory_space<any>>
    %dma_start3A_285 = tpu.memref_squeeze %dma_start3A_284 : memref<1x1x4096xf32, #tpu.memory_space<any>> -> memref<1x4096xf32, #tpu.memory_space<any>>
    tpu.enqueue_dma source(%dma_start3A_285 : memref<1x4096xf32, #tpu.memory_space<any>>) target(%dma_start3A_282 : memref<1x4096xf32, #tpu.memory_space<vmem>>) target_semaphore(%arg7 : memref<!tpu.dma_semaphore, #tpu.memory_space<semaphore_mem>>)
    %get3A_286 = arith.constant 32 : index
    %get3A_287 = memref.load %arg0[%get3A_286] : memref<128xi32, #tpu.memory_space<smem>>
    %dma_start3A_288 = arith.constant 2 : i32
    %dma_start3A_289 = arith.constant 32 : i32
    %dma_start3A_290 = arith.constant 0 : i32
    %dma_start3A_291 = tpu.memref_slice %arg6[%dma_start3A_289, %dma_start3A_290] : memref<128x4096xf32, #tpu.memory_space<vmem>> -> memref<1x4096xf32, #tpu.memory_space<vmem>>
    %dma_start3A_292 = arith.constant 0 : i32
    %dma_start3A_293 = tpu.memref_slice %arg2[%get3A_287, %dma_start3A_288, %dma_start3A_292] : memref<2305x8x4096xf32, #tpu.memory_space<any>> -> memref<1x1x4096xf32, #tpu.memory_space<any>>
    %dma_start3A_294 = tpu.memref_squeeze %dma_start3A_293 : memref<1x1x4096xf32, #tpu.memory_space<any>> -> memref<1x4096xf32, #tpu.memory_space<any>>
    tpu.enqueue_dma source(%dma_start3A_294 : memref<1x4096xf32, #tpu.memory_space<any>>) target(%dma_start3A_291 : memref<1x4096xf32, #tpu.memory_space<vmem>>) target_semaphore(%arg7 : memref<!tpu.dma_semaphore, #tpu.memory_space<semaphore_mem>>)
    %get3A_295 = arith.constant 33 : index
    %get3A_296 = memref.load %arg0[%get3A_295] : memref<128xi32, #tpu.memory_space<smem>>
    %dma_start3A_297 = arith.constant 2 : i32
    %dma_start3A_298 = arith.constant 33 : i32
    %dma_start3A_299 = arith.constant 0 : i32
    %dma_start3A_300 = tpu.memref_slice %arg6[%dma_start3A_298, %dma_start3A_299] : memref<128x4096xf32, #tpu.memory_space<vmem>> -> memref<1x4096xf32, #tpu.memory_space<vmem>>
    %dma_start3A_301 = arith.constant 0 : i32
    %dma_start3A_302 = tpu.memref_slice %arg2[%get3A_296, %dma_start3A_297, %dma_start3A_301] : memref<2305x8x4096xf32, #tpu.memory_space<any>> -> memref<1x1x4096xf32, #tpu.memory_space<any>>
    %dma_start3A_303 = tpu.memref_squeeze %dma_start3A_302 : memref<1x1x4096xf32, #tpu.memory_space<any>> -> memref<1x4096xf32, #tpu.memory_space<any>>
    tpu.enqueue_dma source(%dma_start3A_303 : memref<1x4096xf32, #tpu.memory_space<any>>) target(%dma_start3A_300 : memref<1x4096xf32, #tpu.memory_space<vmem>>) target_semaphore(%arg7 : memref<!tpu.dma_semaphore, #tpu.memory_space<semaphore_mem>>)
    %get3A_304 = arith.constant 34 : index
    %get3A_305 = memref.load %arg0[%get3A_304] : memref<128xi32, #tpu.memory_space<smem>>
    %dma_start3A_306 = arith.constant 2 : i32
    %dma_start3A_307 = arith.constant 34 : i32
    %dma_start3A_308 = arith.constant 0 : i32
    %dma_start3A_309 = tpu.memref_slice %arg6[%dma_start3A_307, %dma_start3A_308] : memref<128x4096xf32, #tpu.memory_space<vmem>> -> memref<1x4096xf32, #tpu.memory_space<vmem>>
    %dma_start3A_310 = arith.constant 0 : i32
    %dma_start3A_311 = tpu.memref_slice %arg2[%get3A_305, %dma_start3A_306, %dma_start3A_310] : memref<2305x8x4096xf32, #tpu.memory_space<any>> -> memref<1x1x4096xf32, #tpu.memory_space<any>>
    %dma_start3A_312 = tpu.memref_squeeze %dma_start3A_311 : memref<1x1x4096xf32, #tpu.memory_space<any>> -> memref<1x4096xf32, #tpu.memory_space<any>>
    tpu.enqueue_dma source(%dma_start3A_312 : memref<1x4096xf32, #tpu.memory_space<any>>) target(%dma_start3A_309 : memref<1x4096xf32, #tpu.memory_space<vmem>>) target_semaphore(%arg7 : memref<!tpu.dma_semaphore, #tpu.memory_space<semaphore_mem>>)
    %get3A_313 = arith.constant 35 : index
    %get3A_314 = memref.load %arg0[%get3A_313] : memref<128xi32, #tpu.memory_space<smem>>
    %dma_start3A_315 = arith.constant 2 : i32
    %dma_start3A_316 = arith.constant 35 : i32
    %dma_start3A_317 = arith.constant 0 : i32
    %dma_start3A_318 = tpu.memref_slice %arg6[%dma_start3A_316, %dma_start3A_317] : memref<128x4096xf32, #tpu.memory_space<vmem>> -> memref<1x4096xf32, #tpu.memory_space<vmem>>
    %dma_start3A_319 = arith.constant 0 : i32
    %dma_start3A_320 = tpu.memref_slice %arg2[%get3A_314, %dma_start3A_315, %dma_start3A_319] : memref<2305x8x4096xf32, #tpu.memory_space<any>> -> memref<1x1x4096xf32, #tpu.memory_space<any>>
    %dma_start3A_321 = tpu.memref_squeeze %dma_start3A_320 : memref<1x1x4096xf32, #tpu.memory_space<any>> -> memref<1x4096xf32, #tpu.memory_space<any>>
    tpu.enqueue_dma source(%dma_start3A_321 : memref<1x4096xf32, #tpu.memory_space<any>>) target(%dma_start3A_318 : memref<1x4096xf32, #tpu.memory_space<vmem>>) target_semaphore(%arg7 : memref<!tpu.dma_semaphore, #tpu.memory_space<semaphore_mem>>)
    %get3A_322 = arith.constant 36 : index
    %get3A_323 = memref.load %arg0[%get3A_322] : memref<128xi32, #tpu.memory_space<smem>>
    %dma_start3A_324 = arith.constant 2 : i32
    %dma_start3A_325 = arith.constant 36 : i32
    %dma_start3A_326 = arith.constant 0 : i32
    %dma_start3A_327 = tpu.memref_slice %arg6[%dma_start3A_325, %dma_start3A_326] : memref<128x4096xf32, #tpu.memory_space<vmem>> -> memref<1x4096xf32, #tpu.memory_space<vmem>>
    %dma_start3A_328 = arith.constant 0 : i32
    %dma_start3A_329 = tpu.memref_slice %arg2[%get3A_323, %dma_start3A_324, %dma_start3A_328] : memref<2305x8x4096xf32, #tpu.memory_space<any>> -> memref<1x1x4096xf32, #tpu.memory_space<any>>
    %dma_start3A_330 = tpu.memref_squeeze %dma_start3A_329 : memref<1x1x4096xf32, #tpu.memory_space<any>> -> memref<1x4096xf32, #tpu.memory_space<any>>
    tpu.enqueue_dma source(%dma_start3A_330 : memref<1x4096xf32, #tpu.memory_space<any>>) target(%dma_start3A_327 : memref<1x4096xf32, #tpu.memory_space<vmem>>) target_semaphore(%arg7 : memref<!tpu.dma_semaphore, #tpu.memory_space<semaphore_mem>>)
    %get3A_331 = arith.constant 37 : index
    %get3A_332 = memref.load %arg0[%get3A_331] : memref<128xi32, #tpu.memory_space<smem>>
    %dma_start3A_333 = arith.constant 2 : i32
    %dma_start3A_334 = arith.constant 37 : i32
    %dma_start3A_335 = arith.constant 0 : i32
    %dma_start3A_336 = tpu.memref_slice %arg6[%dma_start3A_334, %dma_start3A_335] : memref<128x4096xf32, #tpu.memory_space<vmem>> -> memref<1x4096xf32, #tpu.memory_space<vmem>>
    %dma_start3A_337 = arith.constant 0 : i32
    %dma_start3A_338 = tpu.memref_slice %arg2[%get3A_332, %dma_start3A_333, %dma_start3A_337] : memref<2305x8x4096xf32, #tpu.memory_space<any>> -> memref<1x1x4096xf32, #tpu.memory_space<any>>
    %dma_start3A_339 = tpu.memref_squeeze %dma_start3A_338 : memref<1x1x4096xf32, #tpu.memory_space<any>> -> memref<1x4096xf32, #tpu.memory_space<any>>
    tpu.enqueue_dma source(%dma_start3A_339 : memref<1x4096xf32, #tpu.memory_space<any>>) target(%dma_start3A_336 : memref<1x4096xf32, #tpu.memory_space<vmem>>) target_semaphore(%arg7 : memref<!tpu.dma_semaphore, #tpu.memory_space<semaphore_mem>>)
    %get3A_340 = arith.constant 38 : index
    %get3A_341 = memref.load %arg0[%get3A_340] : memref<128xi32, #tpu.memory_space<smem>>
    %dma_start3A_342 = arith.constant 2 : i32
    %dma_start3A_343 = arith.constant 38 : i32
    %dma_start3A_344 = arith.constant 0 : i32
    %dma_start3A_345 = tpu.memref_slice %arg6[%dma_start3A_343, %dma_start3A_344] : memref<128x4096xf32, #tpu.memory_space<vmem>> -> memref<1x4096xf32, #tpu.memory_space<vmem>>
    %dma_start3A_346 = arith.constant 0 : i32
    %dma_start3A_347 = tpu.memref_slice %arg2[%get3A_341, %dma_start3A_342, %dma_start3A_346] : memref<2305x8x4096xf32, #tpu.memory_space<any>> -> memref<1x1x4096xf32, #tpu.memory_space<any>>
    %dma_start3A_348 = tpu.memref_squeeze %dma_start3A_347 : memref<1x1x4096xf32, #tpu.memory_space<any>> -> memref<1x4096xf32, #tpu.memory_space<any>>
    tpu.enqueue_dma source(%dma_start3A_348 : memref<1x4096xf32, #tpu.memory_space<any>>) target(%dma_start3A_345 : memref<1x4096xf32, #tpu.memory_space<vmem>>) target_semaphore(%arg7 : memref<!tpu.dma_semaphore, #tpu.memory_space<semaphore_mem>>)
    %get3A_349 = arith.constant 39 : index
    %get3A_350 = memref.load %arg0[%get3A_349] : memref<128xi32, #tpu.memory_space<smem>>
    %dma_start3A_351 = arith.constant 2 : i32
    %dma_start3A_352 = arith.constant 39 : i32
    %dma_start3A_353 = arith.constant 0 : i32
    %dma_start3A_354 = tpu.memref_slice %arg6[%dma_start3A_352, %dma_start3A_353] : memref<128x4096xf32, #tpu.memory_space<vmem>> -> memref<1x4096xf32, #tpu.memory_space<vmem>>
    %dma_start3A_355 = arith.constant 0 : i32
    %dma_start3A_356 = tpu.memref_slice %arg2[%get3A_350, %dma_start3A_351, %dma_start3A_355] : memref<2305x8x4096xf32, #tpu.memory_space<any>> -> memref<1x1x4096xf32, #tpu.memory_space<any>>
    %dma_start3A_357 = tpu.memref_squeeze %dma_start3A_356 : memref<1x1x4096xf32, #tpu.memory_space<any>> -> memref<1x4096xf32, #tpu.memory_space<any>>
    tpu.enqueue_dma source(%dma_start3A_357 : memref<1x4096xf32, #tpu.memory_space<any>>) target(%dma_start3A_354 : memref<1x4096xf32, #tpu.memory_space<vmem>>) target_semaphore(%arg7 : memref<!tpu.dma_semaphore, #tpu.memory_space<semaphore_mem>>)
    %get3A_358 = arith.constant 40 : index
    %get3A_359 = memref.load %arg0[%get3A_358] : memref<128xi32, #tpu.memory_space<smem>>
    %dma_start3A_360 = arith.constant 2 : i32
    %dma_start3A_361 = arith.constant 40 : i32
    %dma_start3A_362 = arith.constant 0 : i32
    %dma_start3A_363 = tpu.memref_slice %arg6[%dma_start3A_361, %dma_start3A_362] : memref<128x4096xf32, #tpu.memory_space<vmem>> -> memref<1x4096xf32, #tpu.memory_space<vmem>>
    %dma_start3A_364 = arith.constant 0 : i32
    %dma_start3A_365 = tpu.memref_slice %arg2[%get3A_359, %dma_start3A_360, %dma_start3A_364] : memref<2305x8x4096xf32, #tpu.memory_space<any>> -> memref<1x1x4096xf32, #tpu.memory_space<any>>
    %dma_start3A_366 = tpu.memref_squeeze %dma_start3A_365 : memref<1x1x4096xf32, #tpu.memory_space<any>> -> memref<1x4096xf32, #tpu.memory_space<any>>
    tpu.enqueue_dma source(%dma_start3A_366 : memref<1x4096xf32, #tpu.memory_space<any>>) target(%dma_start3A_363 : memref<1x4096xf32, #tpu.memory_space<vmem>>) target_semaphore(%arg7 : memref<!tpu.dma_semaphore, #tpu.memory_space<semaphore_mem>>)
    %get3A_367 = arith.constant 41 : index
    %get3A_368 = memref.load %arg0[%get3A_367] : memref<128xi32, #tpu.memory_space<smem>>
    %dma_start3A_369 = arith.constant 2 : i32
    %dma_start3A_370 = arith.constant 41 : i32
    %dma_start3A_371 = arith.constant 0 : i32
    %dma_start3A_372 = tpu.memref_slice %arg6[%dma_start3A_370, %dma_start3A_371] : memref<128x4096xf32, #tpu.memory_space<vmem>> -> memref<1x4096xf32, #tpu.memory_space<vmem>>
    %dma_start3A_373 = arith.constant 0 : i32
    %dma_start3A_374 = tpu.memref_slice %arg2[%get3A_368, %dma_start3A_369, %dma_start3A_373] : memref<2305x8x4096xf32, #tpu.memory_space<any>> -> memref<1x1x4096xf32, #tpu.memory_space<any>>
    %dma_start3A_375 = tpu.memref_squeeze %dma_start3A_374 : memref<1x1x4096xf32, #tpu.memory_space<any>> -> memref<1x4096xf32, #tpu.memory_space<any>>
    tpu.enqueue_dma source(%dma_start3A_375 : memref<1x4096xf32, #tpu.memory_space<any>>) target(%dma_start3A_372 : memref<1x4096xf32, #tpu.memory_space<vmem>>) target_semaphore(%arg7 : memref<!tpu.dma_semaphore, #tpu.memory_space<semaphore_mem>>)
    %get3A_376 = arith.constant 42 : index
    %get3A_377 = memref.load %arg0[%get3A_376] : memref<128xi32, #tpu.memory_space<smem>>
    %dma_start3A_378 = arith.constant 2 : i32
    %dma_start3A_379 = arith.constant 42 : i32
    %dma_start3A_380 = arith.constant 0 : i32
    %dma_start3A_381 = tpu.memref_slice %arg6[%dma_start3A_379, %dma_start3A_380] : memref<128x4096xf32, #tpu.memory_space<vmem>> -> memref<1x4096xf32, #tpu.memory_space<vmem>>
    %dma_start3A_382 = arith.constant 0 : i32
    %dma_start3A_383 = tpu.memref_slice %arg2[%get3A_377, %dma_start3A_378, %dma_start3A_382] : memref<2305x8x4096xf32, #tpu.memory_space<any>> -> memref<1x1x4096xf32, #tpu.memory_space<any>>
    %dma_start3A_384 = tpu.memref_squeeze %dma_start3A_383 : memref<1x1x4096xf32, #tpu.memory_space<any>> -> memref<1x4096xf32, #tpu.memory_space<any>>
    tpu.enqueue_dma source(%dma_start3A_384 : memref<1x4096xf32, #tpu.memory_space<any>>) target(%dma_start3A_381 : memref<1x4096xf32, #tpu.memory_space<vmem>>) target_semaphore(%arg7 : memref<!tpu.dma_semaphore, #tpu.memory_space<semaphore_mem>>)
    %get3A_385 = arith.constant 43 : index
    %get3A_386 = memref.load %arg0[%get3A_385] : memref<128xi32, #tpu.memory_space<smem>>
    %dma_start3A_387 = arith.constant 2 : i32
    %dma_start3A_388 = arith.constant 43 : i32
    %dma_start3A_389 = arith.constant 0 : i32
    %dma_start3A_390 = tpu.memref_slice %arg6[%dma_start3A_388, %dma_start3A_389] : memref<128x4096xf32, #tpu.memory_space<vmem>> -> memref<1x4096xf32, #tpu.memory_space<vmem>>
    %dma_start3A_391 = arith.constant 0 : i32
    %dma_start3A_392 = tpu.memref_slice %arg2[%get3A_386, %dma_start3A_387, %dma_start3A_391] : memref<2305x8x4096xf32, #tpu.memory_space<any>> -> memref<1x1x4096xf32, #tpu.memory_space<any>>
    %dma_start3A_393 = tpu.memref_squeeze %dma_start3A_392 : memref<1x1x4096xf32, #tpu.memory_space<any>> -> memref<1x4096xf32, #tpu.memory_space<any>>
    tpu.enqueue_dma source(%dma_start3A_393 : memref<1x4096xf32, #tpu.memory_space<any>>) target(%dma_start3A_390 : memref<1x4096xf32, #tpu.memory_space<vmem>>) target_semaphore(%arg7 : memref<!tpu.dma_semaphore, #tpu.memory_space<semaphore_mem>>)
    %get3A_394 = arith.constant 44 : index
    %get3A_395 = memref.load %arg0[%get3A_394] : memref<128xi32, #tpu.memory_space<smem>>
    %dma_start3A_396 = arith.constant 2 : i32
    %dma_start3A_397 = arith.constant 44 : i32
    %dma_start3A_398 = arith.constant 0 : i32
    %dma_start3A_399 = tpu.memref_slice %arg6[%dma_start3A_397, %dma_start3A_398] : memref<128x4096xf32, #tpu.memory_space<vmem>> -> memref<1x4096xf32, #tpu.memory_space<vmem>>
    %dma_start3A_400 = arith.constant 0 : i32
    %dma_start3A_401 = tpu.memref_slice %arg2[%get3A_395, %dma_start3A_396, %dma_start3A_400] : memref<2305x8x4096xf32, #tpu.memory_space<any>> -> memref<1x1x4096xf32, #tpu.memory_space<any>>
    %dma_start3A_402 = tpu.memref_squeeze %dma_start3A_401 : memref<1x1x4096xf32, #tpu.memory_space<any>> -> memref<1x4096xf32, #tpu.memory_space<any>>
    tpu.enqueue_dma source(%dma_start3A_402 : memref<1x4096xf32, #tpu.memory_space<any>>) target(%dma_start3A_399 : memref<1x4096xf32, #tpu.memory_space<vmem>>) target_semaphore(%arg7 : memref<!tpu.dma_semaphore, #tpu.memory_space<semaphore_mem>>)
    %get3A_403 = arith.constant 45 : index
    %get3A_404 = memref.load %arg0[%get3A_403] : memref<128xi32, #tpu.memory_space<smem>>
    %dma_start3A_405 = arith.constant 2 : i32
    %dma_start3A_406 = arith.constant 45 : i32
    %dma_start3A_407 = arith.constant 0 : i32
    %dma_start3A_408 = tpu.memref_slice %arg6[%dma_start3A_406, %dma_start3A_407] : memref<128x4096xf32, #tpu.memory_space<vmem>> -> memref<1x4096xf32, #tpu.memory_space<vmem>>
    %dma_start3A_409 = arith.constant 0 : i32
    %dma_start3A_410 = tpu.memref_slice %arg2[%get3A_404, %dma_start3A_405, %dma_start3A_409] : memref<2305x8x4096xf32, #tpu.memory_space<any>> -> memref<1x1x4096xf32, #tpu.memory_space<any>>
    %dma_start3A_411 = tpu.memref_squeeze %dma_start3A_410 : memref<1x1x4096xf32, #tpu.memory_space<any>> -> memref<1x4096xf32, #tpu.memory_space<any>>
    tpu.enqueue_dma source(%dma_start3A_411 : memref<1x4096xf32, #tpu.memory_space<any>>) target(%dma_start3A_408 : memref<1x4096xf32, #tpu.memory_space<vmem>>) target_semaphore(%arg7 : memref<!tpu.dma_semaphore, #tpu.memory_space<semaphore_mem>>)
    %get3A_412 = arith.constant 46 : index
    %get3A_413 = memref.load %arg0[%get3A_412] : memref<128xi32, #tpu.memory_space<smem>>
    %dma_start3A_414 = arith.constant 2 : i32
    %dma_start3A_415 = arith.constant 46 : i32
    %dma_start3A_416 = arith.constant 0 : i32
    %dma_start3A_417 = tpu.memref_slice %arg6[%dma_start3A_415, %dma_start3A_416] : memref<128x4096xf32, #tpu.memory_space<vmem>> -> memref<1x4096xf32, #tpu.memory_space<vmem>>
    %dma_start3A_418 = arith.constant 0 : i32
    %dma_start3A_419 = tpu.memref_slice %arg2[%get3A_413, %dma_start3A_414, %dma_start3A_418] : memref<2305x8x4096xf32, #tpu.memory_space<any>> -> memref<1x1x4096xf32, #tpu.memory_space<any>>
    %dma_start3A_420 = tpu.memref_squeeze %dma_start3A_419 : memref<1x1x4096xf32, #tpu.memory_space<any>> -> memref<1x4096xf32, #tpu.memory_space<any>>
    tpu.enqueue_dma source(%dma_start3A_420 : memref<1x4096xf32, #tpu.memory_space<any>>) target(%dma_start3A_417 : memref<1x4096xf32, #tpu.memory_space<vmem>>) target_semaphore(%arg7 : memref<!tpu.dma_semaphore, #tpu.memory_space<semaphore_mem>>)
    %get3A_421 = arith.constant 47 : index
    %get3A_422 = memref.load %arg0[%get3A_421] : memref<128xi32, #tpu.memory_space<smem>>
    %dma_start3A_423 = arith.constant 2 : i32
    %dma_start3A_424 = arith.constant 47 : i32
    %dma_start3A_425 = arith.constant 0 : i32
    %dma_start3A_426 = tpu.memref_slice %arg6[%dma_start3A_424, %dma_start3A_425] : memref<128x4096xf32, #tpu.memory_space<vmem>> -> memref<1x4096xf32, #tpu.memory_space<vmem>>
    %dma_start3A_427 = arith.constant 0 : i32
    %dma_start3A_428 = tpu.memref_slice %arg2[%get3A_422, %dma_start3A_423, %dma_start3A_427] : memref<2305x8x4096xf32, #tpu.memory_space<any>> -> memref<1x1x4096xf32, #tpu.memory_space<any>>
    %dma_start3A_429 = tpu.memref_squeeze %dma_start3A_428 : memref<1x1x4096xf32, #tpu.memory_space<any>> -> memref<1x4096xf32, #tpu.memory_space<any>>
    tpu.enqueue_dma source(%dma_start3A_429 : memref<1x4096xf32, #tpu.memory_space<any>>) target(%dma_start3A_426 : memref<1x4096xf32, #tpu.memory_space<vmem>>) target_semaphore(%arg7 : memref<!tpu.dma_semaphore, #tpu.memory_space<semaphore_mem>>)
    %get3A_430 = arith.constant 48 : index
    %get3A_431 = memref.load %arg0[%get3A_430] : memref<128xi32, #tpu.memory_space<smem>>
    %dma_start3A_432 = arith.constant 3 : i32
    %dma_start3A_433 = arith.constant 48 : i32
    %dma_start3A_434 = arith.constant 0 : i32
    %dma_start3A_435 = tpu.memref_slice %arg6[%dma_start3A_433, %dma_start3A_434] : memref<128x4096xf32, #tpu.memory_space<vmem>> -> memref<1x4096xf32, #tpu.memory_space<vmem>>
    %dma_start3A_436 = arith.constant 0 : i32
    %dma_start3A_437 = tpu.memref_slice %arg2[%get3A_431, %dma_start3A_432, %dma_start3A_436] : memref<2305x8x4096xf32, #tpu.memory_space<any>> -> memref<1x1x4096xf32, #tpu.memory_space<any>>
    %dma_start3A_438 = tpu.memref_squeeze %dma_start3A_437 : memref<1x1x4096xf32, #tpu.memory_space<any>> -> memref<1x4096xf32, #tpu.memory_space<any>>
    tpu.enqueue_dma source(%dma_start3A_438 : memref<1x4096xf32, #tpu.memory_space<any>>) target(%dma_start3A_435 : memref<1x4096xf32, #tpu.memory_space<vmem>>) target_semaphore(%arg7 : memref<!tpu.dma_semaphore, #tpu.memory_space<semaphore_mem>>)
    %get3A_439 = arith.constant 49 : index
    %get3A_440 = memref.load %arg0[%get3A_439] : memref<128xi32, #tpu.memory_space<smem>>
    %dma_start3A_441 = arith.constant 3 : i32
    %dma_start3A_442 = arith.constant 49 : i32
    %dma_start3A_443 = arith.constant 0 : i32
    %dma_start3A_444 = tpu.memref_slice %arg6[%dma_start3A_442, %dma_start3A_443] : memref<128x4096xf32, #tpu.memory_space<vmem>> -> memref<1x4096xf32, #tpu.memory_space<vmem>>
    %dma_start3A_445 = arith.constant 0 : i32
    %dma_start3A_446 = tpu.memref_slice %arg2[%get3A_440, %dma_start3A_441, %dma_start3A_445] : memref<2305x8x4096xf32, #tpu.memory_space<any>> -> memref<1x1x4096xf32, #tpu.memory_space<any>>
    %dma_start3A_447 = tpu.memref_squeeze %dma_start3A_446 : memref<1x1x4096xf32, #tpu.memory_space<any>> -> memref<1x4096xf32, #tpu.memory_space<any>>
    tpu.enqueue_dma source(%dma_start3A_447 : memref<1x4096xf32, #tpu.memory_space<any>>) target(%dma_start3A_444 : memref<1x4096xf32, #tpu.memory_space<vmem>>) target_semaphore(%arg7 : memref<!tpu.dma_semaphore, #tpu.memory_space<semaphore_mem>>)
    %get3A_448 = arith.constant 50 : index
    %get3A_449 = memref.load %arg0[%get3A_448] : memref<128xi32, #tpu.memory_space<smem>>
    %dma_start3A_450 = arith.constant 3 : i32
    %dma_start3A_451 = arith.constant 50 : i32
    %dma_start3A_452 = arith.constant 0 : i32
    %dma_start3A_453 = tpu.memref_slice %arg6[%dma_start3A_451, %dma_start3A_452] : memref<128x4096xf32, #tpu.memory_space<vmem>> -> memref<1x4096xf32, #tpu.memory_space<vmem>>
    %dma_start3A_454 = arith.constant 0 : i32
    %dma_start3A_455 = tpu.memref_slice %arg2[%get3A_449, %dma_start3A_450, %dma_start3A_454] : memref<2305x8x4096xf32, #tpu.memory_space<any>> -> memref<1x1x4096xf32, #tpu.memory_space<any>>
    %dma_start3A_456 = tpu.memref_squeeze %dma_start3A_455 : memref<1x1x4096xf32, #tpu.memory_space<any>> -> memref<1x4096xf32, #tpu.memory_space<any>>
    tpu.enqueue_dma source(%dma_start3A_456 : memref<1x4096xf32, #tpu.memory_space<any>>) target(%dma_start3A_453 : memref<1x4096xf32, #tpu.memory_space<vmem>>) target_semaphore(%arg7 : memref<!tpu.dma_semaphore, #tpu.memory_space<semaphore_mem>>)
    %get3A_457 = arith.constant 51 : index
    %get3A_458 = memref.load %arg0[%get3A_457] : memref<128xi32, #tpu.memory_space<smem>>
    %dma_start3A_459 = arith.constant 3 : i32
    %dma_start3A_460 = arith.constant 51 : i32
    %dma_start3A_461 = arith.constant 0 : i32
    %dma_start3A_462 = tpu.memref_slice %arg6[%dma_start3A_460, %dma_start3A_461] : memref<128x4096xf32, #tpu.memory_space<vmem>> -> memref<1x4096xf32, #tpu.memory_space<vmem>>
    %dma_start3A_463 = arith.constant 0 : i32
    %dma_start3A_464 = tpu.memref_slice %arg2[%get3A_458, %dma_start3A_459, %dma_start3A_463] : memref<2305x8x4096xf32, #tpu.memory_space<any>> -> memref<1x1x4096xf32, #tpu.memory_space<any>>
    %dma_start3A_465 = tpu.memref_squeeze %dma_start3A_464 : memref<1x1x4096xf32, #tpu.memory_space<any>> -> memref<1x4096xf32, #tpu.memory_space<any>>
    tpu.enqueue_dma source(%dma_start3A_465 : memref<1x4096xf32, #tpu.memory_space<any>>) target(%dma_start3A_462 : memref<1x4096xf32, #tpu.memory_space<vmem>>) target_semaphore(%arg7 : memref<!tpu.dma_semaphore, #tpu.memory_space<semaphore_mem>>)
    %get3A_466 = arith.constant 52 : index
    %get3A_467 = memref.load %arg0[%get3A_466] : memref<128xi32, #tpu.memory_space<smem>>
    %dma_start3A_468 = arith.constant 3 : i32
    %dma_start3A_469 = arith.constant 52 : i32
    %dma_start3A_470 = arith.constant 0 : i32
    %dma_start3A_471 = tpu.memref_slice %arg6[%dma_start3A_469, %dma_start3A_470] : memref<128x4096xf32, #tpu.memory_space<vmem>> -> memref<1x4096xf32, #tpu.memory_space<vmem>>
    %dma_start3A_472 = arith.constant 0 : i32
    %dma_start3A_473 = tpu.memref_slice %arg2[%get3A_467, %dma_start3A_468, %dma_start3A_472] : memref<2305x8x4096xf32, #tpu.memory_space<any>> -> memref<1x1x4096xf32, #tpu.memory_space<any>>
    %dma_start3A_474 = tpu.memref_squeeze %dma_start3A_473 : memref<1x1x4096xf32, #tpu.memory_space<any>> -> memref<1x4096xf32, #tpu.memory_space<any>>
    tpu.enqueue_dma source(%dma_start3A_474 : memref<1x4096xf32, #tpu.memory_space<any>>) target(%dma_start3A_471 : memref<1x4096xf32, #tpu.memory_space<vmem>>) target_semaphore(%arg7 : memref<!tpu.dma_semaphore, #tpu.memory_space<semaphore_mem>>)
    %get3A_475 = arith.constant 53 : index
    %get3A_476 = memref.load %arg0[%get3A_475] : memref<128xi32, #tpu.memory_space<smem>>
    %dma_start3A_477 = arith.constant 3 : i32
    %dma_start3A_478 = arith.constant 53 : i32
    %dma_start3A_479 = arith.constant 0 : i32
    %dma_start3A_480 = tpu.memref_slice %arg6[%dma_start3A_478, %dma_start3A_479] : memref<128x4096xf32, #tpu.memory_space<vmem>> -> memref<1x4096xf32, #tpu.memory_space<vmem>>
    %dma_start3A_481 = arith.constant 0 : i32
    %dma_start3A_482 = tpu.memref_slice %arg2[%get3A_476, %dma_start3A_477, %dma_start3A_481] : memref<2305x8x4096xf32, #tpu.memory_space<any>> -> memref<1x1x4096xf32, #tpu.memory_space<any>>
    %dma_start3A_483 = tpu.memref_squeeze %dma_start3A_482 : memref<1x1x4096xf32, #tpu.memory_space<any>> -> memref<1x4096xf32, #tpu.memory_space<any>>
    tpu.enqueue_dma source(%dma_start3A_483 : memref<1x4096xf32, #tpu.memory_space<any>>) target(%dma_start3A_480 : memref<1x4096xf32, #tpu.memory_space<vmem>>) target_semaphore(%arg7 : memref<!tpu.dma_semaphore, #tpu.memory_space<semaphore_mem>>)
    %get3A_484 = arith.constant 54 : index
    %get3A_485 = memref.load %arg0[%get3A_484] : memref<128xi32, #tpu.memory_space<smem>>
    %dma_start3A_486 = arith.constant 3 : i32
    %dma_start3A_487 = arith.constant 54 : i32
    %dma_start3A_488 = arith.constant 0 : i32
    %dma_start3A_489 = tpu.memref_slice %arg6[%dma_start3A_487, %dma_start3A_488] : memref<128x4096xf32, #tpu.memory_space<vmem>> -> memref<1x4096xf32, #tpu.memory_space<vmem>>
    %dma_start3A_490 = arith.constant 0 : i32
    %dma_start3A_491 = tpu.memref_slice %arg2[%get3A_485, %dma_start3A_486, %dma_start3A_490] : memref<2305x8x4096xf32, #tpu.memory_space<any>> -> memref<1x1x4096xf32, #tpu.memory_space<any>>
    %dma_start3A_492 = tpu.memref_squeeze %dma_start3A_491 : memref<1x1x4096xf32, #tpu.memory_space<any>> -> memref<1x4096xf32, #tpu.memory_space<any>>
    tpu.enqueue_dma source(%dma_start3A_492 : memref<1x4096xf32, #tpu.memory_space<any>>) target(%dma_start3A_489 : memref<1x4096xf32, #tpu.memory_space<vmem>>) target_semaphore(%arg7 : memref<!tpu.dma_semaphore, #tpu.memory_space<semaphore_mem>>)
    %get3A_493 = arith.constant 55 : index
    %get3A_494 = memref.load %arg0[%get3A_493] : memref<128xi32, #tpu.memory_space<smem>>
    %dma_start3A_495 = arith.constant 3 : i32
    %dma_start3A_496 = arith.constant 55 : i32
    %dma_start3A_497 = arith.constant 0 : i32
    %dma_start3A_498 = tpu.memref_slice %arg6[%dma_start3A_496, %dma_start3A_497] : memref<128x4096xf32, #tpu.memory_space<vmem>> -> memref<1x4096xf32, #tpu.memory_space<vmem>>
    %dma_start3A_499 = arith.constant 0 : i32
    %dma_start3A_500 = tpu.memref_slice %arg2[%get3A_494, %dma_start3A_495, %dma_start3A_499] : memref<2305x8x4096xf32, #tpu.memory_space<any>> -> memref<1x1x4096xf32, #tpu.memory_space<any>>
    %dma_start3A_501 = tpu.memref_squeeze %dma_start3A_500 : memref<1x1x4096xf32, #tpu.memory_space<any>> -> memref<1x4096xf32, #tpu.memory_space<any>>
    tpu.enqueue_dma source(%dma_start3A_501 : memref<1x4096xf32, #tpu.memory_space<any>>) target(%dma_start3A_498 : memref<1x4096xf32, #tpu.memory_space<vmem>>) target_semaphore(%arg7 : memref<!tpu.dma_semaphore, #tpu.memory_space<semaphore_mem>>)
    %get3A_502 = arith.constant 56 : index
    %get3A_503 = memref.load %arg0[%get3A_502] : memref<128xi32, #tpu.memory_space<smem>>
    %dma_start3A_504 = arith.constant 3 : i32
    %dma_start3A_505 = arith.constant 56 : i32
    %dma_start3A_506 = arith.constant 0 : i32
    %dma_start3A_507 = tpu.memref_slice %arg6[%dma_start3A_505, %dma_start3A_506] : memref<128x4096xf32, #tpu.memory_space<vmem>> -> memref<1x4096xf32, #tpu.memory_space<vmem>>
    %dma_start3A_508 = arith.constant 0 : i32
    %dma_start3A_509 = tpu.memref_slice %arg2[%get3A_503, %dma_start3A_504, %dma_start3A_508] : memref<2305x8x4096xf32, #tpu.memory_space<any>> -> memref<1x1x4096xf32, #tpu.memory_space<any>>
    %dma_start3A_510 = tpu.memref_squeeze %dma_start3A_509 : memref<1x1x4096xf32, #tpu.memory_space<any>> -> memref<1x4096xf32, #tpu.memory_space<any>>
    tpu.enqueue_dma source(%dma_start3A_510 : memref<1x4096xf32, #tpu.memory_space<any>>) target(%dma_start3A_507 : memref<1x4096xf32, #tpu.memory_space<vmem>>) target_semaphore(%arg7 : memref<!tpu.dma_semaphore, #tpu.memory_space<semaphore_mem>>)
    %get3A_511 = arith.constant 57 : index
    %get3A_512 = memref.load %arg0[%get3A_511] : memref<128xi32, #tpu.memory_space<smem>>
    %dma_start3A_513 = arith.constant 3 : i32
    %dma_start3A_514 = arith.constant 57 : i32
    %dma_start3A_515 = arith.constant 0 : i32
    %dma_start3A_516 = tpu.memref_slice %arg6[%dma_start3A_514, %dma_start3A_515] : memref<128x4096xf32, #tpu.memory_space<vmem>> -> memref<1x4096xf32, #tpu.memory_space<vmem>>
    %dma_start3A_517 = arith.constant 0 : i32
    %dma_start3A_518 = tpu.memref_slice %arg2[%get3A_512, %dma_start3A_513, %dma_start3A_517] : memref<2305x8x4096xf32, #tpu.memory_space<any>> -> memref<1x1x4096xf32, #tpu.memory_space<any>>
    %dma_start3A_519 = tpu.memref_squeeze %dma_start3A_518 : memref<1x1x4096xf32, #tpu.memory_space<any>> -> memref<1x4096xf32, #tpu.memory_space<any>>
    tpu.enqueue_dma source(%dma_start3A_519 : memref<1x4096xf32, #tpu.memory_space<any>>) target(%dma_start3A_516 : memref<1x4096xf32, #tpu.memory_space<vmem>>) target_semaphore(%arg7 : memref<!tpu.dma_semaphore, #tpu.memory_space<semaphore_mem>>)
    %get3A_520 = arith.constant 58 : index
    %get3A_521 = memref.load %arg0[%get3A_520] : memref<128xi32, #tpu.memory_space<smem>>
    %dma_start3A_522 = arith.constant 3 : i32
    %dma_start3A_523 = arith.constant 58 : i32
    %dma_start3A_524 = arith.constant 0 : i32
    %dma_start3A_525 = tpu.memref_slice %arg6[%dma_start3A_523, %dma_start3A_524] : memref<128x4096xf32, #tpu.memory_space<vmem>> -> memref<1x4096xf32, #tpu.memory_space<vmem>>
    %dma_start3A_526 = arith.constant 0 : i32
    %dma_start3A_527 = tpu.memref_slice %arg2[%get3A_521, %dma_start3A_522, %dma_start3A_526] : memref<2305x8x4096xf32, #tpu.memory_space<any>> -> memref<1x1x4096xf32, #tpu.memory_space<any>>
    %dma_start3A_528 = tpu.memref_squeeze %dma_start3A_527 : memref<1x1x4096xf32, #tpu.memory_space<any>> -> memref<1x4096xf32, #tpu.memory_space<any>>
    tpu.enqueue_dma source(%dma_start3A_528 : memref<1x4096xf32, #tpu.memory_space<any>>) target(%dma_start3A_525 : memref<1x4096xf32, #tpu.memory_space<vmem>>) target_semaphore(%arg7 : memref<!tpu.dma_semaphore, #tpu.memory_space<semaphore_mem>>)
    %get3A_529 = arith.constant 59 : index
    %get3A_530 = memref.load %arg0[%get3A_529] : memref<128xi32, #tpu.memory_space<smem>>
    %dma_start3A_531 = arith.constant 3 : i32
    %dma_start3A_532 = arith.constant 59 : i32
    %dma_start3A_533 = arith.constant 0 : i32
    %dma_start3A_534 = tpu.memref_slice %arg6[%dma_start3A_532, %dma_start3A_533] : memref<128x4096xf32, #tpu.memory_space<vmem>> -> memref<1x4096xf32, #tpu.memory_space<vmem>>
    %dma_start3A_535 = arith.constant 0 : i32
    %dma_start3A_536 = tpu.memref_slice %arg2[%get3A_530, %dma_start3A_531, %dma_start3A_535] : memref<2305x8x4096xf32, #tpu.memory_space<any>> -> memref<1x1x4096xf32, #tpu.memory_space<any>>
    %dma_start3A_537 = tpu.memref_squeeze %dma_start3A_536 : memref<1x1x4096xf32, #tpu.memory_space<any>> -> memref<1x4096xf32, #tpu.memory_space<any>>
    tpu.enqueue_dma source(%dma_start3A_537 : memref<1x4096xf32, #tpu.memory_space<any>>) target(%dma_start3A_534 : memref<1x4096xf32, #tpu.memory_space<vmem>>) target_semaphore(%arg7 : memref<!tpu.dma_semaphore, #tpu.memory_space<semaphore_mem>>)
    %get3A_538 = arith.constant 60 : index
    %get3A_539 = memref.load %arg0[%get3A_538] : memref<128xi32, #tpu.memory_space<smem>>
    %dma_start3A_540 = arith.constant 3 : i32
    %dma_start3A_541 = arith.constant 60 : i32
    %dma_start3A_542 = arith.constant 0 : i32
    %dma_start3A_543 = tpu.memref_slice %arg6[%dma_start3A_541, %dma_start3A_542] : memref<128x4096xf32, #tpu.memory_space<vmem>> -> memref<1x4096xf32, #tpu.memory_space<vmem>>
    %dma_start3A_544 = arith.constant 0 : i32
    %dma_start3A_545 = tpu.memref_slice %arg2[%get3A_539, %dma_start3A_540, %dma_start3A_544] : memref<2305x8x4096xf32, #tpu.memory_space<any>> -> memref<1x1x4096xf32, #tpu.memory_space<any>>
    %dma_start3A_546 = tpu.memref_squeeze %dma_start3A_545 : memref<1x1x4096xf32, #tpu.memory_space<any>> -> memref<1x4096xf32, #tpu.memory_space<any>>
    tpu.enqueue_dma source(%dma_start3A_546 : memref<1x4096xf32, #tpu.memory_space<any>>) target(%dma_start3A_543 : memref<1x4096xf32, #tpu.memory_space<vmem>>) target_semaphore(%arg7 : memref<!tpu.dma_semaphore, #tpu.memory_space<semaphore_mem>>)
    %get3A_547 = arith.constant 61 : index
    %get3A_548 = memref.load %arg0[%get3A_547] : memref<128xi32, #tpu.memory_space<smem>>
    %dma_start3A_549 = arith.constant 3 : i32
    %dma_start3A_550 = arith.constant 61 : i32
    %dma_start3A_551 = arith.constant 0 : i32
    %dma_start3A_552 = tpu.memref_slice %arg6[%dma_start3A_550, %dma_start3A_551] : memref<128x4096xf32, #tpu.memory_space<vmem>> -> memref<1x4096xf32, #tpu.memory_space<vmem>>
    %dma_start3A_553 = arith.constant 0 : i32
    %dma_start3A_554 = tpu.memref_slice %arg2[%get3A_548, %dma_start3A_549, %dma_start3A_553] : memref<2305x8x4096xf32, #tpu.memory_space<any>> -> memref<1x1x4096xf32, #tpu.memory_space<any>>
    %dma_start3A_555 = tpu.memref_squeeze %dma_start3A_554 : memref<1x1x4096xf32, #tpu.memory_space<any>> -> memref<1x4096xf32, #tpu.memory_space<any>>
    tpu.enqueue_dma source(%dma_start3A_555 : memref<1x4096xf32, #tpu.memory_space<any>>) target(%dma_start3A_552 : memref<1x4096xf32, #tpu.memory_space<vmem>>) target_semaphore(%arg7 : memref<!tpu.dma_semaphore, #tpu.memory_space<semaphore_mem>>)
    %get3A_556 = arith.constant 62 : index
    %get3A_557 = memref.load %arg0[%get3A_556] : memref<128xi32, #tpu.memory_space<smem>>
    %dma_start3A_558 = arith.constant 3 : i32
    %dma_start3A_559 = arith.constant 62 : i32
    %dma_start3A_560 = arith.constant 0 : i32
    %dma_start3A_561 = tpu.memref_slice %arg6[%dma_start3A_559, %dma_start3A_560] : memref<128x4096xf32, #tpu.memory_space<vmem>> -> memref<1x4096xf32, #tpu.memory_space<vmem>>
    %dma_start3A_562 = arith.constant 0 : i32
    %dma_start3A_563 = tpu.memref_slice %arg2[%get3A_557, %dma_start3A_558, %dma_start3A_562] : memref<2305x8x4096xf32, #tpu.memory_space<any>> -> memref<1x1x4096xf32, #tpu.memory_space<any>>
    %dma_start3A_564 = tpu.memref_squeeze %dma_start3A_563 : memref<1x1x4096xf32, #tpu.memory_space<any>> -> memref<1x4096xf32, #tpu.memory_space<any>>
    tpu.enqueue_dma source(%dma_start3A_564 : memref<1x4096xf32, #tpu.memory_space<any>>) target(%dma_start3A_561 : memref<1x4096xf32, #tpu.memory_space<vmem>>) target_semaphore(%arg7 : memref<!tpu.dma_semaphore, #tpu.memory_space<semaphore_mem>>)
    %get3A_565 = arith.constant 63 : index
    %get3A_566 = memref.load %arg0[%get3A_565] : memref<128xi32, #tpu.memory_space<smem>>
    %dma_start3A_567 = arith.constant 3 : i32
    %dma_start3A_568 = arith.constant 63 : i32
    %dma_start3A_569 = arith.constant 0 : i32
    %dma_start3A_570 = tpu.memref_slice %arg6[%dma_start3A_568, %dma_start3A_569] : memref<128x4096xf32, #tpu.memory_space<vmem>> -> memref<1x4096xf32, #tpu.memory_space<vmem>>
    %dma_start3A_571 = arith.constant 0 : i32
    %dma_start3A_572 = tpu.memref_slice %arg2[%get3A_566, %dma_start3A_567, %dma_start3A_571] : memref<2305x8x4096xf32, #tpu.memory_space<any>> -> memref<1x1x4096xf32, #tpu.memory_space<any>>
    %dma_start3A_573 = tpu.memref_squeeze %dma_start3A_572 : memref<1x1x4096xf32, #tpu.memory_space<any>> -> memref<1x4096xf32, #tpu.memory_space<any>>
    tpu.enqueue_dma source(%dma_start3A_573 : memref<1x4096xf32, #tpu.memory_space<any>>) target(%dma_start3A_570 : memref<1x4096xf32, #tpu.memory_space<vmem>>) target_semaphore(%arg7 : memref<!tpu.dma_semaphore, #tpu.memory_space<semaphore_mem>>)
    %get3A_574 = arith.constant 64 : index
    %get3A_575 = memref.load %arg0[%get3A_574] : memref<128xi32, #tpu.memory_space<smem>>
    %dma_start3A_576 = arith.constant 4 : i32
    %dma_start3A_577 = arith.constant 64 : i32
    %dma_start3A_578 = arith.constant 0 : i32
    %dma_start3A_579 = tpu.memref_slice %arg6[%dma_start3A_577, %dma_start3A_578] : memref<128x4096xf32, #tpu.memory_space<vmem>> -> memref<1x4096xf32, #tpu.memory_space<vmem>>
    %dma_start3A_580 = arith.constant 0 : i32
    %dma_start3A_581 = tpu.memref_slice %arg2[%get3A_575, %dma_start3A_576, %dma_start3A_580] : memref<2305x8x4096xf32, #tpu.memory_space<any>> -> memref<1x1x4096xf32, #tpu.memory_space<any>>
    %dma_start3A_582 = tpu.memref_squeeze %dma_start3A_581 : memref<1x1x4096xf32, #tpu.memory_space<any>> -> memref<1x4096xf32, #tpu.memory_space<any>>
    tpu.enqueue_dma source(%dma_start3A_582 : memref<1x4096xf32, #tpu.memory_space<any>>) target(%dma_start3A_579 : memref<1x4096xf32, #tpu.memory_space<vmem>>) target_semaphore(%arg7 : memref<!tpu.dma_semaphore, #tpu.memory_space<semaphore_mem>>)
    %get3A_583 = arith.constant 65 : index
    %get3A_584 = memref.load %arg0[%get3A_583] : memref<128xi32, #tpu.memory_space<smem>>
    %dma_start3A_585 = arith.constant 4 : i32
    %dma_start3A_586 = arith.constant 65 : i32
    %dma_start3A_587 = arith.constant 0 : i32
    %dma_start3A_588 = tpu.memref_slice %arg6[%dma_start3A_586, %dma_start3A_587] : memref<128x4096xf32, #tpu.memory_space<vmem>> -> memref<1x4096xf32, #tpu.memory_space<vmem>>
    %dma_start3A_589 = arith.constant 0 : i32
    %dma_start3A_590 = tpu.memref_slice %arg2[%get3A_584, %dma_start3A_585, %dma_start3A_589] : memref<2305x8x4096xf32, #tpu.memory_space<any>> -> memref<1x1x4096xf32, #tpu.memory_space<any>>
    %dma_start3A_591 = tpu.memref_squeeze %dma_start3A_590 : memref<1x1x4096xf32, #tpu.memory_space<any>> -> memref<1x4096xf32, #tpu.memory_space<any>>
    tpu.enqueue_dma source(%dma_start3A_591 : memref<1x4096xf32, #tpu.memory_space<any>>) target(%dma_start3A_588 : memref<1x4096xf32, #tpu.memory_space<vmem>>) target_semaphore(%arg7 : memref<!tpu.dma_semaphore, #tpu.memory_space<semaphore_mem>>)
    %get3A_592 = arith.constant 66 : index
    %get3A_593 = memref.load %arg0[%get3A_592] : memref<128xi32, #tpu.memory_space<smem>>
    %dma_start3A_594 = arith.constant 4 : i32
    %dma_start3A_595 = arith.constant 66 : i32
    %dma_start3A_596 = arith.constant 0 : i32
    %dma_start3A_597 = tpu.memref_slice %arg6[%dma_start3A_595, %dma_start3A_596] : memref<128x4096xf32, #tpu.memory_space<vmem>> -> memref<1x4096xf32, #tpu.memory_space<vmem>>
    %dma_start3A_598 = arith.constant 0 : i32
    %dma_start3A_599 = tpu.memref_slice %arg2[%get3A_593, %dma_start3A_594, %dma_start3A_598] : memref<2305x8x4096xf32, #tpu.memory_space<any>> -> memref<1x1x4096xf32, #tpu.memory_space<any>>
    %dma_start3A_600 = tpu.memref_squeeze %dma_start3A_599 : memref<1x1x4096xf32, #tpu.memory_space<any>> -> memref<1x4096xf32, #tpu.memory_space<any>>
    tpu.enqueue_dma source(%dma_start3A_600 : memref<1x4096xf32, #tpu.memory_space<any>>) target(%dma_start3A_597 : memref<1x4096xf32, #tpu.memory_space<vmem>>) target_semaphore(%arg7 : memref<!tpu.dma_semaphore, #tpu.memory_space<semaphore_mem>>)
    %get3A_601 = arith.constant 67 : index
    %get3A_602 = memref.load %arg0[%get3A_601] : memref<128xi32, #tpu.memory_space<smem>>
    %dma_start3A_603 = arith.constant 4 : i32
    %dma_start3A_604 = arith.constant 67 : i32
    %dma_start3A_605 = arith.constant 0 : i32
    %dma_start3A_606 = tpu.memref_slice %arg6[%dma_start3A_604, %dma_start3A_605] : memref<128x4096xf32, #tpu.memory_space<vmem>> -> memref<1x4096xf32, #tpu.memory_space<vmem>>
    %dma_start3A_607 = arith.constant 0 : i32
    %dma_start3A_608 = tpu.memref_slice %arg2[%get3A_602, %dma_start3A_603, %dma_start3A_607] : memref<2305x8x4096xf32, #tpu.memory_space<any>> -> memref<1x1x4096xf32, #tpu.memory_space<any>>
    %dma_start3A_609 = tpu.memref_squeeze %dma_start3A_608 : memref<1x1x4096xf32, #tpu.memory_space<any>> -> memref<1x4096xf32, #tpu.memory_space<any>>
    tpu.enqueue_dma source(%dma_start3A_609 : memref<1x4096xf32, #tpu.memory_space<any>>) target(%dma_start3A_606 : memref<1x4096xf32, #tpu.memory_space<vmem>>) target_semaphore(%arg7 : memref<!tpu.dma_semaphore, #tpu.memory_space<semaphore_mem>>)
    %get3A_610 = arith.constant 68 : index
    %get3A_611 = memref.load %arg0[%get3A_610] : memref<128xi32, #tpu.memory_space<smem>>
    %dma_start3A_612 = arith.constant 4 : i32
    %dma_start3A_613 = arith.constant 68 : i32
    %dma_start3A_614 = arith.constant 0 : i32
    %dma_start3A_615 = tpu.memref_slice %arg6[%dma_start3A_613, %dma_start3A_614] : memref<128x4096xf32, #tpu.memory_space<vmem>> -> memref<1x4096xf32, #tpu.memory_space<vmem>>
    %dma_start3A_616 = arith.constant 0 : i32
    %dma_start3A_617 = tpu.memref_slice %arg2[%get3A_611, %dma_start3A_612, %dma_start3A_616] : memref<2305x8x4096xf32, #tpu.memory_space<any>> -> memref<1x1x4096xf32, #tpu.memory_space<any>>
    %dma_start3A_618 = tpu.memref_squeeze %dma_start3A_617 : memref<1x1x4096xf32, #tpu.memory_space<any>> -> memref<1x4096xf32, #tpu.memory_space<any>>
    tpu.enqueue_dma source(%dma_start3A_618 : memref<1x4096xf32, #tpu.memory_space<any>>) target(%dma_start3A_615 : memref<1x4096xf32, #tpu.memory_space<vmem>>) target_semaphore(%arg7 : memref<!tpu.dma_semaphore, #tpu.memory_space<semaphore_mem>>)
    %get3A_619 = arith.constant 69 : index
    %get3A_620 = memref.load %arg0[%get3A_619] : memref<128xi32, #tpu.memory_space<smem>>
    %dma_start3A_621 = arith.constant 4 : i32
    %dma_start3A_622 = arith.constant 69 : i32
    %dma_start3A_623 = arith.constant 0 : i32
    %dma_start3A_624 = tpu.memref_slice %arg6[%dma_start3A_622, %dma_start3A_623] : memref<128x4096xf32, #tpu.memory_space<vmem>> -> memref<1x4096xf32, #tpu.memory_space<vmem>>
    %dma_start3A_625 = arith.constant 0 : i32
    %dma_start3A_626 = tpu.memref_slice %arg2[%get3A_620, %dma_start3A_621, %dma_start3A_625] : memref<2305x8x4096xf32, #tpu.memory_space<any>> -> memref<1x1x4096xf32, #tpu.memory_space<any>>
    %dma_start3A_627 = tpu.memref_squeeze %dma_start3A_626 : memref<1x1x4096xf32, #tpu.memory_space<any>> -> memref<1x4096xf32, #tpu.memory_space<any>>
    tpu.enqueue_dma source(%dma_start3A_627 : memref<1x4096xf32, #tpu.memory_space<any>>) target(%dma_start3A_624 : memref<1x4096xf32, #tpu.memory_space<vmem>>) target_semaphore(%arg7 : memref<!tpu.dma_semaphore, #tpu.memory_space<semaphore_mem>>)
    %get3A_628 = arith.constant 70 : index
    %get3A_629 = memref.load %arg0[%get3A_628] : memref<128xi32, #tpu.memory_space<smem>>
    %dma_start3A_630 = arith.constant 4 : i32
    %dma_start3A_631 = arith.constant 70 : i32
    %dma_start3A_632 = arith.constant 0 : i32
    %dma_start3A_633 = tpu.memref_slice %arg6[%dma_start3A_631, %dma_start3A_632] : memref<128x4096xf32, #tpu.memory_space<vmem>> -> memref<1x4096xf32, #tpu.memory_space<vmem>>
    %dma_start3A_634 = arith.constant 0 : i32
    %dma_start3A_635 = tpu.memref_slice %arg2[%get3A_629, %dma_start3A_630, %dma_start3A_634] : memref<2305x8x4096xf32, #tpu.memory_space<any>> -> memref<1x1x4096xf32, #tpu.memory_space<any>>
    %dma_start3A_636 = tpu.memref_squeeze %dma_start3A_635 : memref<1x1x4096xf32, #tpu.memory_space<any>> -> memref<1x4096xf32, #tpu.memory_space<any>>
    tpu.enqueue_dma source(%dma_start3A_636 : memref<1x4096xf32, #tpu.memory_space<any>>) target(%dma_start3A_633 : memref<1x4096xf32, #tpu.memory_space<vmem>>) target_semaphore(%arg7 : memref<!tpu.dma_semaphore, #tpu.memory_space<semaphore_mem>>)
    %get3A_637 = arith.constant 71 : index
    %get3A_638 = memref.load %arg0[%get3A_637] : memref<128xi32, #tpu.memory_space<smem>>
    %dma_start3A_639 = arith.constant 4 : i32
    %dma_start3A_640 = arith.constant 71 : i32
    %dma_start3A_641 = arith.constant 0 : i32
    %dma_start3A_642 = tpu.memref_slice %arg6[%dma_start3A_640, %dma_start3A_641] : memref<128x4096xf32, #tpu.memory_space<vmem>> -> memref<1x4096xf32, #tpu.memory_space<vmem>>
    %dma_start3A_643 = arith.constant 0 : i32
    %dma_start3A_644 = tpu.memref_slice %arg2[%get3A_638, %dma_start3A_639, %dma_start3A_643] : memref<2305x8x4096xf32, #tpu.memory_space<any>> -> memref<1x1x4096xf32, #tpu.memory_space<any>>
    %dma_start3A_645 = tpu.memref_squeeze %dma_start3A_644 : memref<1x1x4096xf32, #tpu.memory_space<any>> -> memref<1x4096xf32, #tpu.memory_space<any>>
    tpu.enqueue_dma source(%dma_start3A_645 : memref<1x4096xf32, #tpu.memory_space<any>>) target(%dma_start3A_642 : memref<1x4096xf32, #tpu.memory_space<vmem>>) target_semaphore(%arg7 : memref<!tpu.dma_semaphore, #tpu.memory_space<semaphore_mem>>)
    %get3A_646 = arith.constant 72 : index
    %get3A_647 = memref.load %arg0[%get3A_646] : memref<128xi32, #tpu.memory_space<smem>>
    %dma_start3A_648 = arith.constant 4 : i32
    %dma_start3A_649 = arith.constant 72 : i32
    %dma_start3A_650 = arith.constant 0 : i32
    %dma_start3A_651 = tpu.memref_slice %arg6[%dma_start3A_649, %dma_start3A_650] : memref<128x4096xf32, #tpu.memory_space<vmem>> -> memref<1x4096xf32, #tpu.memory_space<vmem>>
    %dma_start3A_652 = arith.constant 0 : i32
    %dma_start3A_653 = tpu.memref_slice %arg2[%get3A_647, %dma_start3A_648, %dma_start3A_652] : memref<2305x8x4096xf32, #tpu.memory_space<any>> -> memref<1x1x4096xf32, #tpu.memory_space<any>>
    %dma_start3A_654 = tpu.memref_squeeze %dma_start3A_653 : memref<1x1x4096xf32, #tpu.memory_space<any>> -> memref<1x4096xf32, #tpu.memory_space<any>>
    tpu.enqueue_dma source(%dma_start3A_654 : memref<1x4096xf32, #tpu.memory_space<any>>) target(%dma_start3A_651 : memref<1x4096xf32, #tpu.memory_space<vmem>>) target_semaphore(%arg7 : memref<!tpu.dma_semaphore, #tpu.memory_space<semaphore_mem>>)
    %get3A_655 = arith.constant 73 : index
    %get3A_656 = memref.load %arg0[%get3A_655] : memref<128xi32, #tpu.memory_space<smem>>
    %dma_start3A_657 = arith.constant 4 : i32
    %dma_start3A_658 = arith.constant 73 : i32
    %dma_start3A_659 = arith.constant 0 : i32
    %dma_start3A_660 = tpu.memref_slice %arg6[%dma_start3A_658, %dma_start3A_659] : memref<128x4096xf32, #tpu.memory_space<vmem>> -> memref<1x4096xf32, #tpu.memory_space<vmem>>
    %dma_start3A_661 = arith.constant 0 : i32
    %dma_start3A_662 = tpu.memref_slice %arg2[%get3A_656, %dma_start3A_657, %dma_start3A_661] : memref<2305x8x4096xf32, #tpu.memory_space<any>> -> memref<1x1x4096xf32, #tpu.memory_space<any>>
    %dma_start3A_663 = tpu.memref_squeeze %dma_start3A_662 : memref<1x1x4096xf32, #tpu.memory_space<any>> -> memref<1x4096xf32, #tpu.memory_space<any>>
    tpu.enqueue_dma source(%dma_start3A_663 : memref<1x4096xf32, #tpu.memory_space<any>>) target(%dma_start3A_660 : memref<1x4096xf32, #tpu.memory_space<vmem>>) target_semaphore(%arg7 : memref<!tpu.dma_semaphore, #tpu.memory_space<semaphore_mem>>)
    %get3A_664 = arith.constant 74 : index
    %get3A_665 = memref.load %arg0[%get3A_664] : memref<128xi32, #tpu.memory_space<smem>>
    %dma_start3A_666 = arith.constant 4 : i32
    %dma_start3A_667 = arith.constant 74 : i32
    %dma_start3A_668 = arith.constant 0 : i32
    %dma_start3A_669 = tpu.memref_slice %arg6[%dma_start3A_667, %dma_start3A_668] : memref<128x4096xf32, #tpu.memory_space<vmem>> -> memref<1x4096xf32, #tpu.memory_space<vmem>>
    %dma_start3A_670 = arith.constant 0 : i32
    %dma_start3A_671 = tpu.memref_slice %arg2[%get3A_665, %dma_start3A_666, %dma_start3A_670] : memref<2305x8x4096xf32, #tpu.memory_space<any>> -> memref<1x1x4096xf32, #tpu.memory_space<any>>
    %dma_start3A_672 = tpu.memref_squeeze %dma_start3A_671 : memref<1x1x4096xf32, #tpu.memory_space<any>> -> memref<1x4096xf32, #tpu.memory_space<any>>
    tpu.enqueue_dma source(%dma_start3A_672 : memref<1x4096xf32, #tpu.memory_space<any>>) target(%dma_start3A_669 : memref<1x4096xf32, #tpu.memory_space<vmem>>) target_semaphore(%arg7 : memref<!tpu.dma_semaphore, #tpu.memory_space<semaphore_mem>>)
    %get3A_673 = arith.constant 75 : index
    %get3A_674 = memref.load %arg0[%get3A_673] : memref<128xi32, #tpu.memory_space<smem>>
    %dma_start3A_675 = arith.constant 4 : i32
    %dma_start3A_676 = arith.constant 75 : i32
    %dma_start3A_677 = arith.constant 0 : i32
    %dma_start3A_678 = tpu.memref_slice %arg6[%dma_start3A_676, %dma_start3A_677] : memref<128x4096xf32, #tpu.memory_space<vmem>> -> memref<1x4096xf32, #tpu.memory_space<vmem>>
    %dma_start3A_679 = arith.constant 0 : i32
    %dma_start3A_680 = tpu.memref_slice %arg2[%get3A_674, %dma_start3A_675, %dma_start3A_679] : memref<2305x8x4096xf32, #tpu.memory_space<any>> -> memref<1x1x4096xf32, #tpu.memory_space<any>>
    %dma_start3A_681 = tpu.memref_squeeze %dma_start3A_680 : memref<1x1x4096xf32, #tpu.memory_space<any>> -> memref<1x4096xf32, #tpu.memory_space<any>>
    tpu.enqueue_dma source(%dma_start3A_681 : memref<1x4096xf32, #tpu.memory_space<any>>) target(%dma_start3A_678 : memref<1x4096xf32, #tpu.memory_space<vmem>>) target_semaphore(%arg7 : memref<!tpu.dma_semaphore, #tpu.memory_space<semaphore_mem>>)
    %get3A_682 = arith.constant 76 : index
    %get3A_683 = memref.load %arg0[%get3A_682] : memref<128xi32, #tpu.memory_space<smem>>
    %dma_start3A_684 = arith.constant 4 : i32
    %dma_start3A_685 = arith.constant 76 : i32
    %dma_start3A_686 = arith.constant 0 : i32
    %dma_start3A_687 = tpu.memref_slice %arg6[%dma_start3A_685, %dma_start3A_686] : memref<128x4096xf32, #tpu.memory_space<vmem>> -> memref<1x4096xf32, #tpu.memory_space<vmem>>
    %dma_start3A_688 = arith.constant 0 : i32
    %dma_start3A_689 = tpu.memref_slice %arg2[%get3A_683, %dma_start3A_684, %dma_start3A_688] : memref<2305x8x4096xf32, #tpu.memory_space<any>> -> memref<1x1x4096xf32, #tpu.memory_space<any>>
    %dma_start3A_690 = tpu.memref_squeeze %dma_start3A_689 : memref<1x1x4096xf32, #tpu.memory_space<any>> -> memref<1x4096xf32, #tpu.memory_space<any>>
    tpu.enqueue_dma source(%dma_start3A_690 : memref<1x4096xf32, #tpu.memory_space<any>>) target(%dma_start3A_687 : memref<1x4096xf32, #tpu.memory_space<vmem>>) target_semaphore(%arg7 : memref<!tpu.dma_semaphore, #tpu.memory_space<semaphore_mem>>)
    %get3A_691 = arith.constant 77 : index
    %get3A_692 = memref.load %arg0[%get3A_691] : memref<128xi32, #tpu.memory_space<smem>>
    %dma_start3A_693 = arith.constant 4 : i32
    %dma_start3A_694 = arith.constant 77 : i32
    %dma_start3A_695 = arith.constant 0 : i32
    %dma_start3A_696 = tpu.memref_slice %arg6[%dma_start3A_694, %dma_start3A_695] : memref<128x4096xf32, #tpu.memory_space<vmem>> -> memref<1x4096xf32, #tpu.memory_space<vmem>>
    %dma_start3A_697 = arith.constant 0 : i32
    %dma_start3A_698 = tpu.memref_slice %arg2[%get3A_692, %dma_start3A_693, %dma_start3A_697] : memref<2305x8x4096xf32, #tpu.memory_space<any>> -> memref<1x1x4096xf32, #tpu.memory_space<any>>
    %dma_start3A_699 = tpu.memref_squeeze %dma_start3A_698 : memref<1x1x4096xf32, #tpu.memory_space<any>> -> memref<1x4096xf32, #tpu.memory_space<any>>
    tpu.enqueue_dma source(%dma_start3A_699 : memref<1x4096xf32, #tpu.memory_space<any>>) target(%dma_start3A_696 : memref<1x4096xf32, #tpu.memory_space<vmem>>) target_semaphore(%arg7 : memref<!tpu.dma_semaphore, #tpu.memory_space<semaphore_mem>>)
    %get3A_700 = arith.constant 78 : index
    %get3A_701 = memref.load %arg0[%get3A_700] : memref<128xi32, #tpu.memory_space<smem>>
    %dma_start3A_702 = arith.constant 4 : i32
    %dma_start3A_703 = arith.constant 78 : i32
    %dma_start3A_704 = arith.constant 0 : i32
    %dma_start3A_705 = tpu.memref_slice %arg6[%dma_start3A_703, %dma_start3A_704] : memref<128x4096xf32, #tpu.memory_space<vmem>> -> memref<1x4096xf32, #tpu.memory_space<vmem>>
    %dma_start3A_706 = arith.constant 0 : i32
    %dma_start3A_707 = tpu.memref_slice %arg2[%get3A_701, %dma_start3A_702, %dma_start3A_706] : memref<2305x8x4096xf32, #tpu.memory_space<any>> -> memref<1x1x4096xf32, #tpu.memory_space<any>>
    %dma_start3A_708 = tpu.memref_squeeze %dma_start3A_707 : memref<1x1x4096xf32, #tpu.memory_space<any>> -> memref<1x4096xf32, #tpu.memory_space<any>>
    tpu.enqueue_dma source(%dma_start3A_708 : memref<1x4096xf32, #tpu.memory_space<any>>) target(%dma_start3A_705 : memref<1x4096xf32, #tpu.memory_space<vmem>>) target_semaphore(%arg7 : memref<!tpu.dma_semaphore, #tpu.memory_space<semaphore_mem>>)
    %get3A_709 = arith.constant 79 : index
    %get3A_710 = memref.load %arg0[%get3A_709] : memref<128xi32, #tpu.memory_space<smem>>
    %dma_start3A_711 = arith.constant 4 : i32
    %dma_start3A_712 = arith.constant 79 : i32
    %dma_start3A_713 = arith.constant 0 : i32
    %dma_start3A_714 = tpu.memref_slice %arg6[%dma_start3A_712, %dma_start3A_713] : memref<128x4096xf32, #tpu.memory_space<vmem>> -> memref<1x4096xf32, #tpu.memory_space<vmem>>
    %dma_start3A_715 = arith.constant 0 : i32
    %dma_start3A_716 = tpu.memref_slice %arg2[%get3A_710, %dma_start3A_711, %dma_start3A_715] : memref<2305x8x4096xf32, #tpu.memory_space<any>> -> memref<1x1x4096xf32, #tpu.memory_space<any>>
    %dma_start3A_717 = tpu.memref_squeeze %dma_start3A_716 : memref<1x1x4096xf32, #tpu.memory_space<any>> -> memref<1x4096xf32, #tpu.memory_space<any>>
    tpu.enqueue_dma source(%dma_start3A_717 : memref<1x4096xf32, #tpu.memory_space<any>>) target(%dma_start3A_714 : memref<1x4096xf32, #tpu.memory_space<vmem>>) target_semaphore(%arg7 : memref<!tpu.dma_semaphore, #tpu.memory_space<semaphore_mem>>)
    %get3A_718 = arith.constant 80 : index
    %get3A_719 = memref.load %arg0[%get3A_718] : memref<128xi32, #tpu.memory_space<smem>>
    %dma_start3A_720 = arith.constant 5 : i32
    %dma_start3A_721 = arith.constant 80 : i32
    %dma_start3A_722 = arith.constant 0 : i32
    %dma_start3A_723 = tpu.memref_slice %arg6[%dma_start3A_721, %dma_start3A_722] : memref<128x4096xf32, #tpu.memory_space<vmem>> -> memref<1x4096xf32, #tpu.memory_space<vmem>>
    %dma_start3A_724 = arith.constant 0 : i32
    %dma_start3A_725 = tpu.memref_slice %arg2[%get3A_719, %dma_start3A_720, %dma_start3A_724] : memref<2305x8x4096xf32, #tpu.memory_space<any>> -> memref<1x1x4096xf32, #tpu.memory_space<any>>
    %dma_start3A_726 = tpu.memref_squeeze %dma_start3A_725 : memref<1x1x4096xf32, #tpu.memory_space<any>> -> memref<1x4096xf32, #tpu.memory_space<any>>
    tpu.enqueue_dma source(%dma_start3A_726 : memref<1x4096xf32, #tpu.memory_space<any>>) target(%dma_start3A_723 : memref<1x4096xf32, #tpu.memory_space<vmem>>) target_semaphore(%arg7 : memref<!tpu.dma_semaphore, #tpu.memory_space<semaphore_mem>>)
    %get3A_727 = arith.constant 81 : index
    %get3A_728 = memref.load %arg0[%get3A_727] : memref<128xi32, #tpu.memory_space<smem>>
    %dma_start3A_729 = arith.constant 5 : i32
    %dma_start3A_730 = arith.constant 81 : i32
    %dma_start3A_731 = arith.constant 0 : i32
    %dma_start3A_732 = tpu.memref_slice %arg6[%dma_start3A_730, %dma_start3A_731] : memref<128x4096xf32, #tpu.memory_space<vmem>> -> memref<1x4096xf32, #tpu.memory_space<vmem>>
    %dma_start3A_733 = arith.constant 0 : i32
    %dma_start3A_734 = tpu.memref_slice %arg2[%get3A_728, %dma_start3A_729, %dma_start3A_733] : memref<2305x8x4096xf32, #tpu.memory_space<any>> -> memref<1x1x4096xf32, #tpu.memory_space<any>>
    %dma_start3A_735 = tpu.memref_squeeze %dma_start3A_734 : memref<1x1x4096xf32, #tpu.memory_space<any>> -> memref<1x4096xf32, #tpu.memory_space<any>>
    tpu.enqueue_dma source(%dma_start3A_735 : memref<1x4096xf32, #tpu.memory_space<any>>) target(%dma_start3A_732 : memref<1x4096xf32, #tpu.memory_space<vmem>>) target_semaphore(%arg7 : memref<!tpu.dma_semaphore, #tpu.memory_space<semaphore_mem>>)
    %get3A_736 = arith.constant 82 : index
    %get3A_737 = memref.load %arg0[%get3A_736] : memref<128xi32, #tpu.memory_space<smem>>
    %dma_start3A_738 = arith.constant 5 : i32
    %dma_start3A_739 = arith.constant 82 : i32
    %dma_start3A_740 = arith.constant 0 : i32
    %dma_start3A_741 = tpu.memref_slice %arg6[%dma_start3A_739, %dma_start3A_740] : memref<128x4096xf32, #tpu.memory_space<vmem>> -> memref<1x4096xf32, #tpu.memory_space<vmem>>
    %dma_start3A_742 = arith.constant 0 : i32
    %dma_start3A_743 = tpu.memref_slice %arg2[%get3A_737, %dma_start3A_738, %dma_start3A_742] : memref<2305x8x4096xf32, #tpu.memory_space<any>> -> memref<1x1x4096xf32, #tpu.memory_space<any>>
    %dma_start3A_744 = tpu.memref_squeeze %dma_start3A_743 : memref<1x1x4096xf32, #tpu.memory_space<any>> -> memref<1x4096xf32, #tpu.memory_space<any>>
    tpu.enqueue_dma source(%dma_start3A_744 : memref<1x4096xf32, #tpu.memory_space<any>>) target(%dma_start3A_741 : memref<1x4096xf32, #tpu.memory_space<vmem>>) target_semaphore(%arg7 : memref<!tpu.dma_semaphore, #tpu.memory_space<semaphore_mem>>)
    %get3A_745 = arith.constant 83 : index
    %get3A_746 = memref.load %arg0[%get3A_745] : memref<128xi32, #tpu.memory_space<smem>>
    %dma_start3A_747 = arith.constant 5 : i32
    %dma_start3A_748 = arith.constant 83 : i32
    %dma_start3A_749 = arith.constant 0 : i32
    %dma_start3A_750 = tpu.memref_slice %arg6[%dma_start3A_748, %dma_start3A_749] : memref<128x4096xf32, #tpu.memory_space<vmem>> -> memref<1x4096xf32, #tpu.memory_space<vmem>>
    %dma_start3A_751 = arith.constant 0 : i32
    %dma_start3A_752 = tpu.memref_slice %arg2[%get3A_746, %dma_start3A_747, %dma_start3A_751] : memref<2305x8x4096xf32, #tpu.memory_space<any>> -> memref<1x1x4096xf32, #tpu.memory_space<any>>
    %dma_start3A_753 = tpu.memref_squeeze %dma_start3A_752 : memref<1x1x4096xf32, #tpu.memory_space<any>> -> memref<1x4096xf32, #tpu.memory_space<any>>
    tpu.enqueue_dma source(%dma_start3A_753 : memref<1x4096xf32, #tpu.memory_space<any>>) target(%dma_start3A_750 : memref<1x4096xf32, #tpu.memory_space<vmem>>) target_semaphore(%arg7 : memref<!tpu.dma_semaphore, #tpu.memory_space<semaphore_mem>>)
    %get3A_754 = arith.constant 84 : index
    %get3A_755 = memref.load %arg0[%get3A_754] : memref<128xi32, #tpu.memory_space<smem>>
    %dma_start3A_756 = arith.constant 5 : i32
    %dma_start3A_757 = arith.constant 84 : i32
    %dma_start3A_758 = arith.constant 0 : i32
    %dma_start3A_759 = tpu.memref_slice %arg6[%dma_start3A_757, %dma_start3A_758] : memref<128x4096xf32, #tpu.memory_space<vmem>> -> memref<1x4096xf32, #tpu.memory_space<vmem>>
    %dma_start3A_760 = arith.constant 0 : i32
    %dma_start3A_761 = tpu.memref_slice %arg2[%get3A_755, %dma_start3A_756, %dma_start3A_760] : memref<2305x8x4096xf32, #tpu.memory_space<any>> -> memref<1x1x4096xf32, #tpu.memory_space<any>>
    %dma_start3A_762 = tpu.memref_squeeze %dma_start3A_761 : memref<1x1x4096xf32, #tpu.memory_space<any>> -> memref<1x4096xf32, #tpu.memory_space<any>>
    tpu.enqueue_dma source(%dma_start3A_762 : memref<1x4096xf32, #tpu.memory_space<any>>) target(%dma_start3A_759 : memref<1x4096xf32, #tpu.memory_space<vmem>>) target_semaphore(%arg7 : memref<!tpu.dma_semaphore, #tpu.memory_space<semaphore_mem>>)
    %get3A_763 = arith.constant 85 : index
    %get3A_764 = memref.load %arg0[%get3A_763] : memref<128xi32, #tpu.memory_space<smem>>
    %dma_start3A_765 = arith.constant 5 : i32
    %dma_start3A_766 = arith.constant 85 : i32
    %dma_start3A_767 = arith.constant 0 : i32
    %dma_start3A_768 = tpu.memref_slice %arg6[%dma_start3A_766, %dma_start3A_767] : memref<128x4096xf32, #tpu.memory_space<vmem>> -> memref<1x4096xf32, #tpu.memory_space<vmem>>
    %dma_start3A_769 = arith.constant 0 : i32
    %dma_start3A_770 = tpu.memref_slice %arg2[%get3A_764, %dma_start3A_765, %dma_start3A_769] : memref<2305x8x4096xf32, #tpu.memory_space<any>> -> memref<1x1x4096xf32, #tpu.memory_space<any>>
    %dma_start3A_771 = tpu.memref_squeeze %dma_start3A_770 : memref<1x1x4096xf32, #tpu.memory_space<any>> -> memref<1x4096xf32, #tpu.memory_space<any>>
    tpu.enqueue_dma source(%dma_start3A_771 : memref<1x4096xf32, #tpu.memory_space<any>>) target(%dma_start3A_768 : memref<1x4096xf32, #tpu.memory_space<vmem>>) target_semaphore(%arg7 : memref<!tpu.dma_semaphore, #tpu.memory_space<semaphore_mem>>)
    %get3A_772 = arith.constant 86 : index
    %get3A_773 = memref.load %arg0[%get3A_772] : memref<128xi32, #tpu.memory_space<smem>>
    %dma_start3A_774 = arith.constant 5 : i32
    %dma_start3A_775 = arith.constant 86 : i32
    %dma_start3A_776 = arith.constant 0 : i32
    %dma_start3A_777 = tpu.memref_slice %arg6[%dma_start3A_775, %dma_start3A_776] : memref<128x4096xf32, #tpu.memory_space<vmem>> -> memref<1x4096xf32, #tpu.memory_space<vmem>>
    %dma_start3A_778 = arith.constant 0 : i32
    %dma_start3A_779 = tpu.memref_slice %arg2[%get3A_773, %dma_start3A_774, %dma_start3A_778] : memref<2305x8x4096xf32, #tpu.memory_space<any>> -> memref<1x1x4096xf32, #tpu.memory_space<any>>
    %dma_start3A_780 = tpu.memref_squeeze %dma_start3A_779 : memref<1x1x4096xf32, #tpu.memory_space<any>> -> memref<1x4096xf32, #tpu.memory_space<any>>
    tpu.enqueue_dma source(%dma_start3A_780 : memref<1x4096xf32, #tpu.memory_space<any>>) target(%dma_start3A_777 : memref<1x4096xf32, #tpu.memory_space<vmem>>) target_semaphore(%arg7 : memref<!tpu.dma_semaphore, #tpu.memory_space<semaphore_mem>>)
    %get3A_781 = arith.constant 87 : index
    %get3A_782 = memref.load %arg0[%get3A_781] : memref<128xi32, #tpu.memory_space<smem>>
    %dma_start3A_783 = arith.constant 5 : i32
    %dma_start3A_784 = arith.constant 87 : i32
    %dma_start3A_785 = arith.constant 0 : i32
    %dma_start3A_786 = tpu.memref_slice %arg6[%dma_start3A_784, %dma_start3A_785] : memref<128x4096xf32, #tpu.memory_space<vmem>> -> memref<1x4096xf32, #tpu.memory_space<vmem>>
    %dma_start3A_787 = arith.constant 0 : i32
    %dma_start3A_788 = tpu.memref_slice %arg2[%get3A_782, %dma_start3A_783, %dma_start3A_787] : memref<2305x8x4096xf32, #tpu.memory_space<any>> -> memref<1x1x4096xf32, #tpu.memory_space<any>>
    %dma_start3A_789 = tpu.memref_squeeze %dma_start3A_788 : memref<1x1x4096xf32, #tpu.memory_space<any>> -> memref<1x4096xf32, #tpu.memory_space<any>>
    tpu.enqueue_dma source(%dma_start3A_789 : memref<1x4096xf32, #tpu.memory_space<any>>) target(%dma_start3A_786 : memref<1x4096xf32, #tpu.memory_space<vmem>>) target_semaphore(%arg7 : memref<!tpu.dma_semaphore, #tpu.memory_space<semaphore_mem>>)
    %get3A_790 = arith.constant 88 : index
    %get3A_791 = memref.load %arg0[%get3A_790] : memref<128xi32, #tpu.memory_space<smem>>
    %dma_start3A_792 = arith.constant 5 : i32
    %dma_start3A_793 = arith.constant 88 : i32
    %dma_start3A_794 = arith.constant 0 : i32
    %dma_start3A_795 = tpu.memref_slice %arg6[%dma_start3A_793, %dma_start3A_794] : memref<128x4096xf32, #tpu.memory_space<vmem>> -> memref<1x4096xf32, #tpu.memory_space<vmem>>
    %dma_start3A_796 = arith.constant 0 : i32
    %dma_start3A_797 = tpu.memref_slice %arg2[%get3A_791, %dma_start3A_792, %dma_start3A_796] : memref<2305x8x4096xf32, #tpu.memory_space<any>> -> memref<1x1x4096xf32, #tpu.memory_space<any>>
    %dma_start3A_798 = tpu.memref_squeeze %dma_start3A_797 : memref<1x1x4096xf32, #tpu.memory_space<any>> -> memref<1x4096xf32, #tpu.memory_space<any>>
    tpu.enqueue_dma source(%dma_start3A_798 : memref<1x4096xf32, #tpu.memory_space<any>>) target(%dma_start3A_795 : memref<1x4096xf32, #tpu.memory_space<vmem>>) target_semaphore(%arg7 : memref<!tpu.dma_semaphore, #tpu.memory_space<semaphore_mem>>)
    %get3A_799 = arith.constant 89 : index
    %get3A_800 = memref.load %arg0[%get3A_799] : memref<128xi32, #tpu.memory_space<smem>>
    %dma_start3A_801 = arith.constant 5 : i32
    %dma_start3A_802 = arith.constant 89 : i32
    %dma_start3A_803 = arith.constant 0 : i32
    %dma_start3A_804 = tpu.memref_slice %arg6[%dma_start3A_802, %dma_start3A_803] : memref<128x4096xf32, #tpu.memory_space<vmem>> -> memref<1x4096xf32, #tpu.memory_space<vmem>>
    %dma_start3A_805 = arith.constant 0 : i32
    %dma_start3A_806 = tpu.memref_slice %arg2[%get3A_800, %dma_start3A_801, %dma_start3A_805] : memref<2305x8x4096xf32, #tpu.memory_space<any>> -> memref<1x1x4096xf32, #tpu.memory_space<any>>
    %dma_start3A_807 = tpu.memref_squeeze %dma_start3A_806 : memref<1x1x4096xf32, #tpu.memory_space<any>> -> memref<1x4096xf32, #tpu.memory_space<any>>
    tpu.enqueue_dma source(%dma_start3A_807 : memref<1x4096xf32, #tpu.memory_space<any>>) target(%dma_start3A_804 : memref<1x4096xf32, #tpu.memory_space<vmem>>) target_semaphore(%arg7 : memref<!tpu.dma_semaphore, #tpu.memory_space<semaphore_mem>>)
    %get3A_808 = arith.constant 90 : index
    %get3A_809 = memref.load %arg0[%get3A_808] : memref<128xi32, #tpu.memory_space<smem>>
    %dma_start3A_810 = arith.constant 5 : i32
    %dma_start3A_811 = arith.constant 90 : i32
    %dma_start3A_812 = arith.constant 0 : i32
    %dma_start3A_813 = tpu.memref_slice %arg6[%dma_start3A_811, %dma_start3A_812] : memref<128x4096xf32, #tpu.memory_space<vmem>> -> memref<1x4096xf32, #tpu.memory_space<vmem>>
    %dma_start3A_814 = arith.constant 0 : i32
    %dma_start3A_815 = tpu.memref_slice %arg2[%get3A_809, %dma_start3A_810, %dma_start3A_814] : memref<2305x8x4096xf32, #tpu.memory_space<any>> -> memref<1x1x4096xf32, #tpu.memory_space<any>>
    %dma_start3A_816 = tpu.memref_squeeze %dma_start3A_815 : memref<1x1x4096xf32, #tpu.memory_space<any>> -> memref<1x4096xf32, #tpu.memory_space<any>>
    tpu.enqueue_dma source(%dma_start3A_816 : memref<1x4096xf32, #tpu.memory_space<any>>) target(%dma_start3A_813 : memref<1x4096xf32, #tpu.memory_space<vmem>>) target_semaphore(%arg7 : memref<!tpu.dma_semaphore, #tpu.memory_space<semaphore_mem>>)
    %get3A_817 = arith.constant 91 : index
    %get3A_818 = memref.load %arg0[%get3A_817] : memref<128xi32, #tpu.memory_space<smem>>
    %dma_start3A_819 = arith.constant 5 : i32
    %dma_start3A_820 = arith.constant 91 : i32
    %dma_start3A_821 = arith.constant 0 : i32
    %dma_start3A_822 = tpu.memref_slice %arg6[%dma_start3A_820, %dma_start3A_821] : memref<128x4096xf32, #tpu.memory_space<vmem>> -> memref<1x4096xf32, #tpu.memory_space<vmem>>
    %dma_start3A_823 = arith.constant 0 : i32
    %dma_start3A_824 = tpu.memref_slice %arg2[%get3A_818, %dma_start3A_819, %dma_start3A_823] : memref<2305x8x4096xf32, #tpu.memory_space<any>> -> memref<1x1x4096xf32, #tpu.memory_space<any>>
    %dma_start3A_825 = tpu.memref_squeeze %dma_start3A_824 : memref<1x1x4096xf32, #tpu.memory_space<any>> -> memref<1x4096xf32, #tpu.memory_space<any>>
    tpu.enqueue_dma source(%dma_start3A_825 : memref<1x4096xf32, #tpu.memory_space<any>>) target(%dma_start3A_822 : memref<1x4096xf32, #tpu.memory_space<vmem>>) target_semaphore(%arg7 : memref<!tpu.dma_semaphore, #tpu.memory_space<semaphore_mem>>)
    %get3A_826 = arith.constant 92 : index
    %get3A_827 = memref.load %arg0[%get3A_826] : memref<128xi32, #tpu.memory_space<smem>>
    %dma_start3A_828 = arith.constant 5 : i32
    %dma_start3A_829 = arith.constant 92 : i32
    %dma_start3A_830 = arith.constant 0 : i32
    %dma_start3A_831 = tpu.memref_slice %arg6[%dma_start3A_829, %dma_start3A_830] : memref<128x4096xf32, #tpu.memory_space<vmem>> -> memref<1x4096xf32, #tpu.memory_space<vmem>>
    %dma_start3A_832 = arith.constant 0 : i32
    %dma_start3A_833 = tpu.memref_slice %arg2[%get3A_827, %dma_start3A_828, %dma_start3A_832] : memref<2305x8x4096xf32, #tpu.memory_space<any>> -> memref<1x1x4096xf32, #tpu.memory_space<any>>
    %dma_start3A_834 = tpu.memref_squeeze %dma_start3A_833 : memref<1x1x4096xf32, #tpu.memory_space<any>> -> memref<1x4096xf32, #tpu.memory_space<any>>
    tpu.enqueue_dma source(%dma_start3A_834 : memref<1x4096xf32, #tpu.memory_space<any>>) target(%dma_start3A_831 : memref<1x4096xf32, #tpu.memory_space<vmem>>) target_semaphore(%arg7 : memref<!tpu.dma_semaphore, #tpu.memory_space<semaphore_mem>>)
    %get3A_835 = arith.constant 93 : index
    %get3A_836 = memref.load %arg0[%get3A_835] : memref<128xi32, #tpu.memory_space<smem>>
    %dma_start3A_837 = arith.constant 5 : i32
    %dma_start3A_838 = arith.constant 93 : i32
    %dma_start3A_839 = arith.constant 0 : i32
    %dma_start3A_840 = tpu.memref_slice %arg6[%dma_start3A_838, %dma_start3A_839] : memref<128x4096xf32, #tpu.memory_space<vmem>> -> memref<1x4096xf32, #tpu.memory_space<vmem>>
    %dma_start3A_841 = arith.constant 0 : i32
    %dma_start3A_842 = tpu.memref_slice %arg2[%get3A_836, %dma_start3A_837, %dma_start3A_841] : memref<2305x8x4096xf32, #tpu.memory_space<any>> -> memref<1x1x4096xf32, #tpu.memory_space<any>>
    %dma_start3A_843 = tpu.memref_squeeze %dma_start3A_842 : memref<1x1x4096xf32, #tpu.memory_space<any>> -> memref<1x4096xf32, #tpu.memory_space<any>>
    tpu.enqueue_dma source(%dma_start3A_843 : memref<1x4096xf32, #tpu.memory_space<any>>) target(%dma_start3A_840 : memref<1x4096xf32, #tpu.memory_space<vmem>>) target_semaphore(%arg7 : memref<!tpu.dma_semaphore, #tpu.memory_space<semaphore_mem>>)
    %get3A_844 = arith.constant 94 : index
    %get3A_845 = memref.load %arg0[%get3A_844] : memref<128xi32, #tpu.memory_space<smem>>
    %dma_start3A_846 = arith.constant 5 : i32
    %dma_start3A_847 = arith.constant 94 : i32
    %dma_start3A_848 = arith.constant 0 : i32
    %dma_start3A_849 = tpu.memref_slice %arg6[%dma_start3A_847, %dma_start3A_848] : memref<128x4096xf32, #tpu.memory_space<vmem>> -> memref<1x4096xf32, #tpu.memory_space<vmem>>
    %dma_start3A_850 = arith.constant 0 : i32
    %dma_start3A_851 = tpu.memref_slice %arg2[%get3A_845, %dma_start3A_846, %dma_start3A_850] : memref<2305x8x4096xf32, #tpu.memory_space<any>> -> memref<1x1x4096xf32, #tpu.memory_space<any>>
    %dma_start3A_852 = tpu.memref_squeeze %dma_start3A_851 : memref<1x1x4096xf32, #tpu.memory_space<any>> -> memref<1x4096xf32, #tpu.memory_space<any>>
    tpu.enqueue_dma source(%dma_start3A_852 : memref<1x4096xf32, #tpu.memory_space<any>>) target(%dma_start3A_849 : memref<1x4096xf32, #tpu.memory_space<vmem>>) target_semaphore(%arg7 : memref<!tpu.dma_semaphore, #tpu.memory_space<semaphore_mem>>)
    %get3A_853 = arith.constant 95 : index
    %get3A_854 = memref.load %arg0[%get3A_853] : memref<128xi32, #tpu.memory_space<smem>>
    %dma_start3A_855 = arith.constant 5 : i32
    %dma_start3A_856 = arith.constant 95 : i32
    %dma_start3A_857 = arith.constant 0 : i32
    %dma_start3A_858 = tpu.memref_slice %arg6[%dma_start3A_856, %dma_start3A_857] : memref<128x4096xf32, #tpu.memory_space<vmem>> -> memref<1x4096xf32, #tpu.memory_space<vmem>>
    %dma_start3A_859 = arith.constant 0 : i32
    %dma_start3A_860 = tpu.memref_slice %arg2[%get3A_854, %dma_start3A_855, %dma_start3A_859] : memref<2305x8x4096xf32, #tpu.memory_space<any>> -> memref<1x1x4096xf32, #tpu.memory_space<any>>
    %dma_start3A_861 = tpu.memref_squeeze %dma_start3A_860 : memref<1x1x4096xf32, #tpu.memory_space<any>> -> memref<1x4096xf32, #tpu.memory_space<any>>
    tpu.enqueue_dma source(%dma_start3A_861 : memref<1x4096xf32, #tpu.memory_space<any>>) target(%dma_start3A_858 : memref<1x4096xf32, #tpu.memory_space<vmem>>) target_semaphore(%arg7 : memref<!tpu.dma_semaphore, #tpu.memory_space<semaphore_mem>>)
    %get3A_862 = arith.constant 96 : index
    %get3A_863 = memref.load %arg0[%get3A_862] : memref<128xi32, #tpu.memory_space<smem>>
    %dma_start3A_864 = arith.constant 6 : i32
    %dma_start3A_865 = arith.constant 96 : i32
    %dma_start3A_866 = arith.constant 0 : i32
    %dma_start3A_867 = tpu.memref_slice %arg6[%dma_start3A_865, %dma_start3A_866] : memref<128x4096xf32, #tpu.memory_space<vmem>> -> memref<1x4096xf32, #tpu.memory_space<vmem>>
    %dma_start3A_868 = arith.constant 0 : i32
    %dma_start3A_869 = tpu.memref_slice %arg2[%get3A_863, %dma_start3A_864, %dma_start3A_868] : memref<2305x8x4096xf32, #tpu.memory_space<any>> -> memref<1x1x4096xf32, #tpu.memory_space<any>>
    %dma_start3A_870 = tpu.memref_squeeze %dma_start3A_869 : memref<1x1x4096xf32, #tpu.memory_space<any>> -> memref<1x4096xf32, #tpu.memory_space<any>>
    tpu.enqueue_dma source(%dma_start3A_870 : memref<1x4096xf32, #tpu.memory_space<any>>) target(%dma_start3A_867 : memref<1x4096xf32, #tpu.memory_space<vmem>>) target_semaphore(%arg7 : memref<!tpu.dma_semaphore, #tpu.memory_space<semaphore_mem>>)
    %get3A_871 = arith.constant 97 : index
    %get3A_872 = memref.load %arg0[%get3A_871] : memref<128xi32, #tpu.memory_space<smem>>
    %dma_start3A_873 = arith.constant 6 : i32
    %dma_start3A_874 = arith.constant 97 : i32
    %dma_start3A_875 = arith.constant 0 : i32
    %dma_start3A_876 = tpu.memref_slice %arg6[%dma_start3A_874, %dma_start3A_875] : memref<128x4096xf32, #tpu.memory_space<vmem>> -> memref<1x4096xf32, #tpu.memory_space<vmem>>
    %dma_start3A_877 = arith.constant 0 : i32
    %dma_start3A_878 = tpu.memref_slice %arg2[%get3A_872, %dma_start3A_873, %dma_start3A_877] : memref<2305x8x4096xf32, #tpu.memory_space<any>> -> memref<1x1x4096xf32, #tpu.memory_space<any>>
    %dma_start3A_879 = tpu.memref_squeeze %dma_start3A_878 : memref<1x1x4096xf32, #tpu.memory_space<any>> -> memref<1x4096xf32, #tpu.memory_space<any>>
    tpu.enqueue_dma source(%dma_start3A_879 : memref<1x4096xf32, #tpu.memory_space<any>>) target(%dma_start3A_876 : memref<1x4096xf32, #tpu.memory_space<vmem>>) target_semaphore(%arg7 : memref<!tpu.dma_semaphore, #tpu.memory_space<semaphore_mem>>)
    %get3A_880 = arith.constant 98 : index
    %get3A_881 = memref.load %arg0[%get3A_880] : memref<128xi32, #tpu.memory_space<smem>>
    %dma_start3A_882 = arith.constant 6 : i32
    %dma_start3A_883 = arith.constant 98 : i32
    %dma_start3A_884 = arith.constant 0 : i32
    %dma_start3A_885 = tpu.memref_slice %arg6[%dma_start3A_883, %dma_start3A_884] : memref<128x4096xf32, #tpu.memory_space<vmem>> -> memref<1x4096xf32, #tpu.memory_space<vmem>>
    %dma_start3A_886 = arith.constant 0 : i32
    %dma_start3A_887 = tpu.memref_slice %arg2[%get3A_881, %dma_start3A_882, %dma_start3A_886] : memref<2305x8x4096xf32, #tpu.memory_space<any>> -> memref<1x1x4096xf32, #tpu.memory_space<any>>
    %dma_start3A_888 = tpu.memref_squeeze %dma_start3A_887 : memref<1x1x4096xf32, #tpu.memory_space<any>> -> memref<1x4096xf32, #tpu.memory_space<any>>
    tpu.enqueue_dma source(%dma_start3A_888 : memref<1x4096xf32, #tpu.memory_space<any>>) target(%dma_start3A_885 : memref<1x4096xf32, #tpu.memory_space<vmem>>) target_semaphore(%arg7 : memref<!tpu.dma_semaphore, #tpu.memory_space<semaphore_mem>>)
    %get3A_889 = arith.constant 99 : index
    %get3A_890 = memref.load %arg0[%get3A_889] : memref<128xi32, #tpu.memory_space<smem>>
    %dma_start3A_891 = arith.constant 6 : i32
    %dma_start3A_892 = arith.constant 99 : i32
    %dma_start3A_893 = arith.constant 0 : i32
    %dma_start3A_894 = tpu.memref_slice %arg6[%dma_start3A_892, %dma_start3A_893] : memref<128x4096xf32, #tpu.memory_space<vmem>> -> memref<1x4096xf32, #tpu.memory_space<vmem>>
    %dma_start3A_895 = arith.constant 0 : i32
    %dma_start3A_896 = tpu.memref_slice %arg2[%get3A_890, %dma_start3A_891, %dma_start3A_895] : memref<2305x8x4096xf32, #tpu.memory_space<any>> -> memref<1x1x4096xf32, #tpu.memory_space<any>>
    %dma_start3A_897 = tpu.memref_squeeze %dma_start3A_896 : memref<1x1x4096xf32, #tpu.memory_space<any>> -> memref<1x4096xf32, #tpu.memory_space<any>>
    tpu.enqueue_dma source(%dma_start3A_897 : memref<1x4096xf32, #tpu.memory_space<any>>) target(%dma_start3A_894 : memref<1x4096xf32, #tpu.memory_space<vmem>>) target_semaphore(%arg7 : memref<!tpu.dma_semaphore, #tpu.memory_space<semaphore_mem>>)
    %get3A_898 = arith.constant 100 : index
    %get3A_899 = memref.load %arg0[%get3A_898] : memref<128xi32, #tpu.memory_space<smem>>
    %dma_start3A_900 = arith.constant 6 : i32
    %dma_start3A_901 = arith.constant 100 : i32
    %dma_start3A_902 = arith.constant 0 : i32
    %dma_start3A_903 = tpu.memref_slice %arg6[%dma_start3A_901, %dma_start3A_902] : memref<128x4096xf32, #tpu.memory_space<vmem>> -> memref<1x4096xf32, #tpu.memory_space<vmem>>
    %dma_start3A_904 = arith.constant 0 : i32
    %dma_start3A_905 = tpu.memref_slice %arg2[%get3A_899, %dma_start3A_900, %dma_start3A_904] : memref<2305x8x4096xf32, #tpu.memory_space<any>> -> memref<1x1x4096xf32, #tpu.memory_space<any>>
    %dma_start3A_906 = tpu.memref_squeeze %dma_start3A_905 : memref<1x1x4096xf32, #tpu.memory_space<any>> -> memref<1x4096xf32, #tpu.memory_space<any>>
    tpu.enqueue_dma source(%dma_start3A_906 : memref<1x4096xf32, #tpu.memory_space<any>>) target(%dma_start3A_903 : memref<1x4096xf32, #tpu.memory_space<vmem>>) target_semaphore(%arg7 : memref<!tpu.dma_semaphore, #tpu.memory_space<semaphore_mem>>)
    %get3A_907 = arith.constant 101 : index
    %get3A_908 = memref.load %arg0[%get3A_907] : memref<128xi32, #tpu.memory_space<smem>>
    %dma_start3A_909 = arith.constant 6 : i32
    %dma_start3A_910 = arith.constant 101 : i32
    %dma_start3A_911 = arith.constant 0 : i32
    %dma_start3A_912 = tpu.memref_slice %arg6[%dma_start3A_910, %dma_start3A_911] : memref<128x4096xf32, #tpu.memory_space<vmem>> -> memref<1x4096xf32, #tpu.memory_space<vmem>>
    %dma_start3A_913 = arith.constant 0 : i32
    %dma_start3A_914 = tpu.memref_slice %arg2[%get3A_908, %dma_start3A_909, %dma_start3A_913] : memref<2305x8x4096xf32, #tpu.memory_space<any>> -> memref<1x1x4096xf32, #tpu.memory_space<any>>
    %dma_start3A_915 = tpu.memref_squeeze %dma_start3A_914 : memref<1x1x4096xf32, #tpu.memory_space<any>> -> memref<1x4096xf32, #tpu.memory_space<any>>
    tpu.enqueue_dma source(%dma_start3A_915 : memref<1x4096xf32, #tpu.memory_space<any>>) target(%dma_start3A_912 : memref<1x4096xf32, #tpu.memory_space<vmem>>) target_semaphore(%arg7 : memref<!tpu.dma_semaphore, #tpu.memory_space<semaphore_mem>>)
    %get3A_916 = arith.constant 102 : index
    %get3A_917 = memref.load %arg0[%get3A_916] : memref<128xi32, #tpu.memory_space<smem>>
    %dma_start3A_918 = arith.constant 6 : i32
    %dma_start3A_919 = arith.constant 102 : i32
    %dma_start3A_920 = arith.constant 0 : i32
    %dma_start3A_921 = tpu.memref_slice %arg6[%dma_start3A_919, %dma_start3A_920] : memref<128x4096xf32, #tpu.memory_space<vmem>> -> memref<1x4096xf32, #tpu.memory_space<vmem>>
    %dma_start3A_922 = arith.constant 0 : i32
    %dma_start3A_923 = tpu.memref_slice %arg2[%get3A_917, %dma_start3A_918, %dma_start3A_922] : memref<2305x8x4096xf32, #tpu.memory_space<any>> -> memref<1x1x4096xf32, #tpu.memory_space<any>>
    %dma_start3A_924 = tpu.memref_squeeze %dma_start3A_923 : memref<1x1x4096xf32, #tpu.memory_space<any>> -> memref<1x4096xf32, #tpu.memory_space<any>>
    tpu.enqueue_dma source(%dma_start3A_924 : memref<1x4096xf32, #tpu.memory_space<any>>) target(%dma_start3A_921 : memref<1x4096xf32, #tpu.memory_space<vmem>>) target_semaphore(%arg7 : memref<!tpu.dma_semaphore, #tpu.memory_space<semaphore_mem>>)
    %get3A_925 = arith.constant 103 : index
    %get3A_926 = memref.load %arg0[%get3A_925] : memref<128xi32, #tpu.memory_space<smem>>
    %dma_start3A_927 = arith.constant 6 : i32
    %dma_start3A_928 = arith.constant 103 : i32
    %dma_start3A_929 = arith.constant 0 : i32
    %dma_start3A_930 = tpu.memref_slice %arg6[%dma_start3A_928, %dma_start3A_929] : memref<128x4096xf32, #tpu.memory_space<vmem>> -> memref<1x4096xf32, #tpu.memory_space<vmem>>
    %dma_start3A_931 = arith.constant 0 : i32
    %dma_start3A_932 = tpu.memref_slice %arg2[%get3A_926, %dma_start3A_927, %dma_start3A_931] : memref<2305x8x4096xf32, #tpu.memory_space<any>> -> memref<1x1x4096xf32, #tpu.memory_space<any>>
    %dma_start3A_933 = tpu.memref_squeeze %dma_start3A_932 : memref<1x1x4096xf32, #tpu.memory_space<any>> -> memref<1x4096xf32, #tpu.memory_space<any>>
    tpu.enqueue_dma source(%dma_start3A_933 : memref<1x4096xf32, #tpu.memory_space<any>>) target(%dma_start3A_930 : memref<1x4096xf32, #tpu.memory_space<vmem>>) target_semaphore(%arg7 : memref<!tpu.dma_semaphore, #tpu.memory_space<semaphore_mem>>)
    %get3A_934 = arith.constant 104 : index
    %get3A_935 = memref.load %arg0[%get3A_934] : memref<128xi32, #tpu.memory_space<smem>>
    %dma_start3A_936 = arith.constant 6 : i32
    %dma_start3A_937 = arith.constant 104 : i32
    %dma_start3A_938 = arith.constant 0 : i32
    %dma_start3A_939 = tpu.memref_slice %arg6[%dma_start3A_937, %dma_start3A_938] : memref<128x4096xf32, #tpu.memory_space<vmem>> -> memref<1x4096xf32, #tpu.memory_space<vmem>>
    %dma_start3A_940 = arith.constant 0 : i32
    %dma_start3A_941 = tpu.memref_slice %arg2[%get3A_935, %dma_start3A_936, %dma_start3A_940] : memref<2305x8x4096xf32, #tpu.memory_space<any>> -> memref<1x1x4096xf32, #tpu.memory_space<any>>
    %dma_start3A_942 = tpu.memref_squeeze %dma_start3A_941 : memref<1x1x4096xf32, #tpu.memory_space<any>> -> memref<1x4096xf32, #tpu.memory_space<any>>
    tpu.enqueue_dma source(%dma_start3A_942 : memref<1x4096xf32, #tpu.memory_space<any>>) target(%dma_start3A_939 : memref<1x4096xf32, #tpu.memory_space<vmem>>) target_semaphore(%arg7 : memref<!tpu.dma_semaphore, #tpu.memory_space<semaphore_mem>>)
    %get3A_943 = arith.constant 105 : index
    %get3A_944 = memref.load %arg0[%get3A_943] : memref<128xi32, #tpu.memory_space<smem>>
    %dma_start3A_945 = arith.constant 6 : i32
    %dma_start3A_946 = arith.constant 105 : i32
    %dma_start3A_947 = arith.constant 0 : i32
    %dma_start3A_948 = tpu.memref_slice %arg6[%dma_start3A_946, %dma_start3A_947] : memref<128x4096xf32, #tpu.memory_space<vmem>> -> memref<1x4096xf32, #tpu.memory_space<vmem>>
    %dma_start3A_949 = arith.constant 0 : i32
    %dma_start3A_950 = tpu.memref_slice %arg2[%get3A_944, %dma_start3A_945, %dma_start3A_949] : memref<2305x8x4096xf32, #tpu.memory_space<any>> -> memref<1x1x4096xf32, #tpu.memory_space<any>>
    %dma_start3A_951 = tpu.memref_squeeze %dma_start3A_950 : memref<1x1x4096xf32, #tpu.memory_space<any>> -> memref<1x4096xf32, #tpu.memory_space<any>>
    tpu.enqueue_dma source(%dma_start3A_951 : memref<1x4096xf32, #tpu.memory_space<any>>) target(%dma_start3A_948 : memref<1x4096xf32, #tpu.memory_space<vmem>>) target_semaphore(%arg7 : memref<!tpu.dma_semaphore, #tpu.memory_space<semaphore_mem>>)
    %get3A_952 = arith.constant 106 : index
    %get3A_953 = memref.load %arg0[%get3A_952] : memref<128xi32, #tpu.memory_space<smem>>
    %dma_start3A_954 = arith.constant 6 : i32
    %dma_start3A_955 = arith.constant 106 : i32
    %dma_start3A_956 = arith.constant 0 : i32
    %dma_start3A_957 = tpu.memref_slice %arg6[%dma_start3A_955, %dma_start3A_956] : memref<128x4096xf32, #tpu.memory_space<vmem>> -> memref<1x4096xf32, #tpu.memory_space<vmem>>
    %dma_start3A_958 = arith.constant 0 : i32
    %dma_start3A_959 = tpu.memref_slice %arg2[%get3A_953, %dma_start3A_954, %dma_start3A_958] : memref<2305x8x4096xf32, #tpu.memory_space<any>> -> memref<1x1x4096xf32, #tpu.memory_space<any>>
    %dma_start3A_960 = tpu.memref_squeeze %dma_start3A_959 : memref<1x1x4096xf32, #tpu.memory_space<any>> -> memref<1x4096xf32, #tpu.memory_space<any>>
    tpu.enqueue_dma source(%dma_start3A_960 : memref<1x4096xf32, #tpu.memory_space<any>>) target(%dma_start3A_957 : memref<1x4096xf32, #tpu.memory_space<vmem>>) target_semaphore(%arg7 : memref<!tpu.dma_semaphore, #tpu.memory_space<semaphore_mem>>)
    %get3A_961 = arith.constant 107 : index
    %get3A_962 = memref.load %arg0[%get3A_961] : memref<128xi32, #tpu.memory_space<smem>>
    %dma_start3A_963 = arith.constant 6 : i32
    %dma_start3A_964 = arith.constant 107 : i32
    %dma_start3A_965 = arith.constant 0 : i32
    %dma_start3A_966 = tpu.memref_slice %arg6[%dma_start3A_964, %dma_start3A_965] : memref<128x4096xf32, #tpu.memory_space<vmem>> -> memref<1x4096xf32, #tpu.memory_space<vmem>>
    %dma_start3A_967 = arith.constant 0 : i32
    %dma_start3A_968 = tpu.memref_slice %arg2[%get3A_962, %dma_start3A_963, %dma_start3A_967] : memref<2305x8x4096xf32, #tpu.memory_space<any>> -> memref<1x1x4096xf32, #tpu.memory_space<any>>
    %dma_start3A_969 = tpu.memref_squeeze %dma_start3A_968 : memref<1x1x4096xf32, #tpu.memory_space<any>> -> memref<1x4096xf32, #tpu.memory_space<any>>
    tpu.enqueue_dma source(%dma_start3A_969 : memref<1x4096xf32, #tpu.memory_space<any>>) target(%dma_start3A_966 : memref<1x4096xf32, #tpu.memory_space<vmem>>) target_semaphore(%arg7 : memref<!tpu.dma_semaphore, #tpu.memory_space<semaphore_mem>>)
    %get3A_970 = arith.constant 108 : index
    %get3A_971 = memref.load %arg0[%get3A_970] : memref<128xi32, #tpu.memory_space<smem>>
    %dma_start3A_972 = arith.constant 6 : i32
    %dma_start3A_973 = arith.constant 108 : i32
    %dma_start3A_974 = arith.constant 0 : i32
    %dma_start3A_975 = tpu.memref_slice %arg6[%dma_start3A_973, %dma_start3A_974] : memref<128x4096xf32, #tpu.memory_space<vmem>> -> memref<1x4096xf32, #tpu.memory_space<vmem>>
    %dma_start3A_976 = arith.constant 0 : i32
    %dma_start3A_977 = tpu.memref_slice %arg2[%get3A_971, %dma_start3A_972, %dma_start3A_976] : memref<2305x8x4096xf32, #tpu.memory_space<any>> -> memref<1x1x4096xf32, #tpu.memory_space<any>>
    %dma_start3A_978 = tpu.memref_squeeze %dma_start3A_977 : memref<1x1x4096xf32, #tpu.memory_space<any>> -> memref<1x4096xf32, #tpu.memory_space<any>>
    tpu.enqueue_dma source(%dma_start3A_978 : memref<1x4096xf32, #tpu.memory_space<any>>) target(%dma_start3A_975 : memref<1x4096xf32, #tpu.memory_space<vmem>>) target_semaphore(%arg7 : memref<!tpu.dma_semaphore, #tpu.memory_space<semaphore_mem>>)
    %get3A_979 = arith.constant 109 : index
    %get3A_980 = memref.load %arg0[%get3A_979] : memref<128xi32, #tpu.memory_space<smem>>
    %dma_start3A_981 = arith.constant 6 : i32
    %dma_start3A_982 = arith.constant 109 : i32
    %dma_start3A_983 = arith.constant 0 : i32
    %dma_start3A_984 = tpu.memref_slice %arg6[%dma_start3A_982, %dma_start3A_983] : memref<128x4096xf32, #tpu.memory_space<vmem>> -> memref<1x4096xf32, #tpu.memory_space<vmem>>
    %dma_start3A_985 = arith.constant 0 : i32
    %dma_start3A_986 = tpu.memref_slice %arg2[%get3A_980, %dma_start3A_981, %dma_start3A_985] : memref<2305x8x4096xf32, #tpu.memory_space<any>> -> memref<1x1x4096xf32, #tpu.memory_space<any>>
    %dma_start3A_987 = tpu.memref_squeeze %dma_start3A_986 : memref<1x1x4096xf32, #tpu.memory_space<any>> -> memref<1x4096xf32, #tpu.memory_space<any>>
    tpu.enqueue_dma source(%dma_start3A_987 : memref<1x4096xf32, #tpu.memory_space<any>>) target(%dma_start3A_984 : memref<1x4096xf32, #tpu.memory_space<vmem>>) target_semaphore(%arg7 : memref<!tpu.dma_semaphore, #tpu.memory_space<semaphore_mem>>)
    %get3A_988 = arith.constant 110 : index
    %get3A_989 = memref.load %arg0[%get3A_988] : memref<128xi32, #tpu.memory_space<smem>>
    %dma_start3A_990 = arith.constant 6 : i32
    %dma_start3A_991 = arith.constant 110 : i32
    %dma_start3A_992 = arith.constant 0 : i32
    %dma_start3A_993 = tpu.memref_slice %arg6[%dma_start3A_991, %dma_start3A_992] : memref<128x4096xf32, #tpu.memory_space<vmem>> -> memref<1x4096xf32, #tpu.memory_space<vmem>>
    %dma_start3A_994 = arith.constant 0 : i32
    %dma_start3A_995 = tpu.memref_slice %arg2[%get3A_989, %dma_start3A_990, %dma_start3A_994] : memref<2305x8x4096xf32, #tpu.memory_space<any>> -> memref<1x1x4096xf32, #tpu.memory_space<any>>
    %dma_start3A_996 = tpu.memref_squeeze %dma_start3A_995 : memref<1x1x4096xf32, #tpu.memory_space<any>> -> memref<1x4096xf32, #tpu.memory_space<any>>
    tpu.enqueue_dma source(%dma_start3A_996 : memref<1x4096xf32, #tpu.memory_space<any>>) target(%dma_start3A_993 : memref<1x4096xf32, #tpu.memory_space<vmem>>) target_semaphore(%arg7 : memref<!tpu.dma_semaphore, #tpu.memory_space<semaphore_mem>>)
    %get3A_997 = arith.constant 111 : index
    %get3A_998 = memref.load %arg0[%get3A_997] : memref<128xi32, #tpu.memory_space<smem>>
    %dma_start3A_999 = arith.constant 6 : i32
    %dma_start3A_1000 = arith.constant 111 : i32
    %dma_start3A_1001 = arith.constant 0 : i32
    %dma_start3A_1002 = tpu.memref_slice %arg6[%dma_start3A_1000, %dma_start3A_1001] : memref<128x4096xf32, #tpu.memory_space<vmem>> -> memref<1x4096xf32, #tpu.memory_space<vmem>>
    %dma_start3A_1003 = arith.constant 0 : i32
    %dma_start3A_1004 = tpu.memref_slice %arg2[%get3A_998, %dma_start3A_999, %dma_start3A_1003] : memref<2305x8x4096xf32, #tpu.memory_space<any>> -> memref<1x1x4096xf32, #tpu.memory_space<any>>
    %dma_start3A_1005 = tpu.memref_squeeze %dma_start3A_1004 : memref<1x1x4096xf32, #tpu.memory_space<any>> -> memref<1x4096xf32, #tpu.memory_space<any>>
    tpu.enqueue_dma source(%dma_start3A_1005 : memref<1x4096xf32, #tpu.memory_space<any>>) target(%dma_start3A_1002 : memref<1x4096xf32, #tpu.memory_space<vmem>>) target_semaphore(%arg7 : memref<!tpu.dma_semaphore, #tpu.memory_space<semaphore_mem>>)
    %get3A_1006 = arith.constant 112 : index
    %get3A_1007 = memref.load %arg0[%get3A_1006] : memref<128xi32, #tpu.memory_space<smem>>
    %dma_start3A_1008 = arith.constant 7 : i32
    %dma_start3A_1009 = arith.constant 112 : i32
    %dma_start3A_1010 = arith.constant 0 : i32
    %dma_start3A_1011 = tpu.memref_slice %arg6[%dma_start3A_1009, %dma_start3A_1010] : memref<128x4096xf32, #tpu.memory_space<vmem>> -> memref<1x4096xf32, #tpu.memory_space<vmem>>
    %dma_start3A_1012 = arith.constant 0 : i32
    %dma_start3A_1013 = tpu.memref_slice %arg2[%get3A_1007, %dma_start3A_1008, %dma_start3A_1012] : memref<2305x8x4096xf32, #tpu.memory_space<any>> -> memref<1x1x4096xf32, #tpu.memory_space<any>>
    %dma_start3A_1014 = tpu.memref_squeeze %dma_start3A_1013 : memref<1x1x4096xf32, #tpu.memory_space<any>> -> memref<1x4096xf32, #tpu.memory_space<any>>
    tpu.enqueue_dma source(%dma_start3A_1014 : memref<1x4096xf32, #tpu.memory_space<any>>) target(%dma_start3A_1011 : memref<1x4096xf32, #tpu.memory_space<vmem>>) target_semaphore(%arg7 : memref<!tpu.dma_semaphore, #tpu.memory_space<semaphore_mem>>)
    %get3A_1015 = arith.constant 113 : index
    %get3A_1016 = memref.load %arg0[%get3A_1015] : memref<128xi32, #tpu.memory_space<smem>>
    %dma_start3A_1017 = arith.constant 7 : i32
    %dma_start3A_1018 = arith.constant 113 : i32
    %dma_start3A_1019 = arith.constant 0 : i32
    %dma_start3A_1020 = tpu.memref_slice %arg6[%dma_start3A_1018, %dma_start3A_1019] : memref<128x4096xf32, #tpu.memory_space<vmem>> -> memref<1x4096xf32, #tpu.memory_space<vmem>>
    %dma_start3A_1021 = arith.constant 0 : i32
    %dma_start3A_1022 = tpu.memref_slice %arg2[%get3A_1016, %dma_start3A_1017, %dma_start3A_1021] : memref<2305x8x4096xf32, #tpu.memory_space<any>> -> memref<1x1x4096xf32, #tpu.memory_space<any>>
    %dma_start3A_1023 = tpu.memref_squeeze %dma_start3A_1022 : memref<1x1x4096xf32, #tpu.memory_space<any>> -> memref<1x4096xf32, #tpu.memory_space<any>>
    tpu.enqueue_dma source(%dma_start3A_1023 : memref<1x4096xf32, #tpu.memory_space<any>>) target(%dma_start3A_1020 : memref<1x4096xf32, #tpu.memory_space<vmem>>) target_semaphore(%arg7 : memref<!tpu.dma_semaphore, #tpu.memory_space<semaphore_mem>>)
    %get3A_1024 = arith.constant 114 : index
    %get3A_1025 = memref.load %arg0[%get3A_1024] : memref<128xi32, #tpu.memory_space<smem>>
    %dma_start3A_1026 = arith.constant 7 : i32
    %dma_start3A_1027 = arith.constant 114 : i32
    %dma_start3A_1028 = arith.constant 0 : i32
    %dma_start3A_1029 = tpu.memref_slice %arg6[%dma_start3A_1027, %dma_start3A_1028] : memref<128x4096xf32, #tpu.memory_space<vmem>> -> memref<1x4096xf32, #tpu.memory_space<vmem>>
    %dma_start3A_1030 = arith.constant 0 : i32
    %dma_start3A_1031 = tpu.memref_slice %arg2[%get3A_1025, %dma_start3A_1026, %dma_start3A_1030] : memref<2305x8x4096xf32, #tpu.memory_space<any>> -> memref<1x1x4096xf32, #tpu.memory_space<any>>
    %dma_start3A_1032 = tpu.memref_squeeze %dma_start3A_1031 : memref<1x1x4096xf32, #tpu.memory_space<any>> -> memref<1x4096xf32, #tpu.memory_space<any>>
    tpu.enqueue_dma source(%dma_start3A_1032 : memref<1x4096xf32, #tpu.memory_space<any>>) target(%dma_start3A_1029 : memref<1x4096xf32, #tpu.memory_space<vmem>>) target_semaphore(%arg7 : memref<!tpu.dma_semaphore, #tpu.memory_space<semaphore_mem>>)
    %get3A_1033 = arith.constant 115 : index
    %get3A_1034 = memref.load %arg0[%get3A_1033] : memref<128xi32, #tpu.memory_space<smem>>
    %dma_start3A_1035 = arith.constant 7 : i32
    %dma_start3A_1036 = arith.constant 115 : i32
    %dma_start3A_1037 = arith.constant 0 : i32
    %dma_start3A_1038 = tpu.memref_slice %arg6[%dma_start3A_1036, %dma_start3A_1037] : memref<128x4096xf32, #tpu.memory_space<vmem>> -> memref<1x4096xf32, #tpu.memory_space<vmem>>
    %dma_start3A_1039 = arith.constant 0 : i32
    %dma_start3A_1040 = tpu.memref_slice %arg2[%get3A_1034, %dma_start3A_1035, %dma_start3A_1039] : memref<2305x8x4096xf32, #tpu.memory_space<any>> -> memref<1x1x4096xf32, #tpu.memory_space<any>>
    %dma_start3A_1041 = tpu.memref_squeeze %dma_start3A_1040 : memref<1x1x4096xf32, #tpu.memory_space<any>> -> memref<1x4096xf32, #tpu.memory_space<any>>
    tpu.enqueue_dma source(%dma_start3A_1041 : memref<1x4096xf32, #tpu.memory_space<any>>) target(%dma_start3A_1038 : memref<1x4096xf32, #tpu.memory_space<vmem>>) target_semaphore(%arg7 : memref<!tpu.dma_semaphore, #tpu.memory_space<semaphore_mem>>)
    %get3A_1042 = arith.constant 116 : index
    %get3A_1043 = memref.load %arg0[%get3A_1042] : memref<128xi32, #tpu.memory_space<smem>>
    %dma_start3A_1044 = arith.constant 7 : i32
    %dma_start3A_1045 = arith.constant 116 : i32
    %dma_start3A_1046 = arith.constant 0 : i32
    %dma_start3A_1047 = tpu.memref_slice %arg6[%dma_start3A_1045, %dma_start3A_1046] : memref<128x4096xf32, #tpu.memory_space<vmem>> -> memref<1x4096xf32, #tpu.memory_space<vmem>>
    %dma_start3A_1048 = arith.constant 0 : i32
    %dma_start3A_1049 = tpu.memref_slice %arg2[%get3A_1043, %dma_start3A_1044, %dma_start3A_1048] : memref<2305x8x4096xf32, #tpu.memory_space<any>> -> memref<1x1x4096xf32, #tpu.memory_space<any>>
    %dma_start3A_1050 = tpu.memref_squeeze %dma_start3A_1049 : memref<1x1x4096xf32, #tpu.memory_space<any>> -> memref<1x4096xf32, #tpu.memory_space<any>>
    tpu.enqueue_dma source(%dma_start3A_1050 : memref<1x4096xf32, #tpu.memory_space<any>>) target(%dma_start3A_1047 : memref<1x4096xf32, #tpu.memory_space<vmem>>) target_semaphore(%arg7 : memref<!tpu.dma_semaphore, #tpu.memory_space<semaphore_mem>>)
    %get3A_1051 = arith.constant 117 : index
    %get3A_1052 = memref.load %arg0[%get3A_1051] : memref<128xi32, #tpu.memory_space<smem>>
    %dma_start3A_1053 = arith.constant 7 : i32
    %dma_start3A_1054 = arith.constant 117 : i32
    %dma_start3A_1055 = arith.constant 0 : i32
    %dma_start3A_1056 = tpu.memref_slice %arg6[%dma_start3A_1054, %dma_start3A_1055] : memref<128x4096xf32, #tpu.memory_space<vmem>> -> memref<1x4096xf32, #tpu.memory_space<vmem>>
    %dma_start3A_1057 = arith.constant 0 : i32
    %dma_start3A_1058 = tpu.memref_slice %arg2[%get3A_1052, %dma_start3A_1053, %dma_start3A_1057] : memref<2305x8x4096xf32, #tpu.memory_space<any>> -> memref<1x1x4096xf32, #tpu.memory_space<any>>
    %dma_start3A_1059 = tpu.memref_squeeze %dma_start3A_1058 : memref<1x1x4096xf32, #tpu.memory_space<any>> -> memref<1x4096xf32, #tpu.memory_space<any>>
    tpu.enqueue_dma source(%dma_start3A_1059 : memref<1x4096xf32, #tpu.memory_space<any>>) target(%dma_start3A_1056 : memref<1x4096xf32, #tpu.memory_space<vmem>>) target_semaphore(%arg7 : memref<!tpu.dma_semaphore, #tpu.memory_space<semaphore_mem>>)
    %get3A_1060 = arith.constant 118 : index
    %get3A_1061 = memref.load %arg0[%get3A_1060] : memref<128xi32, #tpu.memory_space<smem>>
    %dma_start3A_1062 = arith.constant 7 : i32
    %dma_start3A_1063 = arith.constant 118 : i32
    %dma_start3A_1064 = arith.constant 0 : i32
    %dma_start3A_1065 = tpu.memref_slice %arg6[%dma_start3A_1063, %dma_start3A_1064] : memref<128x4096xf32, #tpu.memory_space<vmem>> -> memref<1x4096xf32, #tpu.memory_space<vmem>>
    %dma_start3A_1066 = arith.constant 0 : i32
    %dma_start3A_1067 = tpu.memref_slice %arg2[%get3A_1061, %dma_start3A_1062, %dma_start3A_1066] : memref<2305x8x4096xf32, #tpu.memory_space<any>> -> memref<1x1x4096xf32, #tpu.memory_space<any>>
    %dma_start3A_1068 = tpu.memref_squeeze %dma_start3A_1067 : memref<1x1x4096xf32, #tpu.memory_space<any>> -> memref<1x4096xf32, #tpu.memory_space<any>>
    tpu.enqueue_dma source(%dma_start3A_1068 : memref<1x4096xf32, #tpu.memory_space<any>>) target(%dma_start3A_1065 : memref<1x4096xf32, #tpu.memory_space<vmem>>) target_semaphore(%arg7 : memref<!tpu.dma_semaphore, #tpu.memory_space<semaphore_mem>>)
    %get3A_1069 = arith.constant 119 : index
    %get3A_1070 = memref.load %arg0[%get3A_1069] : memref<128xi32, #tpu.memory_space<smem>>
    %dma_start3A_1071 = arith.constant 7 : i32
    %dma_start3A_1072 = arith.constant 119 : i32
    %dma_start3A_1073 = arith.constant 0 : i32
    %dma_start3A_1074 = tpu.memref_slice %arg6[%dma_start3A_1072, %dma_start3A_1073] : memref<128x4096xf32, #tpu.memory_space<vmem>> -> memref<1x4096xf32, #tpu.memory_space<vmem>>
    %dma_start3A_1075 = arith.constant 0 : i32
    %dma_start3A_1076 = tpu.memref_slice %arg2[%get3A_1070, %dma_start3A_1071, %dma_start3A_1075] : memref<2305x8x4096xf32, #tpu.memory_space<any>> -> memref<1x1x4096xf32, #tpu.memory_space<any>>
    %dma_start3A_1077 = tpu.memref_squeeze %dma_start3A_1076 : memref<1x1x4096xf32, #tpu.memory_space<any>> -> memref<1x4096xf32, #tpu.memory_space<any>>
    tpu.enqueue_dma source(%dma_start3A_1077 : memref<1x4096xf32, #tpu.memory_space<any>>) target(%dma_start3A_1074 : memref<1x4096xf32, #tpu.memory_space<vmem>>) target_semaphore(%arg7 : memref<!tpu.dma_semaphore, #tpu.memory_space<semaphore_mem>>)
    %get3A_1078 = arith.constant 120 : index
    %get3A_1079 = memref.load %arg0[%get3A_1078] : memref<128xi32, #tpu.memory_space<smem>>
    %dma_start3A_1080 = arith.constant 7 : i32
    %dma_start3A_1081 = arith.constant 120 : i32
    %dma_start3A_1082 = arith.constant 0 : i32
    %dma_start3A_1083 = tpu.memref_slice %arg6[%dma_start3A_1081, %dma_start3A_1082] : memref<128x4096xf32, #tpu.memory_space<vmem>> -> memref<1x4096xf32, #tpu.memory_space<vmem>>
    %dma_start3A_1084 = arith.constant 0 : i32
    %dma_start3A_1085 = tpu.memref_slice %arg2[%get3A_1079, %dma_start3A_1080, %dma_start3A_1084] : memref<2305x8x4096xf32, #tpu.memory_space<any>> -> memref<1x1x4096xf32, #tpu.memory_space<any>>
    %dma_start3A_1086 = tpu.memref_squeeze %dma_start3A_1085 : memref<1x1x4096xf32, #tpu.memory_space<any>> -> memref<1x4096xf32, #tpu.memory_space<any>>
    tpu.enqueue_dma source(%dma_start3A_1086 : memref<1x4096xf32, #tpu.memory_space<any>>) target(%dma_start3A_1083 : memref<1x4096xf32, #tpu.memory_space<vmem>>) target_semaphore(%arg7 : memref<!tpu.dma_semaphore, #tpu.memory_space<semaphore_mem>>)
    %get3A_1087 = arith.constant 121 : index
    %get3A_1088 = memref.load %arg0[%get3A_1087] : memref<128xi32, #tpu.memory_space<smem>>
    %dma_start3A_1089 = arith.constant 7 : i32
    %dma_start3A_1090 = arith.constant 121 : i32
    %dma_start3A_1091 = arith.constant 0 : i32
    %dma_start3A_1092 = tpu.memref_slice %arg6[%dma_start3A_1090, %dma_start3A_1091] : memref<128x4096xf32, #tpu.memory_space<vmem>> -> memref<1x4096xf32, #tpu.memory_space<vmem>>
    %dma_start3A_1093 = arith.constant 0 : i32
    %dma_start3A_1094 = tpu.memref_slice %arg2[%get3A_1088, %dma_start3A_1089, %dma_start3A_1093] : memref<2305x8x4096xf32, #tpu.memory_space<any>> -> memref<1x1x4096xf32, #tpu.memory_space<any>>
    %dma_start3A_1095 = tpu.memref_squeeze %dma_start3A_1094 : memref<1x1x4096xf32, #tpu.memory_space<any>> -> memref<1x4096xf32, #tpu.memory_space<any>>
    tpu.enqueue_dma source(%dma_start3A_1095 : memref<1x4096xf32, #tpu.memory_space<any>>) target(%dma_start3A_1092 : memref<1x4096xf32, #tpu.memory_space<vmem>>) target_semaphore(%arg7 : memref<!tpu.dma_semaphore, #tpu.memory_space<semaphore_mem>>)
    %get3A_1096 = arith.constant 122 : index
    %get3A_1097 = memref.load %arg0[%get3A_1096] : memref<128xi32, #tpu.memory_space<smem>>
    %dma_start3A_1098 = arith.constant 7 : i32
    %dma_start3A_1099 = arith.constant 122 : i32
    %dma_start3A_1100 = arith.constant 0 : i32
    %dma_start3A_1101 = tpu.memref_slice %arg6[%dma_start3A_1099, %dma_start3A_1100] : memref<128x4096xf32, #tpu.memory_space<vmem>> -> memref<1x4096xf32, #tpu.memory_space<vmem>>
    %dma_start3A_1102 = arith.constant 0 : i32
    %dma_start3A_1103 = tpu.memref_slice %arg2[%get3A_1097, %dma_start3A_1098, %dma_start3A_1102] : memref<2305x8x4096xf32, #tpu.memory_space<any>> -> memref<1x1x4096xf32, #tpu.memory_space<any>>
    %dma_start3A_1104 = tpu.memref_squeeze %dma_start3A_1103 : memref<1x1x4096xf32, #tpu.memory_space<any>> -> memref<1x4096xf32, #tpu.memory_space<any>>
    tpu.enqueue_dma source(%dma_start3A_1104 : memref<1x4096xf32, #tpu.memory_space<any>>) target(%dma_start3A_1101 : memref<1x4096xf32, #tpu.memory_space<vmem>>) target_semaphore(%arg7 : memref<!tpu.dma_semaphore, #tpu.memory_space<semaphore_mem>>)
    %get3A_1105 = arith.constant 123 : index
    %get3A_1106 = memref.load %arg0[%get3A_1105] : memref<128xi32, #tpu.memory_space<smem>>
    %dma_start3A_1107 = arith.constant 7 : i32
    %dma_start3A_1108 = arith.constant 123 : i32
    %dma_start3A_1109 = arith.constant 0 : i32
    %dma_start3A_1110 = tpu.memref_slice %arg6[%dma_start3A_1108, %dma_start3A_1109] : memref<128x4096xf32, #tpu.memory_space<vmem>> -> memref<1x4096xf32, #tpu.memory_space<vmem>>
    %dma_start3A_1111 = arith.constant 0 : i32
    %dma_start3A_1112 = tpu.memref_slice %arg2[%get3A_1106, %dma_start3A_1107, %dma_start3A_1111] : memref<2305x8x4096xf32, #tpu.memory_space<any>> -> memref<1x1x4096xf32, #tpu.memory_space<any>>
    %dma_start3A_1113 = tpu.memref_squeeze %dma_start3A_1112 : memref<1x1x4096xf32, #tpu.memory_space<any>> -> memref<1x4096xf32, #tpu.memory_space<any>>
    tpu.enqueue_dma source(%dma_start3A_1113 : memref<1x4096xf32, #tpu.memory_space<any>>) target(%dma_start3A_1110 : memref<1x4096xf32, #tpu.memory_space<vmem>>) target_semaphore(%arg7 : memref<!tpu.dma_semaphore, #tpu.memory_space<semaphore_mem>>)
    %get3A_1114 = arith.constant 124 : index
    %get3A_1115 = memref.load %arg0[%get3A_1114] : memref<128xi32, #tpu.memory_space<smem>>
    %dma_start3A_1116 = arith.constant 7 : i32
    %dma_start3A_1117 = arith.constant 124 : i32
    %dma_start3A_1118 = arith.constant 0 : i32
    %dma_start3A_1119 = tpu.memref_slice %arg6[%dma_start3A_1117, %dma_start3A_1118] : memref<128x4096xf32, #tpu.memory_space<vmem>> -> memref<1x4096xf32, #tpu.memory_space<vmem>>
    %dma_start3A_1120 = arith.constant 0 : i32
    %dma_start3A_1121 = tpu.memref_slice %arg2[%get3A_1115, %dma_start3A_1116, %dma_start3A_1120] : memref<2305x8x4096xf32, #tpu.memory_space<any>> -> memref<1x1x4096xf32, #tpu.memory_space<any>>
    %dma_start3A_1122 = tpu.memref_squeeze %dma_start3A_1121 : memref<1x1x4096xf32, #tpu.memory_space<any>> -> memref<1x4096xf32, #tpu.memory_space<any>>
    tpu.enqueue_dma source(%dma_start3A_1122 : memref<1x4096xf32, #tpu.memory_space<any>>) target(%dma_start3A_1119 : memref<1x4096xf32, #tpu.memory_space<vmem>>) target_semaphore(%arg7 : memref<!tpu.dma_semaphore, #tpu.memory_space<semaphore_mem>>)
    %get3A_1123 = arith.constant 125 : index
    %get3A_1124 = memref.load %arg0[%get3A_1123] : memref<128xi32, #tpu.memory_space<smem>>
    %dma_start3A_1125 = arith.constant 7 : i32
    %dma_start3A_1126 = arith.constant 125 : i32
    %dma_start3A_1127 = arith.constant 0 : i32
    %dma_start3A_1128 = tpu.memref_slice %arg6[%dma_start3A_1126, %dma_start3A_1127] : memref<128x4096xf32, #tpu.memory_space<vmem>> -> memref<1x4096xf32, #tpu.memory_space<vmem>>
    %dma_start3A_1129 = arith.constant 0 : i32
    %dma_start3A_1130 = tpu.memref_slice %arg2[%get3A_1124, %dma_start3A_1125, %dma_start3A_1129] : memref<2305x8x4096xf32, #tpu.memory_space<any>> -> memref<1x1x4096xf32, #tpu.memory_space<any>>
    %dma_start3A_1131 = tpu.memref_squeeze %dma_start3A_1130 : memref<1x1x4096xf32, #tpu.memory_space<any>> -> memref<1x4096xf32, #tpu.memory_space<any>>
    tpu.enqueue_dma source(%dma_start3A_1131 : memref<1x4096xf32, #tpu.memory_space<any>>) target(%dma_start3A_1128 : memref<1x4096xf32, #tpu.memory_space<vmem>>) target_semaphore(%arg7 : memref<!tpu.dma_semaphore, #tpu.memory_space<semaphore_mem>>)
    %get3A_1132 = arith.constant 126 : index
    %get3A_1133 = memref.load %arg0[%get3A_1132] : memref<128xi32, #tpu.memory_space<smem>>
    %dma_start3A_1134 = arith.constant 7 : i32
    %dma_start3A_1135 = arith.constant 126 : i32
    %dma_start3A_1136 = arith.constant 0 : i32
    %dma_start3A_1137 = tpu.memref_slice %arg6[%dma_start3A_1135, %dma_start3A_1136] : memref<128x4096xf32, #tpu.memory_space<vmem>> -> memref<1x4096xf32, #tpu.memory_space<vmem>>
    %dma_start3A_1138 = arith.constant 0 : i32
    %dma_start3A_1139 = tpu.memref_slice %arg2[%get3A_1133, %dma_start3A_1134, %dma_start3A_1138] : memref<2305x8x4096xf32, #tpu.memory_space<any>> -> memref<1x1x4096xf32, #tpu.memory_space<any>>
    %dma_start3A_1140 = tpu.memref_squeeze %dma_start3A_1139 : memref<1x1x4096xf32, #tpu.memory_space<any>> -> memref<1x4096xf32, #tpu.memory_space<any>>
    tpu.enqueue_dma source(%dma_start3A_1140 : memref<1x4096xf32, #tpu.memory_space<any>>) target(%dma_start3A_1137 : memref<1x4096xf32, #tpu.memory_space<vmem>>) target_semaphore(%arg7 : memref<!tpu.dma_semaphore, #tpu.memory_space<semaphore_mem>>)
    %get3A_1141 = arith.constant 127 : index
    %get3A_1142 = memref.load %arg0[%get3A_1141] : memref<128xi32, #tpu.memory_space<smem>>
    %dma_start3A_1143 = arith.constant 7 : i32
    %dma_start3A_1144 = arith.constant 127 : i32
    %dma_start3A_1145 = arith.constant 0 : i32
    %dma_start3A_1146 = tpu.memref_slice %arg6[%dma_start3A_1144, %dma_start3A_1145] : memref<128x4096xf32, #tpu.memory_space<vmem>> -> memref<1x4096xf32, #tpu.memory_space<vmem>>
    %dma_start3A_1147 = arith.constant 0 : i32
    %dma_start3A_1148 = tpu.memref_slice %arg2[%get3A_1142, %dma_start3A_1143, %dma_start3A_1147] : memref<2305x8x4096xf32, #tpu.memory_space<any>> -> memref<1x1x4096xf32, #tpu.memory_space<any>>
    %dma_start3A_1149 = tpu.memref_squeeze %dma_start3A_1148 : memref<1x1x4096xf32, #tpu.memory_space<any>> -> memref<1x4096xf32, #tpu.memory_space<any>>
    tpu.enqueue_dma source(%dma_start3A_1149 : memref<1x4096xf32, #tpu.memory_space<any>>) target(%dma_start3A_1146 : memref<1x4096xf32, #tpu.memory_space<vmem>>) target_semaphore(%arg7 : memref<!tpu.dma_semaphore, #tpu.memory_space<semaphore_mem>>)
    %dma_wait3A = arith.constant 0 : i32
    %dma_wait3A_1150 = arith.constant 0 : i32
    %dma_wait3A_1151 = arith.constant 0 : i32
    %dma_wait3A_1152 = tpu.memref_slice %arg6[%dma_wait3A_1150, %dma_wait3A_1151] : memref<128x4096xf32, #tpu.memory_space<vmem>> -> memref<1x4096xf32, #tpu.memory_space<vmem>>
    %dma_wait3A_1153 = arith.constant 0 : i32
    %dma_wait3A_1154 = tpu.memref_slice %arg2[%get3A_0, %dma_wait3A, %dma_wait3A_1153] : memref<2305x8x4096xf32, #tpu.memory_space<any>> -> memref<1x1x4096xf32, #tpu.memory_space<any>>
    %dma_wait3A_1155 = tpu.memref_squeeze %dma_wait3A_1154 : memref<1x1x4096xf32, #tpu.memory_space<any>> -> memref<1x4096xf32, #tpu.memory_space<any>>
    tpu.wait_dma2 semaphore(%arg7 : memref<!tpu.dma_semaphore, #tpu.memory_space<semaphore_mem>>) src(%dma_wait3A_1155 : memref<1x4096xf32, #tpu.memory_space<any>>) dst(%dma_wait3A_1152 : memref<1x4096xf32, #tpu.memory_space<vmem>>)
    %dma_wait3A_1156 = arith.constant 0 : i32
    %dma_wait3A_1157 = arith.constant 1 : i32
    %dma_wait3A_1158 = arith.constant 0 : i32
    %dma_wait3A_1159 = tpu.memref_slice %arg6[%dma_wait3A_1157, %dma_wait3A_1158] : memref<128x4096xf32, #tpu.memory_space<vmem>> -> memref<1x4096xf32, #tpu.memory_space<vmem>>
    %dma_wait3A_1160 = arith.constant 0 : i32
    %dma_wait3A_1161 = tpu.memref_slice %arg2[%get3A_8, %dma_wait3A_1156, %dma_wait3A_1160] : memref<2305x8x4096xf32, #tpu.memory_space<any>> -> memref<1x1x4096xf32, #tpu.memory_space<any>>
    %dma_wait3A_1162 = tpu.memref_squeeze %dma_wait3A_1161 : memref<1x1x4096xf32, #tpu.memory_space<any>> -> memref<1x4096xf32, #tpu.memory_space<any>>
    tpu.wait_dma2 semaphore(%arg7 : memref<!tpu.dma_semaphore, #tpu.memory_space<semaphore_mem>>) src(%dma_wait3A_1162 : memref<1x4096xf32, #tpu.memory_space<any>>) dst(%dma_wait3A_1159 : memref<1x4096xf32, #tpu.memory_space<vmem>>)
    %dma_wait3A_1163 = arith.constant 0 : i32
    %dma_wait3A_1164 = arith.constant 2 : i32
    %dma_wait3A_1165 = arith.constant 0 : i32
    %dma_wait3A_1166 = tpu.memref_slice %arg6[%dma_wait3A_1164, %dma_wait3A_1165] : memref<128x4096xf32, #tpu.memory_space<vmem>> -> memref<1x4096xf32, #tpu.memory_space<vmem>>
    %dma_wait3A_1167 = arith.constant 0 : i32
    %dma_wait3A_1168 = tpu.memref_slice %arg2[%get3A_17, %dma_wait3A_1163, %dma_wait3A_1167] : memref<2305x8x4096xf32, #tpu.memory_space<any>> -> memref<1x1x4096xf32, #tpu.memory_space<any>>
    %dma_wait3A_1169 = tpu.memref_squeeze %dma_wait3A_1168 : memref<1x1x4096xf32, #tpu.memory_space<any>> -> memref<1x4096xf32, #tpu.memory_space<any>>
    tpu.wait_dma2 semaphore(%arg7 : memref<!tpu.dma_semaphore, #tpu.memory_space<semaphore_mem>>) src(%dma_wait3A_1169 : memref<1x4096xf32, #tpu.memory_space<any>>) dst(%dma_wait3A_1166 : memref<1x4096xf32, #tpu.memory_space<vmem>>)
    %dma_wait3A_1170 = arith.constant 0 : i32
    %dma_wait3A_1171 = arith.constant 3 : i32
    %dma_wait3A_1172 = arith.constant 0 : i32
    %dma_wait3A_1173 = tpu.memref_slice %arg6[%dma_wait3A_1171, %dma_wait3A_1172] : memref<128x4096xf32, #tpu.memory_space<vmem>> -> memref<1x4096xf32, #tpu.memory_space<vmem>>
    %dma_wait3A_1174 = arith.constant 0 : i32
    %dma_wait3A_1175 = tpu.memref_slice %arg2[%get3A_26, %dma_wait3A_1170, %dma_wait3A_1174] : memref<2305x8x4096xf32, #tpu.memory_space<any>> -> memref<1x1x4096xf32, #tpu.memory_space<any>>
    %dma_wait3A_1176 = tpu.memref_squeeze %dma_wait3A_1175 : memref<1x1x4096xf32, #tpu.memory_space<any>> -> memref<1x4096xf32, #tpu.memory_space<any>>
    tpu.wait_dma2 semaphore(%arg7 : memref<!tpu.dma_semaphore, #tpu.memory_space<semaphore_mem>>) src(%dma_wait3A_1176 : memref<1x4096xf32, #tpu.memory_space<any>>) dst(%dma_wait3A_1173 : memref<1x4096xf32, #tpu.memory_space<vmem>>)
    %dma_wait3A_1177 = arith.constant 0 : i32
    %dma_wait3A_1178 = arith.constant 4 : i32
    %dma_wait3A_1179 = arith.constant 0 : i32
    %dma_wait3A_1180 = tpu.memref_slice %arg6[%dma_wait3A_1178, %dma_wait3A_1179] : memref<128x4096xf32, #tpu.memory_space<vmem>> -> memref<1x4096xf32, #tpu.memory_space<vmem>>
    %dma_wait3A_1181 = arith.constant 0 : i32
    %dma_wait3A_1182 = tpu.memref_slice %arg2[%get3A_35, %dma_wait3A_1177, %dma_wait3A_1181] : memref<2305x8x4096xf32, #tpu.memory_space<any>> -> memref<1x1x4096xf32, #tpu.memory_space<any>>
    %dma_wait3A_1183 = tpu.memref_squeeze %dma_wait3A_1182 : memref<1x1x4096xf32, #tpu.memory_space<any>> -> memref<1x4096xf32, #tpu.memory_space<any>>
    tpu.wait_dma2 semaphore(%arg7 : memref<!tpu.dma_semaphore, #tpu.memory_space<semaphore_mem>>) src(%dma_wait3A_1183 : memref<1x4096xf32, #tpu.memory_space<any>>) dst(%dma_wait3A_1180 : memref<1x4096xf32, #tpu.memory_space<vmem>>)
    %dma_wait3A_1184 = arith.constant 0 : i32
    %dma_wait3A_1185 = arith.constant 5 : i32
    %dma_wait3A_1186 = arith.constant 0 : i32
    %dma_wait3A_1187 = tpu.memref_slice %arg6[%dma_wait3A_1185, %dma_wait3A_1186] : memref<128x4096xf32, #tpu.memory_space<vmem>> -> memref<1x4096xf32, #tpu.memory_space<vmem>>
    %dma_wait3A_1188 = arith.constant 0 : i32
    %dma_wait3A_1189 = tpu.memref_slice %arg2[%get3A_44, %dma_wait3A_1184, %dma_wait3A_1188] : memref<2305x8x4096xf32, #tpu.memory_space<any>> -> memref<1x1x4096xf32, #tpu.memory_space<any>>
    %dma_wait3A_1190 = tpu.memref_squeeze %dma_wait3A_1189 : memref<1x1x4096xf32, #tpu.memory_space<any>> -> memref<1x4096xf32, #tpu.memory_space<any>>
    tpu.wait_dma2 semaphore(%arg7 : memref<!tpu.dma_semaphore, #tpu.memory_space<semaphore_mem>>) src(%dma_wait3A_1190 : memref<1x4096xf32, #tpu.memory_space<any>>) dst(%dma_wait3A_1187 : memref<1x4096xf32, #tpu.memory_space<vmem>>)
    %dma_wait3A_1191 = arith.constant 0 : i32
    %dma_wait3A_1192 = arith.constant 6 : i32
    %dma_wait3A_1193 = arith.constant 0 : i32
    %dma_wait3A_1194 = tpu.memref_slice %arg6[%dma_wait3A_1192, %dma_wait3A_1193] : memref<128x4096xf32, #tpu.memory_space<vmem>> -> memref<1x4096xf32, #tpu.memory_space<vmem>>
    %dma_wait3A_1195 = arith.constant 0 : i32
    %dma_wait3A_1196 = tpu.memref_slice %arg2[%get3A_53, %dma_wait3A_1191, %dma_wait3A_1195] : memref<2305x8x4096xf32, #tpu.memory_space<any>> -> memref<1x1x4096xf32, #tpu.memory_space<any>>
    %dma_wait3A_1197 = tpu.memref_squeeze %dma_wait3A_1196 : memref<1x1x4096xf32, #tpu.memory_space<any>> -> memref<1x4096xf32, #tpu.memory_space<any>>
    tpu.wait_dma2 semaphore(%arg7 : memref<!tpu.dma_semaphore, #tpu.memory_space<semaphore_mem>>) src(%dma_wait3A_1197 : memref<1x4096xf32, #tpu.memory_space<any>>) dst(%dma_wait3A_1194 : memref<1x4096xf32, #tpu.memory_space<vmem>>)
    %dma_wait3A_1198 = arith.constant 0 : i32
    %dma_wait3A_1199 = arith.constant 7 : i32
    %dma_wait3A_1200 = arith.constant 0 : i32
    %dma_wait3A_1201 = tpu.memref_slice %arg6[%dma_wait3A_1199, %dma_wait3A_1200] : memref<128x4096xf32, #tpu.memory_space<vmem>> -> memref<1x4096xf32, #tpu.memory_space<vmem>>
    %dma_wait3A_1202 = arith.constant 0 : i32
    %dma_wait3A_1203 = tpu.memref_slice %arg2[%get3A_62, %dma_wait3A_1198, %dma_wait3A_1202] : memref<2305x8x4096xf32, #tpu.memory_space<any>> -> memref<1x1x4096xf32, #tpu.memory_space<any>>
    %dma_wait3A_1204 = tpu.memref_squeeze %dma_wait3A_1203 : memref<1x1x4096xf32, #tpu.memory_space<any>> -> memref<1x4096xf32, #tpu.memory_space<any>>
    tpu.wait_dma2 semaphore(%arg7 : memref<!tpu.dma_semaphore, #tpu.memory_space<semaphore_mem>>) src(%dma_wait3A_1204 : memref<1x4096xf32, #tpu.memory_space<any>>) dst(%dma_wait3A_1201 : memref<1x4096xf32, #tpu.memory_space<vmem>>)
    %dma_wait3A_1205 = arith.constant 0 : i32
    %dma_wait3A_1206 = arith.constant 8 : i32
    %dma_wait3A_1207 = arith.constant 0 : i32
    %dma_wait3A_1208 = tpu.memref_slice %arg6[%dma_wait3A_1206, %dma_wait3A_1207] : memref<128x4096xf32, #tpu.memory_space<vmem>> -> memref<1x4096xf32, #tpu.memory_space<vmem>>
    %dma_wait3A_1209 = arith.constant 0 : i32
    %dma_wait3A_1210 = tpu.memref_slice %arg2[%get3A_71, %dma_wait3A_1205, %dma_wait3A_1209] : memref<2305x8x4096xf32, #tpu.memory_space<any>> -> memref<1x1x4096xf32, #tpu.memory_space<any>>
    %dma_wait3A_1211 = tpu.memref_squeeze %dma_wait3A_1210 : memref<1x1x4096xf32, #tpu.memory_space<any>> -> memref<1x4096xf32, #tpu.memory_space<any>>
    tpu.wait_dma2 semaphore(%arg7 : memref<!tpu.dma_semaphore, #tpu.memory_space<semaphore_mem>>) src(%dma_wait3A_1211 : memref<1x4096xf32, #tpu.memory_space<any>>) dst(%dma_wait3A_1208 : memref<1x4096xf32, #tpu.memory_space<vmem>>)
    %dma_wait3A_1212 = arith.constant 0 : i32
    %dma_wait3A_1213 = arith.constant 9 : i32
    %dma_wait3A_1214 = arith.constant 0 : i32
    %dma_wait3A_1215 = tpu.memref_slice %arg6[%dma_wait3A_1213, %dma_wait3A_1214] : memref<128x4096xf32, #tpu.memory_space<vmem>> -> memref<1x4096xf32, #tpu.memory_space<vmem>>
    %dma_wait3A_1216 = arith.constant 0 : i32
    %dma_wait3A_1217 = tpu.memref_slice %arg2[%get3A_80, %dma_wait3A_1212, %dma_wait3A_1216] : memref<2305x8x4096xf32, #tpu.memory_space<any>> -> memref<1x1x4096xf32, #tpu.memory_space<any>>
    %dma_wait3A_1218 = tpu.memref_squeeze %dma_wait3A_1217 : memref<1x1x4096xf32, #tpu.memory_space<any>> -> memref<1x4096xf32, #tpu.memory_space<any>>
    tpu.wait_dma2 semaphore(%arg7 : memref<!tpu.dma_semaphore, #tpu.memory_space<semaphore_mem>>) src(%dma_wait3A_1218 : memref<1x4096xf32, #tpu.memory_space<any>>) dst(%dma_wait3A_1215 : memref<1x4096xf32, #tpu.memory_space<vmem>>)
    %dma_wait3A_1219 = arith.constant 0 : i32
    %dma_wait3A_1220 = arith.constant 10 : i32
    %dma_wait3A_1221 = arith.constant 0 : i32
    %dma_wait3A_1222 = tpu.memref_slice %arg6[%dma_wait3A_1220, %dma_wait3A_1221] : memref<128x4096xf32, #tpu.memory_space<vmem>> -> memref<1x4096xf32, #tpu.memory_space<vmem>>
    %dma_wait3A_1223 = arith.constant 0 : i32
    %dma_wait3A_1224 = tpu.memref_slice %arg2[%get3A_89, %dma_wait3A_1219, %dma_wait3A_1223] : memref<2305x8x4096xf32, #tpu.memory_space<any>> -> memref<1x1x4096xf32, #tpu.memory_space<any>>
    %dma_wait3A_1225 = tpu.memref_squeeze %dma_wait3A_1224 : memref<1x1x4096xf32, #tpu.memory_space<any>> -> memref<1x4096xf32, #tpu.memory_space<any>>
    tpu.wait_dma2 semaphore(%arg7 : memref<!tpu.dma_semaphore, #tpu.memory_space<semaphore_mem>>) src(%dma_wait3A_1225 : memref<1x4096xf32, #tpu.memory_space<any>>) dst(%dma_wait3A_1222 : memref<1x4096xf32, #tpu.memory_space<vmem>>)
    %dma_wait3A_1226 = arith.constant 0 : i32
    %dma_wait3A_1227 = arith.constant 11 : i32
    %dma_wait3A_1228 = arith.constant 0 : i32
    %dma_wait3A_1229 = tpu.memref_slice %arg6[%dma_wait3A_1227, %dma_wait3A_1228] : memref<128x4096xf32, #tpu.memory_space<vmem>> -> memref<1x4096xf32, #tpu.memory_space<vmem>>
    %dma_wait3A_1230 = arith.constant 0 : i32
    %dma_wait3A_1231 = tpu.memref_slice %arg2[%get3A_98, %dma_wait3A_1226, %dma_wait3A_1230] : memref<2305x8x4096xf32, #tpu.memory_space<any>> -> memref<1x1x4096xf32, #tpu.memory_space<any>>
    %dma_wait3A_1232 = tpu.memref_squeeze %dma_wait3A_1231 : memref<1x1x4096xf32, #tpu.memory_space<any>> -> memref<1x4096xf32, #tpu.memory_space<any>>
    tpu.wait_dma2 semaphore(%arg7 : memref<!tpu.dma_semaphore, #tpu.memory_space<semaphore_mem>>) src(%dma_wait3A_1232 : memref<1x4096xf32, #tpu.memory_space<any>>) dst(%dma_wait3A_1229 : memref<1x4096xf32, #tpu.memory_space<vmem>>)
    %dma_wait3A_1233 = arith.constant 0 : i32
    %dma_wait3A_1234 = arith.constant 12 : i32
    %dma_wait3A_1235 = arith.constant 0 : i32
    %dma_wait3A_1236 = tpu.memref_slice %arg6[%dma_wait3A_1234, %dma_wait3A_1235] : memref<128x4096xf32, #tpu.memory_space<vmem>> -> memref<1x4096xf32, #tpu.memory_space<vmem>>
    %dma_wait3A_1237 = arith.constant 0 : i32
    %dma_wait3A_1238 = tpu.memref_slice %arg2[%get3A_107, %dma_wait3A_1233, %dma_wait3A_1237] : memref<2305x8x4096xf32, #tpu.memory_space<any>> -> memref<1x1x4096xf32, #tpu.memory_space<any>>
    %dma_wait3A_1239 = tpu.memref_squeeze %dma_wait3A_1238 : memref<1x1x4096xf32, #tpu.memory_space<any>> -> memref<1x4096xf32, #tpu.memory_space<any>>
    tpu.wait_dma2 semaphore(%arg7 : memref<!tpu.dma_semaphore, #tpu.memory_space<semaphore_mem>>) src(%dma_wait3A_1239 : memref<1x4096xf32, #tpu.memory_space<any>>) dst(%dma_wait3A_1236 : memref<1x4096xf32, #tpu.memory_space<vmem>>)
    %dma_wait3A_1240 = arith.constant 0 : i32
    %dma_wait3A_1241 = arith.constant 13 : i32
    %dma_wait3A_1242 = arith.constant 0 : i32
    %dma_wait3A_1243 = tpu.memref_slice %arg6[%dma_wait3A_1241, %dma_wait3A_1242] : memref<128x4096xf32, #tpu.memory_space<vmem>> -> memref<1x4096xf32, #tpu.memory_space<vmem>>
    %dma_wait3A_1244 = arith.constant 0 : i32
    %dma_wait3A_1245 = tpu.memref_slice %arg2[%get3A_116, %dma_wait3A_1240, %dma_wait3A_1244] : memref<2305x8x4096xf32, #tpu.memory_space<any>> -> memref<1x1x4096xf32, #tpu.memory_space<any>>
    %dma_wait3A_1246 = tpu.memref_squeeze %dma_wait3A_1245 : memref<1x1x4096xf32, #tpu.memory_space<any>> -> memref<1x4096xf32, #tpu.memory_space<any>>
    tpu.wait_dma2 semaphore(%arg7 : memref<!tpu.dma_semaphore, #tpu.memory_space<semaphore_mem>>) src(%dma_wait3A_1246 : memref<1x4096xf32, #tpu.memory_space<any>>) dst(%dma_wait3A_1243 : memref<1x4096xf32, #tpu.memory_space<vmem>>)
    %dma_wait3A_1247 = arith.constant 0 : i32
    %dma_wait3A_1248 = arith.constant 14 : i32
    %dma_wait3A_1249 = arith.constant 0 : i32
    %dma_wait3A_1250 = tpu.memref_slice %arg6[%dma_wait3A_1248, %dma_wait3A_1249] : memref<128x4096xf32, #tpu.memory_space<vmem>> -> memref<1x4096xf32, #tpu.memory_space<vmem>>
    %dma_wait3A_1251 = arith.constant 0 : i32
    %dma_wait3A_1252 = tpu.memref_slice %arg2[%get3A_125, %dma_wait3A_1247, %dma_wait3A_1251] : memref<2305x8x4096xf32, #tpu.memory_space<any>> -> memref<1x1x4096xf32, #tpu.memory_space<any>>
    %dma_wait3A_1253 = tpu.memref_squeeze %dma_wait3A_1252 : memref<1x1x4096xf32, #tpu.memory_space<any>> -> memref<1x4096xf32, #tpu.memory_space<any>>
    tpu.wait_dma2 semaphore(%arg7 : memref<!tpu.dma_semaphore, #tpu.memory_space<semaphore_mem>>) src(%dma_wait3A_1253 : memref<1x4096xf32, #tpu.memory_space<any>>) dst(%dma_wait3A_1250 : memref<1x4096xf32, #tpu.memory_space<vmem>>)
    %dma_wait3A_1254 = arith.constant 0 : i32
    %dma_wait3A_1255 = arith.constant 15 : i32
    %dma_wait3A_1256 = arith.constant 0 : i32
    %dma_wait3A_1257 = tpu.memref_slice %arg6[%dma_wait3A_1255, %dma_wait3A_1256] : memref<128x4096xf32, #tpu.memory_space<vmem>> -> memref<1x4096xf32, #tpu.memory_space<vmem>>
    %dma_wait3A_1258 = arith.constant 0 : i32
    %dma_wait3A_1259 = tpu.memref_slice %arg2[%get3A_134, %dma_wait3A_1254, %dma_wait3A_1258] : memref<2305x8x4096xf32, #tpu.memory_space<any>> -> memref<1x1x4096xf32, #tpu.memory_space<any>>
    %dma_wait3A_1260 = tpu.memref_squeeze %dma_wait3A_1259 : memref<1x1x4096xf32, #tpu.memory_space<any>> -> memref<1x4096xf32, #tpu.memory_space<any>>
    tpu.wait_dma2 semaphore(%arg7 : memref<!tpu.dma_semaphore, #tpu.memory_space<semaphore_mem>>) src(%dma_wait3A_1260 : memref<1x4096xf32, #tpu.memory_space<any>>) dst(%dma_wait3A_1257 : memref<1x4096xf32, #tpu.memory_space<vmem>>)
    %dma_wait3A_1261 = arith.constant 1 : i32
    %dma_wait3A_1262 = arith.constant 16 : i32
    %dma_wait3A_1263 = arith.constant 0 : i32
    %dma_wait3A_1264 = tpu.memref_slice %arg6[%dma_wait3A_1262, %dma_wait3A_1263] : memref<128x4096xf32, #tpu.memory_space<vmem>> -> memref<1x4096xf32, #tpu.memory_space<vmem>>
    %dma_wait3A_1265 = arith.constant 0 : i32
    %dma_wait3A_1266 = tpu.memref_slice %arg2[%get3A_143, %dma_wait3A_1261, %dma_wait3A_1265] : memref<2305x8x4096xf32, #tpu.memory_space<any>> -> memref<1x1x4096xf32, #tpu.memory_space<any>>
    %dma_wait3A_1267 = tpu.memref_squeeze %dma_wait3A_1266 : memref<1x1x4096xf32, #tpu.memory_space<any>> -> memref<1x4096xf32, #tpu.memory_space<any>>
    tpu.wait_dma2 semaphore(%arg7 : memref<!tpu.dma_semaphore, #tpu.memory_space<semaphore_mem>>) src(%dma_wait3A_1267 : memref<1x4096xf32, #tpu.memory_space<any>>) dst(%dma_wait3A_1264 : memref<1x4096xf32, #tpu.memory_space<vmem>>)
    %dma_wait3A_1268 = arith.constant 1 : i32
    %dma_wait3A_1269 = arith.constant 17 : i32
    %dma_wait3A_1270 = arith.constant 0 : i32
    %dma_wait3A_1271 = tpu.memref_slice %arg6[%dma_wait3A_1269, %dma_wait3A_1270] : memref<128x4096xf32, #tpu.memory_space<vmem>> -> memref<1x4096xf32, #tpu.memory_space<vmem>>
    %dma_wait3A_1272 = arith.constant 0 : i32
    %dma_wait3A_1273 = tpu.memref_slice %arg2[%get3A_152, %dma_wait3A_1268, %dma_wait3A_1272] : memref<2305x8x4096xf32, #tpu.memory_space<any>> -> memref<1x1x4096xf32, #tpu.memory_space<any>>
    %dma_wait3A_1274 = tpu.memref_squeeze %dma_wait3A_1273 : memref<1x1x4096xf32, #tpu.memory_space<any>> -> memref<1x4096xf32, #tpu.memory_space<any>>
    tpu.wait_dma2 semaphore(%arg7 : memref<!tpu.dma_semaphore, #tpu.memory_space<semaphore_mem>>) src(%dma_wait3A_1274 : memref<1x4096xf32, #tpu.memory_space<any>>) dst(%dma_wait3A_1271 : memref<1x4096xf32, #tpu.memory_space<vmem>>)
    %dma_wait3A_1275 = arith.constant 1 : i32
    %dma_wait3A_1276 = arith.constant 18 : i32
    %dma_wait3A_1277 = arith.constant 0 : i32
    %dma_wait3A_1278 = tpu.memref_slice %arg6[%dma_wait3A_1276, %dma_wait3A_1277] : memref<128x4096xf32, #tpu.memory_space<vmem>> -> memref<1x4096xf32, #tpu.memory_space<vmem>>
    %dma_wait3A_1279 = arith.constant 0 : i32
    %dma_wait3A_1280 = tpu.memref_slice %arg2[%get3A_161, %dma_wait3A_1275, %dma_wait3A_1279] : memref<2305x8x4096xf32, #tpu.memory_space<any>> -> memref<1x1x4096xf32, #tpu.memory_space<any>>
    %dma_wait3A_1281 = tpu.memref_squeeze %dma_wait3A_1280 : memref<1x1x4096xf32, #tpu.memory_space<any>> -> memref<1x4096xf32, #tpu.memory_space<any>>
    tpu.wait_dma2 semaphore(%arg7 : memref<!tpu.dma_semaphore, #tpu.memory_space<semaphore_mem>>) src(%dma_wait3A_1281 : memref<1x4096xf32, #tpu.memory_space<any>>) dst(%dma_wait3A_1278 : memref<1x4096xf32, #tpu.memory_space<vmem>>)
    %dma_wait3A_1282 = arith.constant 1 : i32
    %dma_wait3A_1283 = arith.constant 19 : i32
    %dma_wait3A_1284 = arith.constant 0 : i32
    %dma_wait3A_1285 = tpu.memref_slice %arg6[%dma_wait3A_1283, %dma_wait3A_1284] : memref<128x4096xf32, #tpu.memory_space<vmem>> -> memref<1x4096xf32, #tpu.memory_space<vmem>>
    %dma_wait3A_1286 = arith.constant 0 : i32
    %dma_wait3A_1287 = tpu.memref_slice %arg2[%get3A_170, %dma_wait3A_1282, %dma_wait3A_1286] : memref<2305x8x4096xf32, #tpu.memory_space<any>> -> memref<1x1x4096xf32, #tpu.memory_space<any>>
    %dma_wait3A_1288 = tpu.memref_squeeze %dma_wait3A_1287 : memref<1x1x4096xf32, #tpu.memory_space<any>> -> memref<1x4096xf32, #tpu.memory_space<any>>
    tpu.wait_dma2 semaphore(%arg7 : memref<!tpu.dma_semaphore, #tpu.memory_space<semaphore_mem>>) src(%dma_wait3A_1288 : memref<1x4096xf32, #tpu.memory_space<any>>) dst(%dma_wait3A_1285 : memref<1x4096xf32, #tpu.memory_space<vmem>>)
    %dma_wait3A_1289 = arith.constant 1 : i32
    %dma_wait3A_1290 = arith.constant 20 : i32
    %dma_wait3A_1291 = arith.constant 0 : i32
    %dma_wait3A_1292 = tpu.memref_slice %arg6[%dma_wait3A_1290, %dma_wait3A_1291] : memref<128x4096xf32, #tpu.memory_space<vmem>> -> memref<1x4096xf32, #tpu.memory_space<vmem>>
    %dma_wait3A_1293 = arith.constant 0 : i32
    %dma_wait3A_1294 = tpu.memref_slice %arg2[%get3A_179, %dma_wait3A_1289, %dma_wait3A_1293] : memref<2305x8x4096xf32, #tpu.memory_space<any>> -> memref<1x1x4096xf32, #tpu.memory_space<any>>
    %dma_wait3A_1295 = tpu.memref_squeeze %dma_wait3A_1294 : memref<1x1x4096xf32, #tpu.memory_space<any>> -> memref<1x4096xf32, #tpu.memory_space<any>>
    tpu.wait_dma2 semaphore(%arg7 : memref<!tpu.dma_semaphore, #tpu.memory_space<semaphore_mem>>) src(%dma_wait3A_1295 : memref<1x4096xf32, #tpu.memory_space<any>>) dst(%dma_wait3A_1292 : memref<1x4096xf32, #tpu.memory_space<vmem>>)
    %dma_wait3A_1296 = arith.constant 1 : i32
    %dma_wait3A_1297 = arith.constant 21 : i32
    %dma_wait3A_1298 = arith.constant 0 : i32
    %dma_wait3A_1299 = tpu.memref_slice %arg6[%dma_wait3A_1297, %dma_wait3A_1298] : memref<128x4096xf32, #tpu.memory_space<vmem>> -> memref<1x4096xf32, #tpu.memory_space<vmem>>
    %dma_wait3A_1300 = arith.constant 0 : i32
    %dma_wait3A_1301 = tpu.memref_slice %arg2[%get3A_188, %dma_wait3A_1296, %dma_wait3A_1300] : memref<2305x8x4096xf32, #tpu.memory_space<any>> -> memref<1x1x4096xf32, #tpu.memory_space<any>>
    %dma_wait3A_1302 = tpu.memref_squeeze %dma_wait3A_1301 : memref<1x1x4096xf32, #tpu.memory_space<any>> -> memref<1x4096xf32, #tpu.memory_space<any>>
    tpu.wait_dma2 semaphore(%arg7 : memref<!tpu.dma_semaphore, #tpu.memory_space<semaphore_mem>>) src(%dma_wait3A_1302 : memref<1x4096xf32, #tpu.memory_space<any>>) dst(%dma_wait3A_1299 : memref<1x4096xf32, #tpu.memory_space<vmem>>)
    %dma_wait3A_1303 = arith.constant 1 : i32
    %dma_wait3A_1304 = arith.constant 22 : i32
    %dma_wait3A_1305 = arith.constant 0 : i32
    %dma_wait3A_1306 = tpu.memref_slice %arg6[%dma_wait3A_1304, %dma_wait3A_1305] : memref<128x4096xf32, #tpu.memory_space<vmem>> -> memref<1x4096xf32, #tpu.memory_space<vmem>>
    %dma_wait3A_1307 = arith.constant 0 : i32
    %dma_wait3A_1308 = tpu.memref_slice %arg2[%get3A_197, %dma_wait3A_1303, %dma_wait3A_1307] : memref<2305x8x4096xf32, #tpu.memory_space<any>> -> memref<1x1x4096xf32, #tpu.memory_space<any>>
    %dma_wait3A_1309 = tpu.memref_squeeze %dma_wait3A_1308 : memref<1x1x4096xf32, #tpu.memory_space<any>> -> memref<1x4096xf32, #tpu.memory_space<any>>
    tpu.wait_dma2 semaphore(%arg7 : memref<!tpu.dma_semaphore, #tpu.memory_space<semaphore_mem>>) src(%dma_wait3A_1309 : memref<1x4096xf32, #tpu.memory_space<any>>) dst(%dma_wait3A_1306 : memref<1x4096xf32, #tpu.memory_space<vmem>>)
    %dma_wait3A_1310 = arith.constant 1 : i32
    %dma_wait3A_1311 = arith.constant 23 : i32
    %dma_wait3A_1312 = arith.constant 0 : i32
    %dma_wait3A_1313 = tpu.memref_slice %arg6[%dma_wait3A_1311, %dma_wait3A_1312] : memref<128x4096xf32, #tpu.memory_space<vmem>> -> memref<1x4096xf32, #tpu.memory_space<vmem>>
    %dma_wait3A_1314 = arith.constant 0 : i32
    %dma_wait3A_1315 = tpu.memref_slice %arg2[%get3A_206, %dma_wait3A_1310, %dma_wait3A_1314] : memref<2305x8x4096xf32, #tpu.memory_space<any>> -> memref<1x1x4096xf32, #tpu.memory_space<any>>
    %dma_wait3A_1316 = tpu.memref_squeeze %dma_wait3A_1315 : memref<1x1x4096xf32, #tpu.memory_space<any>> -> memref<1x4096xf32, #tpu.memory_space<any>>
    tpu.wait_dma2 semaphore(%arg7 : memref<!tpu.dma_semaphore, #tpu.memory_space<semaphore_mem>>) src(%dma_wait3A_1316 : memref<1x4096xf32, #tpu.memory_space<any>>) dst(%dma_wait3A_1313 : memref<1x4096xf32, #tpu.memory_space<vmem>>)
    %dma_wait3A_1317 = arith.constant 1 : i32
    %dma_wait3A_1318 = arith.constant 24 : i32
    %dma_wait3A_1319 = arith.constant 0 : i32
    %dma_wait3A_1320 = tpu.memref_slice %arg6[%dma_wait3A_1318, %dma_wait3A_1319] : memref<128x4096xf32, #tpu.memory_space<vmem>> -> memref<1x4096xf32, #tpu.memory_space<vmem>>
    %dma_wait3A_1321 = arith.constant 0 : i32
    %dma_wait3A_1322 = tpu.memref_slice %arg2[%get3A_215, %dma_wait3A_1317, %dma_wait3A_1321] : memref<2305x8x4096xf32, #tpu.memory_space<any>> -> memref<1x1x4096xf32, #tpu.memory_space<any>>
    %dma_wait3A_1323 = tpu.memref_squeeze %dma_wait3A_1322 : memref<1x1x4096xf32, #tpu.memory_space<any>> -> memref<1x4096xf32, #tpu.memory_space<any>>
    tpu.wait_dma2 semaphore(%arg7 : memref<!tpu.dma_semaphore, #tpu.memory_space<semaphore_mem>>) src(%dma_wait3A_1323 : memref<1x4096xf32, #tpu.memory_space<any>>) dst(%dma_wait3A_1320 : memref<1x4096xf32, #tpu.memory_space<vmem>>)
    %dma_wait3A_1324 = arith.constant 1 : i32
    %dma_wait3A_1325 = arith.constant 25 : i32
    %dma_wait3A_1326 = arith.constant 0 : i32
    %dma_wait3A_1327 = tpu.memref_slice %arg6[%dma_wait3A_1325, %dma_wait3A_1326] : memref<128x4096xf32, #tpu.memory_space<vmem>> -> memref<1x4096xf32, #tpu.memory_space<vmem>>
    %dma_wait3A_1328 = arith.constant 0 : i32
    %dma_wait3A_1329 = tpu.memref_slice %arg2[%get3A_224, %dma_wait3A_1324, %dma_wait3A_1328] : memref<2305x8x4096xf32, #tpu.memory_space<any>> -> memref<1x1x4096xf32, #tpu.memory_space<any>>
    %dma_wait3A_1330 = tpu.memref_squeeze %dma_wait3A_1329 : memref<1x1x4096xf32, #tpu.memory_space<any>> -> memref<1x4096xf32, #tpu.memory_space<any>>
    tpu.wait_dma2 semaphore(%arg7 : memref<!tpu.dma_semaphore, #tpu.memory_space<semaphore_mem>>) src(%dma_wait3A_1330 : memref<1x4096xf32, #tpu.memory_space<any>>) dst(%dma_wait3A_1327 : memref<1x4096xf32, #tpu.memory_space<vmem>>)
    %dma_wait3A_1331 = arith.constant 1 : i32
    %dma_wait3A_1332 = arith.constant 26 : i32
    %dma_wait3A_1333 = arith.constant 0 : i32
    %dma_wait3A_1334 = tpu.memref_slice %arg6[%dma_wait3A_1332, %dma_wait3A_1333] : memref<128x4096xf32, #tpu.memory_space<vmem>> -> memref<1x4096xf32, #tpu.memory_space<vmem>>
    %dma_wait3A_1335 = arith.constant 0 : i32
    %dma_wait3A_1336 = tpu.memref_slice %arg2[%get3A_233, %dma_wait3A_1331, %dma_wait3A_1335] : memref<2305x8x4096xf32, #tpu.memory_space<any>> -> memref<1x1x4096xf32, #tpu.memory_space<any>>
    %dma_wait3A_1337 = tpu.memref_squeeze %dma_wait3A_1336 : memref<1x1x4096xf32, #tpu.memory_space<any>> -> memref<1x4096xf32, #tpu.memory_space<any>>
    tpu.wait_dma2 semaphore(%arg7 : memref<!tpu.dma_semaphore, #tpu.memory_space<semaphore_mem>>) src(%dma_wait3A_1337 : memref<1x4096xf32, #tpu.memory_space<any>>) dst(%dma_wait3A_1334 : memref<1x4096xf32, #tpu.memory_space<vmem>>)
    %dma_wait3A_1338 = arith.constant 1 : i32
    %dma_wait3A_1339 = arith.constant 27 : i32
    %dma_wait3A_1340 = arith.constant 0 : i32
    %dma_wait3A_1341 = tpu.memref_slice %arg6[%dma_wait3A_1339, %dma_wait3A_1340] : memref<128x4096xf32, #tpu.memory_space<vmem>> -> memref<1x4096xf32, #tpu.memory_space<vmem>>
    %dma_wait3A_1342 = arith.constant 0 : i32
    %dma_wait3A_1343 = tpu.memref_slice %arg2[%get3A_242, %dma_wait3A_1338, %dma_wait3A_1342] : memref<2305x8x4096xf32, #tpu.memory_space<any>> -> memref<1x1x4096xf32, #tpu.memory_space<any>>
    %dma_wait3A_1344 = tpu.memref_squeeze %dma_wait3A_1343 : memref<1x1x4096xf32, #tpu.memory_space<any>> -> memref<1x4096xf32, #tpu.memory_space<any>>
    tpu.wait_dma2 semaphore(%arg7 : memref<!tpu.dma_semaphore, #tpu.memory_space<semaphore_mem>>) src(%dma_wait3A_1344 : memref<1x4096xf32, #tpu.memory_space<any>>) dst(%dma_wait3A_1341 : memref<1x4096xf32, #tpu.memory_space<vmem>>)
    %dma_wait3A_1345 = arith.constant 1 : i32
    %dma_wait3A_1346 = arith.constant 28 : i32
    %dma_wait3A_1347 = arith.constant 0 : i32
    %dma_wait3A_1348 = tpu.memref_slice %arg6[%dma_wait3A_1346, %dma_wait3A_1347] : memref<128x4096xf32, #tpu.memory_space<vmem>> -> memref<1x4096xf32, #tpu.memory_space<vmem>>
    %dma_wait3A_1349 = arith.constant 0 : i32
    %dma_wait3A_1350 = tpu.memref_slice %arg2[%get3A_251, %dma_wait3A_1345, %dma_wait3A_1349] : memref<2305x8x4096xf32, #tpu.memory_space<any>> -> memref<1x1x4096xf32, #tpu.memory_space<any>>
    %dma_wait3A_1351 = tpu.memref_squeeze %dma_wait3A_1350 : memref<1x1x4096xf32, #tpu.memory_space<any>> -> memref<1x4096xf32, #tpu.memory_space<any>>
    tpu.wait_dma2 semaphore(%arg7 : memref<!tpu.dma_semaphore, #tpu.memory_space<semaphore_mem>>) src(%dma_wait3A_1351 : memref<1x4096xf32, #tpu.memory_space<any>>) dst(%dma_wait3A_1348 : memref<1x4096xf32, #tpu.memory_space<vmem>>)
    %dma_wait3A_1352 = arith.constant 1 : i32
    %dma_wait3A_1353 = arith.constant 29 : i32
    %dma_wait3A_1354 = arith.constant 0 : i32
    %dma_wait3A_1355 = tpu.memref_slice %arg6[%dma_wait3A_1353, %dma_wait3A_1354] : memref<128x4096xf32, #tpu.memory_space<vmem>> -> memref<1x4096xf32, #tpu.memory_space<vmem>>
    %dma_wait3A_1356 = arith.constant 0 : i32
    %dma_wait3A_1357 = tpu.memref_slice %arg2[%get3A_260, %dma_wait3A_1352, %dma_wait3A_1356] : memref<2305x8x4096xf32, #tpu.memory_space<any>> -> memref<1x1x4096xf32, #tpu.memory_space<any>>
    %dma_wait3A_1358 = tpu.memref_squeeze %dma_wait3A_1357 : memref<1x1x4096xf32, #tpu.memory_space<any>> -> memref<1x4096xf32, #tpu.memory_space<any>>
    tpu.wait_dma2 semaphore(%arg7 : memref<!tpu.dma_semaphore, #tpu.memory_space<semaphore_mem>>) src(%dma_wait3A_1358 : memref<1x4096xf32, #tpu.memory_space<any>>) dst(%dma_wait3A_1355 : memref<1x4096xf32, #tpu.memory_space<vmem>>)
    %dma_wait3A_1359 = arith.constant 1 : i32
    %dma_wait3A_1360 = arith.constant 30 : i32
    %dma_wait3A_1361 = arith.constant 0 : i32
    %dma_wait3A_1362 = tpu.memref_slice %arg6[%dma_wait3A_1360, %dma_wait3A_1361] : memref<128x4096xf32, #tpu.memory_space<vmem>> -> memref<1x4096xf32, #tpu.memory_space<vmem>>
    %dma_wait3A_1363 = arith.constant 0 : i32
    %dma_wait3A_1364 = tpu.memref_slice %arg2[%get3A_269, %dma_wait3A_1359, %dma_wait3A_1363] : memref<2305x8x4096xf32, #tpu.memory_space<any>> -> memref<1x1x4096xf32, #tpu.memory_space<any>>
    %dma_wait3A_1365 = tpu.memref_squeeze %dma_wait3A_1364 : memref<1x1x4096xf32, #tpu.memory_space<any>> -> memref<1x4096xf32, #tpu.memory_space<any>>
    tpu.wait_dma2 semaphore(%arg7 : memref<!tpu.dma_semaphore, #tpu.memory_space<semaphore_mem>>) src(%dma_wait3A_1365 : memref<1x4096xf32, #tpu.memory_space<any>>) dst(%dma_wait3A_1362 : memref<1x4096xf32, #tpu.memory_space<vmem>>)
    %dma_wait3A_1366 = arith.constant 1 : i32
    %dma_wait3A_1367 = arith.constant 31 : i32
    %dma_wait3A_1368 = arith.constant 0 : i32
    %dma_wait3A_1369 = tpu.memref_slice %arg6[%dma_wait3A_1367, %dma_wait3A_1368] : memref<128x4096xf32, #tpu.memory_space<vmem>> -> memref<1x4096xf32, #tpu.memory_space<vmem>>
    %dma_wait3A_1370 = arith.constant 0 : i32
    %dma_wait3A_1371 = tpu.memref_slice %arg2[%get3A_278, %dma_wait3A_1366, %dma_wait3A_1370] : memref<2305x8x4096xf32, #tpu.memory_space<any>> -> memref<1x1x4096xf32, #tpu.memory_space<any>>
    %dma_wait3A_1372 = tpu.memref_squeeze %dma_wait3A_1371 : memref<1x1x4096xf32, #tpu.memory_space<any>> -> memref<1x4096xf32, #tpu.memory_space<any>>
    tpu.wait_dma2 semaphore(%arg7 : memref<!tpu.dma_semaphore, #tpu.memory_space<semaphore_mem>>) src(%dma_wait3A_1372 : memref<1x4096xf32, #tpu.memory_space<any>>) dst(%dma_wait3A_1369 : memref<1x4096xf32, #tpu.memory_space<vmem>>)
    %dma_wait3A_1373 = arith.constant 2 : i32
    %dma_wait3A_1374 = arith.constant 32 : i32
    %dma_wait3A_1375 = arith.constant 0 : i32
    %dma_wait3A_1376 = tpu.memref_slice %arg6[%dma_wait3A_1374, %dma_wait3A_1375] : memref<128x4096xf32, #tpu.memory_space<vmem>> -> memref<1x4096xf32, #tpu.memory_space<vmem>>
    %dma_wait3A_1377 = arith.constant 0 : i32
    %dma_wait3A_1378 = tpu.memref_slice %arg2[%get3A_287, %dma_wait3A_1373, %dma_wait3A_1377] : memref<2305x8x4096xf32, #tpu.memory_space<any>> -> memref<1x1x4096xf32, #tpu.memory_space<any>>
    %dma_wait3A_1379 = tpu.memref_squeeze %dma_wait3A_1378 : memref<1x1x4096xf32, #tpu.memory_space<any>> -> memref<1x4096xf32, #tpu.memory_space<any>>
    tpu.wait_dma2 semaphore(%arg7 : memref<!tpu.dma_semaphore, #tpu.memory_space<semaphore_mem>>) src(%dma_wait3A_1379 : memref<1x4096xf32, #tpu.memory_space<any>>) dst(%dma_wait3A_1376 : memref<1x4096xf32, #tpu.memory_space<vmem>>)
    %dma_wait3A_1380 = arith.constant 2 : i32
    %dma_wait3A_1381 = arith.constant 33 : i32
    %dma_wait3A_1382 = arith.constant 0 : i32
    %dma_wait3A_1383 = tpu.memref_slice %arg6[%dma_wait3A_1381, %dma_wait3A_1382] : memref<128x4096xf32, #tpu.memory_space<vmem>> -> memref<1x4096xf32, #tpu.memory_space<vmem>>
    %dma_wait3A_1384 = arith.constant 0 : i32
    %dma_wait3A_1385 = tpu.memref_slice %arg2[%get3A_296, %dma_wait3A_1380, %dma_wait3A_1384] : memref<2305x8x4096xf32, #tpu.memory_space<any>> -> memref<1x1x4096xf32, #tpu.memory_space<any>>
    %dma_wait3A_1386 = tpu.memref_squeeze %dma_wait3A_1385 : memref<1x1x4096xf32, #tpu.memory_space<any>> -> memref<1x4096xf32, #tpu.memory_space<any>>
    tpu.wait_dma2 semaphore(%arg7 : memref<!tpu.dma_semaphore, #tpu.memory_space<semaphore_mem>>) src(%dma_wait3A_1386 : memref<1x4096xf32, #tpu.memory_space<any>>) dst(%dma_wait3A_1383 : memref<1x4096xf32, #tpu.memory_space<vmem>>)
    %dma_wait3A_1387 = arith.constant 2 : i32
    %dma_wait3A_1388 = arith.constant 34 : i32
    %dma_wait3A_1389 = arith.constant 0 : i32
    %dma_wait3A_1390 = tpu.memref_slice %arg6[%dma_wait3A_1388, %dma_wait3A_1389] : memref<128x4096xf32, #tpu.memory_space<vmem>> -> memref<1x4096xf32, #tpu.memory_space<vmem>>
    %dma_wait3A_1391 = arith.constant 0 : i32
    %dma_wait3A_1392 = tpu.memref_slice %arg2[%get3A_305, %dma_wait3A_1387, %dma_wait3A_1391] : memref<2305x8x4096xf32, #tpu.memory_space<any>> -> memref<1x1x4096xf32, #tpu.memory_space<any>>
    %dma_wait3A_1393 = tpu.memref_squeeze %dma_wait3A_1392 : memref<1x1x4096xf32, #tpu.memory_space<any>> -> memref<1x4096xf32, #tpu.memory_space<any>>
    tpu.wait_dma2 semaphore(%arg7 : memref<!tpu.dma_semaphore, #tpu.memory_space<semaphore_mem>>) src(%dma_wait3A_1393 : memref<1x4096xf32, #tpu.memory_space<any>>) dst(%dma_wait3A_1390 : memref<1x4096xf32, #tpu.memory_space<vmem>>)
    %dma_wait3A_1394 = arith.constant 2 : i32
    %dma_wait3A_1395 = arith.constant 35 : i32
    %dma_wait3A_1396 = arith.constant 0 : i32
    %dma_wait3A_1397 = tpu.memref_slice %arg6[%dma_wait3A_1395, %dma_wait3A_1396] : memref<128x4096xf32, #tpu.memory_space<vmem>> -> memref<1x4096xf32, #tpu.memory_space<vmem>>
    %dma_wait3A_1398 = arith.constant 0 : i32
    %dma_wait3A_1399 = tpu.memref_slice %arg2[%get3A_314, %dma_wait3A_1394, %dma_wait3A_1398] : memref<2305x8x4096xf32, #tpu.memory_space<any>> -> memref<1x1x4096xf32, #tpu.memory_space<any>>
    %dma_wait3A_1400 = tpu.memref_squeeze %dma_wait3A_1399 : memref<1x1x4096xf32, #tpu.memory_space<any>> -> memref<1x4096xf32, #tpu.memory_space<any>>
    tpu.wait_dma2 semaphore(%arg7 : memref<!tpu.dma_semaphore, #tpu.memory_space<semaphore_mem>>) src(%dma_wait3A_1400 : memref<1x4096xf32, #tpu.memory_space<any>>) dst(%dma_wait3A_1397 : memref<1x4096xf32, #tpu.memory_space<vmem>>)
    %dma_wait3A_1401 = arith.constant 2 : i32
    %dma_wait3A_1402 = arith.constant 36 : i32
    %dma_wait3A_1403 = arith.constant 0 : i32
    %dma_wait3A_1404 = tpu.memref_slice %arg6[%dma_wait3A_1402, %dma_wait3A_1403] : memref<128x4096xf32, #tpu.memory_space<vmem>> -> memref<1x4096xf32, #tpu.memory_space<vmem>>
    %dma_wait3A_1405 = arith.constant 0 : i32
    %dma_wait3A_1406 = tpu.memref_slice %arg2[%get3A_323, %dma_wait3A_1401, %dma_wait3A_1405] : memref<2305x8x4096xf32, #tpu.memory_space<any>> -> memref<1x1x4096xf32, #tpu.memory_space<any>>
    %dma_wait3A_1407 = tpu.memref_squeeze %dma_wait3A_1406 : memref<1x1x4096xf32, #tpu.memory_space<any>> -> memref<1x4096xf32, #tpu.memory_space<any>>
    tpu.wait_dma2 semaphore(%arg7 : memref<!tpu.dma_semaphore, #tpu.memory_space<semaphore_mem>>) src(%dma_wait3A_1407 : memref<1x4096xf32, #tpu.memory_space<any>>) dst(%dma_wait3A_1404 : memref<1x4096xf32, #tpu.memory_space<vmem>>)
    %dma_wait3A_1408 = arith.constant 2 : i32
    %dma_wait3A_1409 = arith.constant 37 : i32
    %dma_wait3A_1410 = arith.constant 0 : i32
    %dma_wait3A_1411 = tpu.memref_slice %arg6[%dma_wait3A_1409, %dma_wait3A_1410] : memref<128x4096xf32, #tpu.memory_space<vmem>> -> memref<1x4096xf32, #tpu.memory_space<vmem>>
    %dma_wait3A_1412 = arith.constant 0 : i32
    %dma_wait3A_1413 = tpu.memref_slice %arg2[%get3A_332, %dma_wait3A_1408, %dma_wait3A_1412] : memref<2305x8x4096xf32, #tpu.memory_space<any>> -> memref<1x1x4096xf32, #tpu.memory_space<any>>
    %dma_wait3A_1414 = tpu.memref_squeeze %dma_wait3A_1413 : memref<1x1x4096xf32, #tpu.memory_space<any>> -> memref<1x4096xf32, #tpu.memory_space<any>>
    tpu.wait_dma2 semaphore(%arg7 : memref<!tpu.dma_semaphore, #tpu.memory_space<semaphore_mem>>) src(%dma_wait3A_1414 : memref<1x4096xf32, #tpu.memory_space<any>>) dst(%dma_wait3A_1411 : memref<1x4096xf32, #tpu.memory_space<vmem>>)
    %dma_wait3A_1415 = arith.constant 2 : i32
    %dma_wait3A_1416 = arith.constant 38 : i32
    %dma_wait3A_1417 = arith.constant 0 : i32
    %dma_wait3A_1418 = tpu.memref_slice %arg6[%dma_wait3A_1416, %dma_wait3A_1417] : memref<128x4096xf32, #tpu.memory_space<vmem>> -> memref<1x4096xf32, #tpu.memory_space<vmem>>
    %dma_wait3A_1419 = arith.constant 0 : i32
    %dma_wait3A_1420 = tpu.memref_slice %arg2[%get3A_341, %dma_wait3A_1415, %dma_wait3A_1419] : memref<2305x8x4096xf32, #tpu.memory_space<any>> -> memref<1x1x4096xf32, #tpu.memory_space<any>>
    %dma_wait3A_1421 = tpu.memref_squeeze %dma_wait3A_1420 : memref<1x1x4096xf32, #tpu.memory_space<any>> -> memref<1x4096xf32, #tpu.memory_space<any>>
    tpu.wait_dma2 semaphore(%arg7 : memref<!tpu.dma_semaphore, #tpu.memory_space<semaphore_mem>>) src(%dma_wait3A_1421 : memref<1x4096xf32, #tpu.memory_space<any>>) dst(%dma_wait3A_1418 : memref<1x4096xf32, #tpu.memory_space<vmem>>)
    %dma_wait3A_1422 = arith.constant 2 : i32
    %dma_wait3A_1423 = arith.constant 39 : i32
    %dma_wait3A_1424 = arith.constant 0 : i32
    %dma_wait3A_1425 = tpu.memref_slice %arg6[%dma_wait3A_1423, %dma_wait3A_1424] : memref<128x4096xf32, #tpu.memory_space<vmem>> -> memref<1x4096xf32, #tpu.memory_space<vmem>>
    %dma_wait3A_1426 = arith.constant 0 : i32
    %dma_wait3A_1427 = tpu.memref_slice %arg2[%get3A_350, %dma_wait3A_1422, %dma_wait3A_1426] : memref<2305x8x4096xf32, #tpu.memory_space<any>> -> memref<1x1x4096xf32, #tpu.memory_space<any>>
    %dma_wait3A_1428 = tpu.memref_squeeze %dma_wait3A_1427 : memref<1x1x4096xf32, #tpu.memory_space<any>> -> memref<1x4096xf32, #tpu.memory_space<any>>
    tpu.wait_dma2 semaphore(%arg7 : memref<!tpu.dma_semaphore, #tpu.memory_space<semaphore_mem>>) src(%dma_wait3A_1428 : memref<1x4096xf32, #tpu.memory_space<any>>) dst(%dma_wait3A_1425 : memref<1x4096xf32, #tpu.memory_space<vmem>>)
    %dma_wait3A_1429 = arith.constant 2 : i32
    %dma_wait3A_1430 = arith.constant 40 : i32
    %dma_wait3A_1431 = arith.constant 0 : i32
    %dma_wait3A_1432 = tpu.memref_slice %arg6[%dma_wait3A_1430, %dma_wait3A_1431] : memref<128x4096xf32, #tpu.memory_space<vmem>> -> memref<1x4096xf32, #tpu.memory_space<vmem>>
    %dma_wait3A_1433 = arith.constant 0 : i32
    %dma_wait3A_1434 = tpu.memref_slice %arg2[%get3A_359, %dma_wait3A_1429, %dma_wait3A_1433] : memref<2305x8x4096xf32, #tpu.memory_space<any>> -> memref<1x1x4096xf32, #tpu.memory_space<any>>
    %dma_wait3A_1435 = tpu.memref_squeeze %dma_wait3A_1434 : memref<1x1x4096xf32, #tpu.memory_space<any>> -> memref<1x4096xf32, #tpu.memory_space<any>>
    tpu.wait_dma2 semaphore(%arg7 : memref<!tpu.dma_semaphore, #tpu.memory_space<semaphore_mem>>) src(%dma_wait3A_1435 : memref<1x4096xf32, #tpu.memory_space<any>>) dst(%dma_wait3A_1432 : memref<1x4096xf32, #tpu.memory_space<vmem>>)
    %dma_wait3A_1436 = arith.constant 2 : i32
    %dma_wait3A_1437 = arith.constant 41 : i32
    %dma_wait3A_1438 = arith.constant 0 : i32
    %dma_wait3A_1439 = tpu.memref_slice %arg6[%dma_wait3A_1437, %dma_wait3A_1438] : memref<128x4096xf32, #tpu.memory_space<vmem>> -> memref<1x4096xf32, #tpu.memory_space<vmem>>
    %dma_wait3A_1440 = arith.constant 0 : i32
    %dma_wait3A_1441 = tpu.memref_slice %arg2[%get3A_368, %dma_wait3A_1436, %dma_wait3A_1440] : memref<2305x8x4096xf32, #tpu.memory_space<any>> -> memref<1x1x4096xf32, #tpu.memory_space<any>>
    %dma_wait3A_1442 = tpu.memref_squeeze %dma_wait3A_1441 : memref<1x1x4096xf32, #tpu.memory_space<any>> -> memref<1x4096xf32, #tpu.memory_space<any>>
    tpu.wait_dma2 semaphore(%arg7 : memref<!tpu.dma_semaphore, #tpu.memory_space<semaphore_mem>>) src(%dma_wait3A_1442 : memref<1x4096xf32, #tpu.memory_space<any>>) dst(%dma_wait3A_1439 : memref<1x4096xf32, #tpu.memory_space<vmem>>)
    %dma_wait3A_1443 = arith.constant 2 : i32
    %dma_wait3A_1444 = arith.constant 42 : i32
    %dma_wait3A_1445 = arith.constant 0 : i32
    %dma_wait3A_1446 = tpu.memref_slice %arg6[%dma_wait3A_1444, %dma_wait3A_1445] : memref<128x4096xf32, #tpu.memory_space<vmem>> -> memref<1x4096xf32, #tpu.memory_space<vmem>>
    %dma_wait3A_1447 = arith.constant 0 : i32
    %dma_wait3A_1448 = tpu.memref_slice %arg2[%get3A_377, %dma_wait3A_1443, %dma_wait3A_1447] : memref<2305x8x4096xf32, #tpu.memory_space<any>> -> memref<1x1x4096xf32, #tpu.memory_space<any>>
    %dma_wait3A_1449 = tpu.memref_squeeze %dma_wait3A_1448 : memref<1x1x4096xf32, #tpu.memory_space<any>> -> memref<1x4096xf32, #tpu.memory_space<any>>
    tpu.wait_dma2 semaphore(%arg7 : memref<!tpu.dma_semaphore, #tpu.memory_space<semaphore_mem>>) src(%dma_wait3A_1449 : memref<1x4096xf32, #tpu.memory_space<any>>) dst(%dma_wait3A_1446 : memref<1x4096xf32, #tpu.memory_space<vmem>>)
    %dma_wait3A_1450 = arith.constant 2 : i32
    %dma_wait3A_1451 = arith.constant 43 : i32
    %dma_wait3A_1452 = arith.constant 0 : i32
    %dma_wait3A_1453 = tpu.memref_slice %arg6[%dma_wait3A_1451, %dma_wait3A_1452] : memref<128x4096xf32, #tpu.memory_space<vmem>> -> memref<1x4096xf32, #tpu.memory_space<vmem>>
    %dma_wait3A_1454 = arith.constant 0 : i32
    %dma_wait3A_1455 = tpu.memref_slice %arg2[%get3A_386, %dma_wait3A_1450, %dma_wait3A_1454] : memref<2305x8x4096xf32, #tpu.memory_space<any>> -> memref<1x1x4096xf32, #tpu.memory_space<any>>
    %dma_wait3A_1456 = tpu.memref_squeeze %dma_wait3A_1455 : memref<1x1x4096xf32, #tpu.memory_space<any>> -> memref<1x4096xf32, #tpu.memory_space<any>>
    tpu.wait_dma2 semaphore(%arg7 : memref<!tpu.dma_semaphore, #tpu.memory_space<semaphore_mem>>) src(%dma_wait3A_1456 : memref<1x4096xf32, #tpu.memory_space<any>>) dst(%dma_wait3A_1453 : memref<1x4096xf32, #tpu.memory_space<vmem>>)
    %dma_wait3A_1457 = arith.constant 2 : i32
    %dma_wait3A_1458 = arith.constant 44 : i32
    %dma_wait3A_1459 = arith.constant 0 : i32
    %dma_wait3A_1460 = tpu.memref_slice %arg6[%dma_wait3A_1458, %dma_wait3A_1459] : memref<128x4096xf32, #tpu.memory_space<vmem>> -> memref<1x4096xf32, #tpu.memory_space<vmem>>
    %dma_wait3A_1461 = arith.constant 0 : i32
    %dma_wait3A_1462 = tpu.memref_slice %arg2[%get3A_395, %dma_wait3A_1457, %dma_wait3A_1461] : memref<2305x8x4096xf32, #tpu.memory_space<any>> -> memref<1x1x4096xf32, #tpu.memory_space<any>>
    %dma_wait3A_1463 = tpu.memref_squeeze %dma_wait3A_1462 : memref<1x1x4096xf32, #tpu.memory_space<any>> -> memref<1x4096xf32, #tpu.memory_space<any>>
    tpu.wait_dma2 semaphore(%arg7 : memref<!tpu.dma_semaphore, #tpu.memory_space<semaphore_mem>>) src(%dma_wait3A_1463 : memref<1x4096xf32, #tpu.memory_space<any>>) dst(%dma_wait3A_1460 : memref<1x4096xf32, #tpu.memory_space<vmem>>)
    %dma_wait3A_1464 = arith.constant 2 : i32
    %dma_wait3A_1465 = arith.constant 45 : i32
    %dma_wait3A_1466 = arith.constant 0 : i32
    %dma_wait3A_1467 = tpu.memref_slice %arg6[%dma_wait3A_1465, %dma_wait3A_1466] : memref<128x4096xf32, #tpu.memory_space<vmem>> -> memref<1x4096xf32, #tpu.memory_space<vmem>>
    %dma_wait3A_1468 = arith.constant 0 : i32
    %dma_wait3A_1469 = tpu.memref_slice %arg2[%get3A_404, %dma_wait3A_1464, %dma_wait3A_1468] : memref<2305x8x4096xf32, #tpu.memory_space<any>> -> memref<1x1x4096xf32, #tpu.memory_space<any>>
    %dma_wait3A_1470 = tpu.memref_squeeze %dma_wait3A_1469 : memref<1x1x4096xf32, #tpu.memory_space<any>> -> memref<1x4096xf32, #tpu.memory_space<any>>
    tpu.wait_dma2 semaphore(%arg7 : memref<!tpu.dma_semaphore, #tpu.memory_space<semaphore_mem>>) src(%dma_wait3A_1470 : memref<1x4096xf32, #tpu.memory_space<any>>) dst(%dma_wait3A_1467 : memref<1x4096xf32, #tpu.memory_space<vmem>>)
    %dma_wait3A_1471 = arith.constant 2 : i32
    %dma_wait3A_1472 = arith.constant 46 : i32
    %dma_wait3A_1473 = arith.constant 0 : i32
    %dma_wait3A_1474 = tpu.memref_slice %arg6[%dma_wait3A_1472, %dma_wait3A_1473] : memref<128x4096xf32, #tpu.memory_space<vmem>> -> memref<1x4096xf32, #tpu.memory_space<vmem>>
    %dma_wait3A_1475 = arith.constant 0 : i32
    %dma_wait3A_1476 = tpu.memref_slice %arg2[%get3A_413, %dma_wait3A_1471, %dma_wait3A_1475] : memref<2305x8x4096xf32, #tpu.memory_space<any>> -> memref<1x1x4096xf32, #tpu.memory_space<any>>
    %dma_wait3A_1477 = tpu.memref_squeeze %dma_wait3A_1476 : memref<1x1x4096xf32, #tpu.memory_space<any>> -> memref<1x4096xf32, #tpu.memory_space<any>>
    tpu.wait_dma2 semaphore(%arg7 : memref<!tpu.dma_semaphore, #tpu.memory_space<semaphore_mem>>) src(%dma_wait3A_1477 : memref<1x4096xf32, #tpu.memory_space<any>>) dst(%dma_wait3A_1474 : memref<1x4096xf32, #tpu.memory_space<vmem>>)
    %dma_wait3A_1478 = arith.constant 2 : i32
    %dma_wait3A_1479 = arith.constant 47 : i32
    %dma_wait3A_1480 = arith.constant 0 : i32
    %dma_wait3A_1481 = tpu.memref_slice %arg6[%dma_wait3A_1479, %dma_wait3A_1480] : memref<128x4096xf32, #tpu.memory_space<vmem>> -> memref<1x4096xf32, #tpu.memory_space<vmem>>
    %dma_wait3A_1482 = arith.constant 0 : i32
    %dma_wait3A_1483 = tpu.memref_slice %arg2[%get3A_422, %dma_wait3A_1478, %dma_wait3A_1482] : memref<2305x8x4096xf32, #tpu.memory_space<any>> -> memref<1x1x4096xf32, #tpu.memory_space<any>>
    %dma_wait3A_1484 = tpu.memref_squeeze %dma_wait3A_1483 : memref<1x1x4096xf32, #tpu.memory_space<any>> -> memref<1x4096xf32, #tpu.memory_space<any>>
    tpu.wait_dma2 semaphore(%arg7 : memref<!tpu.dma_semaphore, #tpu.memory_space<semaphore_mem>>) src(%dma_wait3A_1484 : memref<1x4096xf32, #tpu.memory_space<any>>) dst(%dma_wait3A_1481 : memref<1x4096xf32, #tpu.memory_space<vmem>>)
    %dma_wait3A_1485 = arith.constant 3 : i32
    %dma_wait3A_1486 = arith.constant 48 : i32
    %dma_wait3A_1487 = arith.constant 0 : i32
    %dma_wait3A_1488 = tpu.memref_slice %arg6[%dma_wait3A_1486, %dma_wait3A_1487] : memref<128x4096xf32, #tpu.memory_space<vmem>> -> memref<1x4096xf32, #tpu.memory_space<vmem>>
    %dma_wait3A_1489 = arith.constant 0 : i32
    %dma_wait3A_1490 = tpu.memref_slice %arg2[%get3A_431, %dma_wait3A_1485, %dma_wait3A_1489] : memref<2305x8x4096xf32, #tpu.memory_space<any>> -> memref<1x1x4096xf32, #tpu.memory_space<any>>
    %dma_wait3A_1491 = tpu.memref_squeeze %dma_wait3A_1490 : memref<1x1x4096xf32, #tpu.memory_space<any>> -> memref<1x4096xf32, #tpu.memory_space<any>>
    tpu.wait_dma2 semaphore(%arg7 : memref<!tpu.dma_semaphore, #tpu.memory_space<semaphore_mem>>) src(%dma_wait3A_1491 : memref<1x4096xf32, #tpu.memory_space<any>>) dst(%dma_wait3A_1488 : memref<1x4096xf32, #tpu.memory_space<vmem>>)
    %dma_wait3A_1492 = arith.constant 3 : i32
    %dma_wait3A_1493 = arith.constant 49 : i32
    %dma_wait3A_1494 = arith.constant 0 : i32
    %dma_wait3A_1495 = tpu.memref_slice %arg6[%dma_wait3A_1493, %dma_wait3A_1494] : memref<128x4096xf32, #tpu.memory_space<vmem>> -> memref<1x4096xf32, #tpu.memory_space<vmem>>
    %dma_wait3A_1496 = arith.constant 0 : i32
    %dma_wait3A_1497 = tpu.memref_slice %arg2[%get3A_440, %dma_wait3A_1492, %dma_wait3A_1496] : memref<2305x8x4096xf32, #tpu.memory_space<any>> -> memref<1x1x4096xf32, #tpu.memory_space<any>>
    %dma_wait3A_1498 = tpu.memref_squeeze %dma_wait3A_1497 : memref<1x1x4096xf32, #tpu.memory_space<any>> -> memref<1x4096xf32, #tpu.memory_space<any>>
    tpu.wait_dma2 semaphore(%arg7 : memref<!tpu.dma_semaphore, #tpu.memory_space<semaphore_mem>>) src(%dma_wait3A_1498 : memref<1x4096xf32, #tpu.memory_space<any>>) dst(%dma_wait3A_1495 : memref<1x4096xf32, #tpu.memory_space<vmem>>)
    %dma_wait3A_1499 = arith.constant 3 : i32
    %dma_wait3A_1500 = arith.constant 50 : i32
    %dma_wait3A_1501 = arith.constant 0 : i32
    %dma_wait3A_1502 = tpu.memref_slice %arg6[%dma_wait3A_1500, %dma_wait3A_1501] : memref<128x4096xf32, #tpu.memory_space<vmem>> -> memref<1x4096xf32, #tpu.memory_space<vmem>>
    %dma_wait3A_1503 = arith.constant 0 : i32
    %dma_wait3A_1504 = tpu.memref_slice %arg2[%get3A_449, %dma_wait3A_1499, %dma_wait3A_1503] : memref<2305x8x4096xf32, #tpu.memory_space<any>> -> memref<1x1x4096xf32, #tpu.memory_space<any>>
    %dma_wait3A_1505 = tpu.memref_squeeze %dma_wait3A_1504 : memref<1x1x4096xf32, #tpu.memory_space<any>> -> memref<1x4096xf32, #tpu.memory_space<any>>
    tpu.wait_dma2 semaphore(%arg7 : memref<!tpu.dma_semaphore, #tpu.memory_space<semaphore_mem>>) src(%dma_wait3A_1505 : memref<1x4096xf32, #tpu.memory_space<any>>) dst(%dma_wait3A_1502 : memref<1x4096xf32, #tpu.memory_space<vmem>>)
    %dma_wait3A_1506 = arith.constant 3 : i32
    %dma_wait3A_1507 = arith.constant 51 : i32
    %dma_wait3A_1508 = arith.constant 0 : i32
    %dma_wait3A_1509 = tpu.memref_slice %arg6[%dma_wait3A_1507, %dma_wait3A_1508] : memref<128x4096xf32, #tpu.memory_space<vmem>> -> memref<1x4096xf32, #tpu.memory_space<vmem>>
    %dma_wait3A_1510 = arith.constant 0 : i32
    %dma_wait3A_1511 = tpu.memref_slice %arg2[%get3A_458, %dma_wait3A_1506, %dma_wait3A_1510] : memref<2305x8x4096xf32, #tpu.memory_space<any>> -> memref<1x1x4096xf32, #tpu.memory_space<any>>
    %dma_wait3A_1512 = tpu.memref_squeeze %dma_wait3A_1511 : memref<1x1x4096xf32, #tpu.memory_space<any>> -> memref<1x4096xf32, #tpu.memory_space<any>>
    tpu.wait_dma2 semaphore(%arg7 : memref<!tpu.dma_semaphore, #tpu.memory_space<semaphore_mem>>) src(%dma_wait3A_1512 : memref<1x4096xf32, #tpu.memory_space<any>>) dst(%dma_wait3A_1509 : memref<1x4096xf32, #tpu.memory_space<vmem>>)
    %dma_wait3A_1513 = arith.constant 3 : i32
    %dma_wait3A_1514 = arith.constant 52 : i32
    %dma_wait3A_1515 = arith.constant 0 : i32
    %dma_wait3A_1516 = tpu.memref_slice %arg6[%dma_wait3A_1514, %dma_wait3A_1515] : memref<128x4096xf32, #tpu.memory_space<vmem>> -> memref<1x4096xf32, #tpu.memory_space<vmem>>
    %dma_wait3A_1517 = arith.constant 0 : i32
    %dma_wait3A_1518 = tpu.memref_slice %arg2[%get3A_467, %dma_wait3A_1513, %dma_wait3A_1517] : memref<2305x8x4096xf32, #tpu.memory_space<any>> -> memref<1x1x4096xf32, #tpu.memory_space<any>>
    %dma_wait3A_1519 = tpu.memref_squeeze %dma_wait3A_1518 : memref<1x1x4096xf32, #tpu.memory_space<any>> -> memref<1x4096xf32, #tpu.memory_space<any>>
    tpu.wait_dma2 semaphore(%arg7 : memref<!tpu.dma_semaphore, #tpu.memory_space<semaphore_mem>>) src(%dma_wait3A_1519 : memref<1x4096xf32, #tpu.memory_space<any>>) dst(%dma_wait3A_1516 : memref<1x4096xf32, #tpu.memory_space<vmem>>)
    %dma_wait3A_1520 = arith.constant 3 : i32
    %dma_wait3A_1521 = arith.constant 53 : i32
    %dma_wait3A_1522 = arith.constant 0 : i32
    %dma_wait3A_1523 = tpu.memref_slice %arg6[%dma_wait3A_1521, %dma_wait3A_1522] : memref<128x4096xf32, #tpu.memory_space<vmem>> -> memref<1x4096xf32, #tpu.memory_space<vmem>>
    %dma_wait3A_1524 = arith.constant 0 : i32
    %dma_wait3A_1525 = tpu.memref_slice %arg2[%get3A_476, %dma_wait3A_1520, %dma_wait3A_1524] : memref<2305x8x4096xf32, #tpu.memory_space<any>> -> memref<1x1x4096xf32, #tpu.memory_space<any>>
    %dma_wait3A_1526 = tpu.memref_squeeze %dma_wait3A_1525 : memref<1x1x4096xf32, #tpu.memory_space<any>> -> memref<1x4096xf32, #tpu.memory_space<any>>
    tpu.wait_dma2 semaphore(%arg7 : memref<!tpu.dma_semaphore, #tpu.memory_space<semaphore_mem>>) src(%dma_wait3A_1526 : memref<1x4096xf32, #tpu.memory_space<any>>) dst(%dma_wait3A_1523 : memref<1x4096xf32, #tpu.memory_space<vmem>>)
    %dma_wait3A_1527 = arith.constant 3 : i32
    %dma_wait3A_1528 = arith.constant 54 : i32
    %dma_wait3A_1529 = arith.constant 0 : i32
    %dma_wait3A_1530 = tpu.memref_slice %arg6[%dma_wait3A_1528, %dma_wait3A_1529] : memref<128x4096xf32, #tpu.memory_space<vmem>> -> memref<1x4096xf32, #tpu.memory_space<vmem>>
    %dma_wait3A_1531 = arith.constant 0 : i32
    %dma_wait3A_1532 = tpu.memref_slice %arg2[%get3A_485, %dma_wait3A_1527, %dma_wait3A_1531] : memref<2305x8x4096xf32, #tpu.memory_space<any>> -> memref<1x1x4096xf32, #tpu.memory_space<any>>
    %dma_wait3A_1533 = tpu.memref_squeeze %dma_wait3A_1532 : memref<1x1x4096xf32, #tpu.memory_space<any>> -> memref<1x4096xf32, #tpu.memory_space<any>>
    tpu.wait_dma2 semaphore(%arg7 : memref<!tpu.dma_semaphore, #tpu.memory_space<semaphore_mem>>) src(%dma_wait3A_1533 : memref<1x4096xf32, #tpu.memory_space<any>>) dst(%dma_wait3A_1530 : memref<1x4096xf32, #tpu.memory_space<vmem>>)
    %dma_wait3A_1534 = arith.constant 3 : i32
    %dma_wait3A_1535 = arith.constant 55 : i32
    %dma_wait3A_1536 = arith.constant 0 : i32
    %dma_wait3A_1537 = tpu.memref_slice %arg6[%dma_wait3A_1535, %dma_wait3A_1536] : memref<128x4096xf32, #tpu.memory_space<vmem>> -> memref<1x4096xf32, #tpu.memory_space<vmem>>
    %dma_wait3A_1538 = arith.constant 0 : i32
    %dma_wait3A_1539 = tpu.memref_slice %arg2[%get3A_494, %dma_wait3A_1534, %dma_wait3A_1538] : memref<2305x8x4096xf32, #tpu.memory_space<any>> -> memref<1x1x4096xf32, #tpu.memory_space<any>>
    %dma_wait3A_1540 = tpu.memref_squeeze %dma_wait3A_1539 : memref<1x1x4096xf32, #tpu.memory_space<any>> -> memref<1x4096xf32, #tpu.memory_space<any>>
    tpu.wait_dma2 semaphore(%arg7 : memref<!tpu.dma_semaphore, #tpu.memory_space<semaphore_mem>>) src(%dma_wait3A_1540 : memref<1x4096xf32, #tpu.memory_space<any>>) dst(%dma_wait3A_1537 : memref<1x4096xf32, #tpu.memory_space<vmem>>)
    %dma_wait3A_1541 = arith.constant 3 : i32
    %dma_wait3A_1542 = arith.constant 56 : i32
    %dma_wait3A_1543 = arith.constant 0 : i32
    %dma_wait3A_1544 = tpu.memref_slice %arg6[%dma_wait3A_1542, %dma_wait3A_1543] : memref<128x4096xf32, #tpu.memory_space<vmem>> -> memref<1x4096xf32, #tpu.memory_space<vmem>>
    %dma_wait3A_1545 = arith.constant 0 : i32
    %dma_wait3A_1546 = tpu.memref_slice %arg2[%get3A_503, %dma_wait3A_1541, %dma_wait3A_1545] : memref<2305x8x4096xf32, #tpu.memory_space<any>> -> memref<1x1x4096xf32, #tpu.memory_space<any>>
    %dma_wait3A_1547 = tpu.memref_squeeze %dma_wait3A_1546 : memref<1x1x4096xf32, #tpu.memory_space<any>> -> memref<1x4096xf32, #tpu.memory_space<any>>
    tpu.wait_dma2 semaphore(%arg7 : memref<!tpu.dma_semaphore, #tpu.memory_space<semaphore_mem>>) src(%dma_wait3A_1547 : memref<1x4096xf32, #tpu.memory_space<any>>) dst(%dma_wait3A_1544 : memref<1x4096xf32, #tpu.memory_space<vmem>>)
    %dma_wait3A_1548 = arith.constant 3 : i32
    %dma_wait3A_1549 = arith.constant 57 : i32
    %dma_wait3A_1550 = arith.constant 0 : i32
    %dma_wait3A_1551 = tpu.memref_slice %arg6[%dma_wait3A_1549, %dma_wait3A_1550] : memref<128x4096xf32, #tpu.memory_space<vmem>> -> memref<1x4096xf32, #tpu.memory_space<vmem>>
    %dma_wait3A_1552 = arith.constant 0 : i32
    %dma_wait3A_1553 = tpu.memref_slice %arg2[%get3A_512, %dma_wait3A_1548, %dma_wait3A_1552] : memref<2305x8x4096xf32, #tpu.memory_space<any>> -> memref<1x1x4096xf32, #tpu.memory_space<any>>
    %dma_wait3A_1554 = tpu.memref_squeeze %dma_wait3A_1553 : memref<1x1x4096xf32, #tpu.memory_space<any>> -> memref<1x4096xf32, #tpu.memory_space<any>>
    tpu.wait_dma2 semaphore(%arg7 : memref<!tpu.dma_semaphore, #tpu.memory_space<semaphore_mem>>) src(%dma_wait3A_1554 : memref<1x4096xf32, #tpu.memory_space<any>>) dst(%dma_wait3A_1551 : memref<1x4096xf32, #tpu.memory_space<vmem>>)
    %dma_wait3A_1555 = arith.constant 3 : i32
    %dma_wait3A_1556 = arith.constant 58 : i32
    %dma_wait3A_1557 = arith.constant 0 : i32
    %dma_wait3A_1558 = tpu.memref_slice %arg6[%dma_wait3A_1556, %dma_wait3A_1557] : memref<128x4096xf32, #tpu.memory_space<vmem>> -> memref<1x4096xf32, #tpu.memory_space<vmem>>
    %dma_wait3A_1559 = arith.constant 0 : i32
    %dma_wait3A_1560 = tpu.memref_slice %arg2[%get3A_521, %dma_wait3A_1555, %dma_wait3A_1559] : memref<2305x8x4096xf32, #tpu.memory_space<any>> -> memref<1x1x4096xf32, #tpu.memory_space<any>>
    %dma_wait3A_1561 = tpu.memref_squeeze %dma_wait3A_1560 : memref<1x1x4096xf32, #tpu.memory_space<any>> -> memref<1x4096xf32, #tpu.memory_space<any>>
    tpu.wait_dma2 semaphore(%arg7 : memref<!tpu.dma_semaphore, #tpu.memory_space<semaphore_mem>>) src(%dma_wait3A_1561 : memref<1x4096xf32, #tpu.memory_space<any>>) dst(%dma_wait3A_1558 : memref<1x4096xf32, #tpu.memory_space<vmem>>)
    %dma_wait3A_1562 = arith.constant 3 : i32
    %dma_wait3A_1563 = arith.constant 59 : i32
    %dma_wait3A_1564 = arith.constant 0 : i32
    %dma_wait3A_1565 = tpu.memref_slice %arg6[%dma_wait3A_1563, %dma_wait3A_1564] : memref<128x4096xf32, #tpu.memory_space<vmem>> -> memref<1x4096xf32, #tpu.memory_space<vmem>>
    %dma_wait3A_1566 = arith.constant 0 : i32
    %dma_wait3A_1567 = tpu.memref_slice %arg2[%get3A_530, %dma_wait3A_1562, %dma_wait3A_1566] : memref<2305x8x4096xf32, #tpu.memory_space<any>> -> memref<1x1x4096xf32, #tpu.memory_space<any>>
    %dma_wait3A_1568 = tpu.memref_squeeze %dma_wait3A_1567 : memref<1x1x4096xf32, #tpu.memory_space<any>> -> memref<1x4096xf32, #tpu.memory_space<any>>
    tpu.wait_dma2 semaphore(%arg7 : memref<!tpu.dma_semaphore, #tpu.memory_space<semaphore_mem>>) src(%dma_wait3A_1568 : memref<1x4096xf32, #tpu.memory_space<any>>) dst(%dma_wait3A_1565 : memref<1x4096xf32, #tpu.memory_space<vmem>>)
    %dma_wait3A_1569 = arith.constant 3 : i32
    %dma_wait3A_1570 = arith.constant 60 : i32
    %dma_wait3A_1571 = arith.constant 0 : i32
    %dma_wait3A_1572 = tpu.memref_slice %arg6[%dma_wait3A_1570, %dma_wait3A_1571] : memref<128x4096xf32, #tpu.memory_space<vmem>> -> memref<1x4096xf32, #tpu.memory_space<vmem>>
    %dma_wait3A_1573 = arith.constant 0 : i32
    %dma_wait3A_1574 = tpu.memref_slice %arg2[%get3A_539, %dma_wait3A_1569, %dma_wait3A_1573] : memref<2305x8x4096xf32, #tpu.memory_space<any>> -> memref<1x1x4096xf32, #tpu.memory_space<any>>
    %dma_wait3A_1575 = tpu.memref_squeeze %dma_wait3A_1574 : memref<1x1x4096xf32, #tpu.memory_space<any>> -> memref<1x4096xf32, #tpu.memory_space<any>>
    tpu.wait_dma2 semaphore(%arg7 : memref<!tpu.dma_semaphore, #tpu.memory_space<semaphore_mem>>) src(%dma_wait3A_1575 : memref<1x4096xf32, #tpu.memory_space<any>>) dst(%dma_wait3A_1572 : memref<1x4096xf32, #tpu.memory_space<vmem>>)
    %dma_wait3A_1576 = arith.constant 3 : i32
    %dma_wait3A_1577 = arith.constant 61 : i32
    %dma_wait3A_1578 = arith.constant 0 : i32
    %dma_wait3A_1579 = tpu.memref_slice %arg6[%dma_wait3A_1577, %dma_wait3A_1578] : memref<128x4096xf32, #tpu.memory_space<vmem>> -> memref<1x4096xf32, #tpu.memory_space<vmem>>
    %dma_wait3A_1580 = arith.constant 0 : i32
    %dma_wait3A_1581 = tpu.memref_slice %arg2[%get3A_548, %dma_wait3A_1576, %dma_wait3A_1580] : memref<2305x8x4096xf32, #tpu.memory_space<any>> -> memref<1x1x4096xf32, #tpu.memory_space<any>>
    %dma_wait3A_1582 = tpu.memref_squeeze %dma_wait3A_1581 : memref<1x1x4096xf32, #tpu.memory_space<any>> -> memref<1x4096xf32, #tpu.memory_space<any>>
    tpu.wait_dma2 semaphore(%arg7 : memref<!tpu.dma_semaphore, #tpu.memory_space<semaphore_mem>>) src(%dma_wait3A_1582 : memref<1x4096xf32, #tpu.memory_space<any>>) dst(%dma_wait3A_1579 : memref<1x4096xf32, #tpu.memory_space<vmem>>)
    %dma_wait3A_1583 = arith.constant 3 : i32
    %dma_wait3A_1584 = arith.constant 62 : i32
    %dma_wait3A_1585 = arith.constant 0 : i32
    %dma_wait3A_1586 = tpu.memref_slice %arg6[%dma_wait3A_1584, %dma_wait3A_1585] : memref<128x4096xf32, #tpu.memory_space<vmem>> -> memref<1x4096xf32, #tpu.memory_space<vmem>>
    %dma_wait3A_1587 = arith.constant 0 : i32
    %dma_wait3A_1588 = tpu.memref_slice %arg2[%get3A_557, %dma_wait3A_1583, %dma_wait3A_1587] : memref<2305x8x4096xf32, #tpu.memory_space<any>> -> memref<1x1x4096xf32, #tpu.memory_space<any>>
    %dma_wait3A_1589 = tpu.memref_squeeze %dma_wait3A_1588 : memref<1x1x4096xf32, #tpu.memory_space<any>> -> memref<1x4096xf32, #tpu.memory_space<any>>
    tpu.wait_dma2 semaphore(%arg7 : memref<!tpu.dma_semaphore, #tpu.memory_space<semaphore_mem>>) src(%dma_wait3A_1589 : memref<1x4096xf32, #tpu.memory_space<any>>) dst(%dma_wait3A_1586 : memref<1x4096xf32, #tpu.memory_space<vmem>>)
    %dma_wait3A_1590 = arith.constant 3 : i32
    %dma_wait3A_1591 = arith.constant 63 : i32
    %dma_wait3A_1592 = arith.constant 0 : i32
    %dma_wait3A_1593 = tpu.memref_slice %arg6[%dma_wait3A_1591, %dma_wait3A_1592] : memref<128x4096xf32, #tpu.memory_space<vmem>> -> memref<1x4096xf32, #tpu.memory_space<vmem>>
    %dma_wait3A_1594 = arith.constant 0 : i32
    %dma_wait3A_1595 = tpu.memref_slice %arg2[%get3A_566, %dma_wait3A_1590, %dma_wait3A_1594] : memref<2305x8x4096xf32, #tpu.memory_space<any>> -> memref<1x1x4096xf32, #tpu.memory_space<any>>
    %dma_wait3A_1596 = tpu.memref_squeeze %dma_wait3A_1595 : memref<1x1x4096xf32, #tpu.memory_space<any>> -> memref<1x4096xf32, #tpu.memory_space<any>>
    tpu.wait_dma2 semaphore(%arg7 : memref<!tpu.dma_semaphore, #tpu.memory_space<semaphore_mem>>) src(%dma_wait3A_1596 : memref<1x4096xf32, #tpu.memory_space<any>>) dst(%dma_wait3A_1593 : memref<1x4096xf32, #tpu.memory_space<vmem>>)
    %dma_wait3A_1597 = arith.constant 4 : i32
    %dma_wait3A_1598 = arith.constant 64 : i32
    %dma_wait3A_1599 = arith.constant 0 : i32
    %dma_wait3A_1600 = tpu.memref_slice %arg6[%dma_wait3A_1598, %dma_wait3A_1599] : memref<128x4096xf32, #tpu.memory_space<vmem>> -> memref<1x4096xf32, #tpu.memory_space<vmem>>
    %dma_wait3A_1601 = arith.constant 0 : i32
    %dma_wait3A_1602 = tpu.memref_slice %arg2[%get3A_575, %dma_wait3A_1597, %dma_wait3A_1601] : memref<2305x8x4096xf32, #tpu.memory_space<any>> -> memref<1x1x4096xf32, #tpu.memory_space<any>>
    %dma_wait3A_1603 = tpu.memref_squeeze %dma_wait3A_1602 : memref<1x1x4096xf32, #tpu.memory_space<any>> -> memref<1x4096xf32, #tpu.memory_space<any>>
    tpu.wait_dma2 semaphore(%arg7 : memref<!tpu.dma_semaphore, #tpu.memory_space<semaphore_mem>>) src(%dma_wait3A_1603 : memref<1x4096xf32, #tpu.memory_space<any>>) dst(%dma_wait3A_1600 : memref<1x4096xf32, #tpu.memory_space<vmem>>)
    %dma_wait3A_1604 = arith.constant 4 : i32
    %dma_wait3A_1605 = arith.constant 65 : i32
    %dma_wait3A_1606 = arith.constant 0 : i32
    %dma_wait3A_1607 = tpu.memref_slice %arg6[%dma_wait3A_1605, %dma_wait3A_1606] : memref<128x4096xf32, #tpu.memory_space<vmem>> -> memref<1x4096xf32, #tpu.memory_space<vmem>>
    %dma_wait3A_1608 = arith.constant 0 : i32
    %dma_wait3A_1609 = tpu.memref_slice %arg2[%get3A_584, %dma_wait3A_1604, %dma_wait3A_1608] : memref<2305x8x4096xf32, #tpu.memory_space<any>> -> memref<1x1x4096xf32, #tpu.memory_space<any>>
    %dma_wait3A_1610 = tpu.memref_squeeze %dma_wait3A_1609 : memref<1x1x4096xf32, #tpu.memory_space<any>> -> memref<1x4096xf32, #tpu.memory_space<any>>
    tpu.wait_dma2 semaphore(%arg7 : memref<!tpu.dma_semaphore, #tpu.memory_space<semaphore_mem>>) src(%dma_wait3A_1610 : memref<1x4096xf32, #tpu.memory_space<any>>) dst(%dma_wait3A_1607 : memref<1x4096xf32, #tpu.memory_space<vmem>>)
    %dma_wait3A_1611 = arith.constant 4 : i32
    %dma_wait3A_1612 = arith.constant 66 : i32
    %dma_wait3A_1613 = arith.constant 0 : i32
    %dma_wait3A_1614 = tpu.memref_slice %arg6[%dma_wait3A_1612, %dma_wait3A_1613] : memref<128x4096xf32, #tpu.memory_space<vmem>> -> memref<1x4096xf32, #tpu.memory_space<vmem>>
    %dma_wait3A_1615 = arith.constant 0 : i32
    %dma_wait3A_1616 = tpu.memref_slice %arg2[%get3A_593, %dma_wait3A_1611, %dma_wait3A_1615] : memref<2305x8x4096xf32, #tpu.memory_space<any>> -> memref<1x1x4096xf32, #tpu.memory_space<any>>
    %dma_wait3A_1617 = tpu.memref_squeeze %dma_wait3A_1616 : memref<1x1x4096xf32, #tpu.memory_space<any>> -> memref<1x4096xf32, #tpu.memory_space<any>>
    tpu.wait_dma2 semaphore(%arg7 : memref<!tpu.dma_semaphore, #tpu.memory_space<semaphore_mem>>) src(%dma_wait3A_1617 : memref<1x4096xf32, #tpu.memory_space<any>>) dst(%dma_wait3A_1614 : memref<1x4096xf32, #tpu.memory_space<vmem>>)
    %dma_wait3A_1618 = arith.constant 4 : i32
    %dma_wait3A_1619 = arith.constant 67 : i32
    %dma_wait3A_1620 = arith.constant 0 : i32
    %dma_wait3A_1621 = tpu.memref_slice %arg6[%dma_wait3A_1619, %dma_wait3A_1620] : memref<128x4096xf32, #tpu.memory_space<vmem>> -> memref<1x4096xf32, #tpu.memory_space<vmem>>
    %dma_wait3A_1622 = arith.constant 0 : i32
    %dma_wait3A_1623 = tpu.memref_slice %arg2[%get3A_602, %dma_wait3A_1618, %dma_wait3A_1622] : memref<2305x8x4096xf32, #tpu.memory_space<any>> -> memref<1x1x4096xf32, #tpu.memory_space<any>>
    %dma_wait3A_1624 = tpu.memref_squeeze %dma_wait3A_1623 : memref<1x1x4096xf32, #tpu.memory_space<any>> -> memref<1x4096xf32, #tpu.memory_space<any>>
    tpu.wait_dma2 semaphore(%arg7 : memref<!tpu.dma_semaphore, #tpu.memory_space<semaphore_mem>>) src(%dma_wait3A_1624 : memref<1x4096xf32, #tpu.memory_space<any>>) dst(%dma_wait3A_1621 : memref<1x4096xf32, #tpu.memory_space<vmem>>)
    %dma_wait3A_1625 = arith.constant 4 : i32
    %dma_wait3A_1626 = arith.constant 68 : i32
    %dma_wait3A_1627 = arith.constant 0 : i32
    %dma_wait3A_1628 = tpu.memref_slice %arg6[%dma_wait3A_1626, %dma_wait3A_1627] : memref<128x4096xf32, #tpu.memory_space<vmem>> -> memref<1x4096xf32, #tpu.memory_space<vmem>>
    %dma_wait3A_1629 = arith.constant 0 : i32
    %dma_wait3A_1630 = tpu.memref_slice %arg2[%get3A_611, %dma_wait3A_1625, %dma_wait3A_1629] : memref<2305x8x4096xf32, #tpu.memory_space<any>> -> memref<1x1x4096xf32, #tpu.memory_space<any>>
    %dma_wait3A_1631 = tpu.memref_squeeze %dma_wait3A_1630 : memref<1x1x4096xf32, #tpu.memory_space<any>> -> memref<1x4096xf32, #tpu.memory_space<any>>
    tpu.wait_dma2 semaphore(%arg7 : memref<!tpu.dma_semaphore, #tpu.memory_space<semaphore_mem>>) src(%dma_wait3A_1631 : memref<1x4096xf32, #tpu.memory_space<any>>) dst(%dma_wait3A_1628 : memref<1x4096xf32, #tpu.memory_space<vmem>>)
    %dma_wait3A_1632 = arith.constant 4 : i32
    %dma_wait3A_1633 = arith.constant 69 : i32
    %dma_wait3A_1634 = arith.constant 0 : i32
    %dma_wait3A_1635 = tpu.memref_slice %arg6[%dma_wait3A_1633, %dma_wait3A_1634] : memref<128x4096xf32, #tpu.memory_space<vmem>> -> memref<1x4096xf32, #tpu.memory_space<vmem>>
    %dma_wait3A_1636 = arith.constant 0 : i32
    %dma_wait3A_1637 = tpu.memref_slice %arg2[%get3A_620, %dma_wait3A_1632, %dma_wait3A_1636] : memref<2305x8x4096xf32, #tpu.memory_space<any>> -> memref<1x1x4096xf32, #tpu.memory_space<any>>
    %dma_wait3A_1638 = tpu.memref_squeeze %dma_wait3A_1637 : memref<1x1x4096xf32, #tpu.memory_space<any>> -> memref<1x4096xf32, #tpu.memory_space<any>>
    tpu.wait_dma2 semaphore(%arg7 : memref<!tpu.dma_semaphore, #tpu.memory_space<semaphore_mem>>) src(%dma_wait3A_1638 : memref<1x4096xf32, #tpu.memory_space<any>>) dst(%dma_wait3A_1635 : memref<1x4096xf32, #tpu.memory_space<vmem>>)
    %dma_wait3A_1639 = arith.constant 4 : i32
    %dma_wait3A_1640 = arith.constant 70 : i32
    %dma_wait3A_1641 = arith.constant 0 : i32
    %dma_wait3A_1642 = tpu.memref_slice %arg6[%dma_wait3A_1640, %dma_wait3A_1641] : memref<128x4096xf32, #tpu.memory_space<vmem>> -> memref<1x4096xf32, #tpu.memory_space<vmem>>
    %dma_wait3A_1643 = arith.constant 0 : i32
    %dma_wait3A_1644 = tpu.memref_slice %arg2[%get3A_629, %dma_wait3A_1639, %dma_wait3A_1643] : memref<2305x8x4096xf32, #tpu.memory_space<any>> -> memref<1x1x4096xf32, #tpu.memory_space<any>>
    %dma_wait3A_1645 = tpu.memref_squeeze %dma_wait3A_1644 : memref<1x1x4096xf32, #tpu.memory_space<any>> -> memref<1x4096xf32, #tpu.memory_space<any>>
    tpu.wait_dma2 semaphore(%arg7 : memref<!tpu.dma_semaphore, #tpu.memory_space<semaphore_mem>>) src(%dma_wait3A_1645 : memref<1x4096xf32, #tpu.memory_space<any>>) dst(%dma_wait3A_1642 : memref<1x4096xf32, #tpu.memory_space<vmem>>)
    %dma_wait3A_1646 = arith.constant 4 : i32
    %dma_wait3A_1647 = arith.constant 71 : i32
    %dma_wait3A_1648 = arith.constant 0 : i32
    %dma_wait3A_1649 = tpu.memref_slice %arg6[%dma_wait3A_1647, %dma_wait3A_1648] : memref<128x4096xf32, #tpu.memory_space<vmem>> -> memref<1x4096xf32, #tpu.memory_space<vmem>>
    %dma_wait3A_1650 = arith.constant 0 : i32
    %dma_wait3A_1651 = tpu.memref_slice %arg2[%get3A_638, %dma_wait3A_1646, %dma_wait3A_1650] : memref<2305x8x4096xf32, #tpu.memory_space<any>> -> memref<1x1x4096xf32, #tpu.memory_space<any>>
    %dma_wait3A_1652 = tpu.memref_squeeze %dma_wait3A_1651 : memref<1x1x4096xf32, #tpu.memory_space<any>> -> memref<1x4096xf32, #tpu.memory_space<any>>
    tpu.wait_dma2 semaphore(%arg7 : memref<!tpu.dma_semaphore, #tpu.memory_space<semaphore_mem>>) src(%dma_wait3A_1652 : memref<1x4096xf32, #tpu.memory_space<any>>) dst(%dma_wait3A_1649 : memref<1x4096xf32, #tpu.memory_space<vmem>>)
    %dma_wait3A_1653 = arith.constant 4 : i32
    %dma_wait3A_1654 = arith.constant 72 : i32
    %dma_wait3A_1655 = arith.constant 0 : i32
    %dma_wait3A_1656 = tpu.memref_slice %arg6[%dma_wait3A_1654, %dma_wait3A_1655] : memref<128x4096xf32, #tpu.memory_space<vmem>> -> memref<1x4096xf32, #tpu.memory_space<vmem>>
    %dma_wait3A_1657 = arith.constant 0 : i32
    %dma_wait3A_1658 = tpu.memref_slice %arg2[%get3A_647, %dma_wait3A_1653, %dma_wait3A_1657] : memref<2305x8x4096xf32, #tpu.memory_space<any>> -> memref<1x1x4096xf32, #tpu.memory_space<any>>
    %dma_wait3A_1659 = tpu.memref_squeeze %dma_wait3A_1658 : memref<1x1x4096xf32, #tpu.memory_space<any>> -> memref<1x4096xf32, #tpu.memory_space<any>>
    tpu.wait_dma2 semaphore(%arg7 : memref<!tpu.dma_semaphore, #tpu.memory_space<semaphore_mem>>) src(%dma_wait3A_1659 : memref<1x4096xf32, #tpu.memory_space<any>>) dst(%dma_wait3A_1656 : memref<1x4096xf32, #tpu.memory_space<vmem>>)
    %dma_wait3A_1660 = arith.constant 4 : i32
    %dma_wait3A_1661 = arith.constant 73 : i32
    %dma_wait3A_1662 = arith.constant 0 : i32
    %dma_wait3A_1663 = tpu.memref_slice %arg6[%dma_wait3A_1661, %dma_wait3A_1662] : memref<128x4096xf32, #tpu.memory_space<vmem>> -> memref<1x4096xf32, #tpu.memory_space<vmem>>
    %dma_wait3A_1664 = arith.constant 0 : i32
    %dma_wait3A_1665 = tpu.memref_slice %arg2[%get3A_656, %dma_wait3A_1660, %dma_wait3A_1664] : memref<2305x8x4096xf32, #tpu.memory_space<any>> -> memref<1x1x4096xf32, #tpu.memory_space<any>>
    %dma_wait3A_1666 = tpu.memref_squeeze %dma_wait3A_1665 : memref<1x1x4096xf32, #tpu.memory_space<any>> -> memref<1x4096xf32, #tpu.memory_space<any>>
    tpu.wait_dma2 semaphore(%arg7 : memref<!tpu.dma_semaphore, #tpu.memory_space<semaphore_mem>>) src(%dma_wait3A_1666 : memref<1x4096xf32, #tpu.memory_space<any>>) dst(%dma_wait3A_1663 : memref<1x4096xf32, #tpu.memory_space<vmem>>)
    %dma_wait3A_1667 = arith.constant 4 : i32
    %dma_wait3A_1668 = arith.constant 74 : i32
    %dma_wait3A_1669 = arith.constant 0 : i32
    %dma_wait3A_1670 = tpu.memref_slice %arg6[%dma_wait3A_1668, %dma_wait3A_1669] : memref<128x4096xf32, #tpu.memory_space<vmem>> -> memref<1x4096xf32, #tpu.memory_space<vmem>>
    %dma_wait3A_1671 = arith.constant 0 : i32
    %dma_wait3A_1672 = tpu.memref_slice %arg2[%get3A_665, %dma_wait3A_1667, %dma_wait3A_1671] : memref<2305x8x4096xf32, #tpu.memory_space<any>> -> memref<1x1x4096xf32, #tpu.memory_space<any>>
    %dma_wait3A_1673 = tpu.memref_squeeze %dma_wait3A_1672 : memref<1x1x4096xf32, #tpu.memory_space<any>> -> memref<1x4096xf32, #tpu.memory_space<any>>
    tpu.wait_dma2 semaphore(%arg7 : memref<!tpu.dma_semaphore, #tpu.memory_space<semaphore_mem>>) src(%dma_wait3A_1673 : memref<1x4096xf32, #tpu.memory_space<any>>) dst(%dma_wait3A_1670 : memref<1x4096xf32, #tpu.memory_space<vmem>>)
    %dma_wait3A_1674 = arith.constant 4 : i32
    %dma_wait3A_1675 = arith.constant 75 : i32
    %dma_wait3A_1676 = arith.constant 0 : i32
    %dma_wait3A_1677 = tpu.memref_slice %arg6[%dma_wait3A_1675, %dma_wait3A_1676] : memref<128x4096xf32, #tpu.memory_space<vmem>> -> memref<1x4096xf32, #tpu.memory_space<vmem>>
    %dma_wait3A_1678 = arith.constant 0 : i32
    %dma_wait3A_1679 = tpu.memref_slice %arg2[%get3A_674, %dma_wait3A_1674, %dma_wait3A_1678] : memref<2305x8x4096xf32, #tpu.memory_space<any>> -> memref<1x1x4096xf32, #tpu.memory_space<any>>
    %dma_wait3A_1680 = tpu.memref_squeeze %dma_wait3A_1679 : memref<1x1x4096xf32, #tpu.memory_space<any>> -> memref<1x4096xf32, #tpu.memory_space<any>>
    tpu.wait_dma2 semaphore(%arg7 : memref<!tpu.dma_semaphore, #tpu.memory_space<semaphore_mem>>) src(%dma_wait3A_1680 : memref<1x4096xf32, #tpu.memory_space<any>>) dst(%dma_wait3A_1677 : memref<1x4096xf32, #tpu.memory_space<vmem>>)
    %dma_wait3A_1681 = arith.constant 4 : i32
    %dma_wait3A_1682 = arith.constant 76 : i32
    %dma_wait3A_1683 = arith.constant 0 : i32
    %dma_wait3A_1684 = tpu.memref_slice %arg6[%dma_wait3A_1682, %dma_wait3A_1683] : memref<128x4096xf32, #tpu.memory_space<vmem>> -> memref<1x4096xf32, #tpu.memory_space<vmem>>
    %dma_wait3A_1685 = arith.constant 0 : i32
    %dma_wait3A_1686 = tpu.memref_slice %arg2[%get3A_683, %dma_wait3A_1681, %dma_wait3A_1685] : memref<2305x8x4096xf32, #tpu.memory_space<any>> -> memref<1x1x4096xf32, #tpu.memory_space<any>>
    %dma_wait3A_1687 = tpu.memref_squeeze %dma_wait3A_1686 : memref<1x1x4096xf32, #tpu.memory_space<any>> -> memref<1x4096xf32, #tpu.memory_space<any>>
    tpu.wait_dma2 semaphore(%arg7 : memref<!tpu.dma_semaphore, #tpu.memory_space<semaphore_mem>>) src(%dma_wait3A_1687 : memref<1x4096xf32, #tpu.memory_space<any>>) dst(%dma_wait3A_1684 : memref<1x4096xf32, #tpu.memory_space<vmem>>)
    %dma_wait3A_1688 = arith.constant 4 : i32
    %dma_wait3A_1689 = arith.constant 77 : i32
    %dma_wait3A_1690 = arith.constant 0 : i32
    %dma_wait3A_1691 = tpu.memref_slice %arg6[%dma_wait3A_1689, %dma_wait3A_1690] : memref<128x4096xf32, #tpu.memory_space<vmem>> -> memref<1x4096xf32, #tpu.memory_space<vmem>>
    %dma_wait3A_1692 = arith.constant 0 : i32
    %dma_wait3A_1693 = tpu.memref_slice %arg2[%get3A_692, %dma_wait3A_1688, %dma_wait3A_1692] : memref<2305x8x4096xf32, #tpu.memory_space<any>> -> memref<1x1x4096xf32, #tpu.memory_space<any>>
    %dma_wait3A_1694 = tpu.memref_squeeze %dma_wait3A_1693 : memref<1x1x4096xf32, #tpu.memory_space<any>> -> memref<1x4096xf32, #tpu.memory_space<any>>
    tpu.wait_dma2 semaphore(%arg7 : memref<!tpu.dma_semaphore, #tpu.memory_space<semaphore_mem>>) src(%dma_wait3A_1694 : memref<1x4096xf32, #tpu.memory_space<any>>) dst(%dma_wait3A_1691 : memref<1x4096xf32, #tpu.memory_space<vmem>>)
    %dma_wait3A_1695 = arith.constant 4 : i32
    %dma_wait3A_1696 = arith.constant 78 : i32
    %dma_wait3A_1697 = arith.constant 0 : i32
    %dma_wait3A_1698 = tpu.memref_slice %arg6[%dma_wait3A_1696, %dma_wait3A_1697] : memref<128x4096xf32, #tpu.memory_space<vmem>> -> memref<1x4096xf32, #tpu.memory_space<vmem>>
    %dma_wait3A_1699 = arith.constant 0 : i32
    %dma_wait3A_1700 = tpu.memref_slice %arg2[%get3A_701, %dma_wait3A_1695, %dma_wait3A_1699] : memref<2305x8x4096xf32, #tpu.memory_space<any>> -> memref<1x1x4096xf32, #tpu.memory_space<any>>
    %dma_wait3A_1701 = tpu.memref_squeeze %dma_wait3A_1700 : memref<1x1x4096xf32, #tpu.memory_space<any>> -> memref<1x4096xf32, #tpu.memory_space<any>>
    tpu.wait_dma2 semaphore(%arg7 : memref<!tpu.dma_semaphore, #tpu.memory_space<semaphore_mem>>) src(%dma_wait3A_1701 : memref<1x4096xf32, #tpu.memory_space<any>>) dst(%dma_wait3A_1698 : memref<1x4096xf32, #tpu.memory_space<vmem>>)
    %dma_wait3A_1702 = arith.constant 4 : i32
    %dma_wait3A_1703 = arith.constant 79 : i32
    %dma_wait3A_1704 = arith.constant 0 : i32
    %dma_wait3A_1705 = tpu.memref_slice %arg6[%dma_wait3A_1703, %dma_wait3A_1704] : memref<128x4096xf32, #tpu.memory_space<vmem>> -> memref<1x4096xf32, #tpu.memory_space<vmem>>
    %dma_wait3A_1706 = arith.constant 0 : i32
    %dma_wait3A_1707 = tpu.memref_slice %arg2[%get3A_710, %dma_wait3A_1702, %dma_wait3A_1706] : memref<2305x8x4096xf32, #tpu.memory_space<any>> -> memref<1x1x4096xf32, #tpu.memory_space<any>>
    %dma_wait3A_1708 = tpu.memref_squeeze %dma_wait3A_1707 : memref<1x1x4096xf32, #tpu.memory_space<any>> -> memref<1x4096xf32, #tpu.memory_space<any>>
    tpu.wait_dma2 semaphore(%arg7 : memref<!tpu.dma_semaphore, #tpu.memory_space<semaphore_mem>>) src(%dma_wait3A_1708 : memref<1x4096xf32, #tpu.memory_space<any>>) dst(%dma_wait3A_1705 : memref<1x4096xf32, #tpu.memory_space<vmem>>)
    %dma_wait3A_1709 = arith.constant 5 : i32
    %dma_wait3A_1710 = arith.constant 80 : i32
    %dma_wait3A_1711 = arith.constant 0 : i32
    %dma_wait3A_1712 = tpu.memref_slice %arg6[%dma_wait3A_1710, %dma_wait3A_1711] : memref<128x4096xf32, #tpu.memory_space<vmem>> -> memref<1x4096xf32, #tpu.memory_space<vmem>>
    %dma_wait3A_1713 = arith.constant 0 : i32
    %dma_wait3A_1714 = tpu.memref_slice %arg2[%get3A_719, %dma_wait3A_1709, %dma_wait3A_1713] : memref<2305x8x4096xf32, #tpu.memory_space<any>> -> memref<1x1x4096xf32, #tpu.memory_space<any>>
    %dma_wait3A_1715 = tpu.memref_squeeze %dma_wait3A_1714 : memref<1x1x4096xf32, #tpu.memory_space<any>> -> memref<1x4096xf32, #tpu.memory_space<any>>
    tpu.wait_dma2 semaphore(%arg7 : memref<!tpu.dma_semaphore, #tpu.memory_space<semaphore_mem>>) src(%dma_wait3A_1715 : memref<1x4096xf32, #tpu.memory_space<any>>) dst(%dma_wait3A_1712 : memref<1x4096xf32, #tpu.memory_space<vmem>>)
    %dma_wait3A_1716 = arith.constant 5 : i32
    %dma_wait3A_1717 = arith.constant 81 : i32
    %dma_wait3A_1718 = arith.constant 0 : i32
    %dma_wait3A_1719 = tpu.memref_slice %arg6[%dma_wait3A_1717, %dma_wait3A_1718] : memref<128x4096xf32, #tpu.memory_space<vmem>> -> memref<1x4096xf32, #tpu.memory_space<vmem>>
    %dma_wait3A_1720 = arith.constant 0 : i32
    %dma_wait3A_1721 = tpu.memref_slice %arg2[%get3A_728, %dma_wait3A_1716, %dma_wait3A_1720] : memref<2305x8x4096xf32, #tpu.memory_space<any>> -> memref<1x1x4096xf32, #tpu.memory_space<any>>
    %dma_wait3A_1722 = tpu.memref_squeeze %dma_wait3A_1721 : memref<1x1x4096xf32, #tpu.memory_space<any>> -> memref<1x4096xf32, #tpu.memory_space<any>>
    tpu.wait_dma2 semaphore(%arg7 : memref<!tpu.dma_semaphore, #tpu.memory_space<semaphore_mem>>) src(%dma_wait3A_1722 : memref<1x4096xf32, #tpu.memory_space<any>>) dst(%dma_wait3A_1719 : memref<1x4096xf32, #tpu.memory_space<vmem>>)
    %dma_wait3A_1723 = arith.constant 5 : i32
    %dma_wait3A_1724 = arith.constant 82 : i32
    %dma_wait3A_1725 = arith.constant 0 : i32
    %dma_wait3A_1726 = tpu.memref_slice %arg6[%dma_wait3A_1724, %dma_wait3A_1725] : memref<128x4096xf32, #tpu.memory_space<vmem>> -> memref<1x4096xf32, #tpu.memory_space<vmem>>
    %dma_wait3A_1727 = arith.constant 0 : i32
    %dma_wait3A_1728 = tpu.memref_slice %arg2[%get3A_737, %dma_wait3A_1723, %dma_wait3A_1727] : memref<2305x8x4096xf32, #tpu.memory_space<any>> -> memref<1x1x4096xf32, #tpu.memory_space<any>>
    %dma_wait3A_1729 = tpu.memref_squeeze %dma_wait3A_1728 : memref<1x1x4096xf32, #tpu.memory_space<any>> -> memref<1x4096xf32, #tpu.memory_space<any>>
    tpu.wait_dma2 semaphore(%arg7 : memref<!tpu.dma_semaphore, #tpu.memory_space<semaphore_mem>>) src(%dma_wait3A_1729 : memref<1x4096xf32, #tpu.memory_space<any>>) dst(%dma_wait3A_1726 : memref<1x4096xf32, #tpu.memory_space<vmem>>)
    %dma_wait3A_1730 = arith.constant 5 : i32
    %dma_wait3A_1731 = arith.constant 83 : i32
    %dma_wait3A_1732 = arith.constant 0 : i32
    %dma_wait3A_1733 = tpu.memref_slice %arg6[%dma_wait3A_1731, %dma_wait3A_1732] : memref<128x4096xf32, #tpu.memory_space<vmem>> -> memref<1x4096xf32, #tpu.memory_space<vmem>>
    %dma_wait3A_1734 = arith.constant 0 : i32
    %dma_wait3A_1735 = tpu.memref_slice %arg2[%get3A_746, %dma_wait3A_1730, %dma_wait3A_1734] : memref<2305x8x4096xf32, #tpu.memory_space<any>> -> memref<1x1x4096xf32, #tpu.memory_space<any>>
    %dma_wait3A_1736 = tpu.memref_squeeze %dma_wait3A_1735 : memref<1x1x4096xf32, #tpu.memory_space<any>> -> memref<1x4096xf32, #tpu.memory_space<any>>
    tpu.wait_dma2 semaphore(%arg7 : memref<!tpu.dma_semaphore, #tpu.memory_space<semaphore_mem>>) src(%dma_wait3A_1736 : memref<1x4096xf32, #tpu.memory_space<any>>) dst(%dma_wait3A_1733 : memref<1x4096xf32, #tpu.memory_space<vmem>>)
    %dma_wait3A_1737 = arith.constant 5 : i32
    %dma_wait3A_1738 = arith.constant 84 : i32
    %dma_wait3A_1739 = arith.constant 0 : i32
    %dma_wait3A_1740 = tpu.memref_slice %arg6[%dma_wait3A_1738, %dma_wait3A_1739] : memref<128x4096xf32, #tpu.memory_space<vmem>> -> memref<1x4096xf32, #tpu.memory_space<vmem>>
    %dma_wait3A_1741 = arith.constant 0 : i32
    %dma_wait3A_1742 = tpu.memref_slice %arg2[%get3A_755, %dma_wait3A_1737, %dma_wait3A_1741] : memref<2305x8x4096xf32, #tpu.memory_space<any>> -> memref<1x1x4096xf32, #tpu.memory_space<any>>
    %dma_wait3A_1743 = tpu.memref_squeeze %dma_wait3A_1742 : memref<1x1x4096xf32, #tpu.memory_space<any>> -> memref<1x4096xf32, #tpu.memory_space<any>>
    tpu.wait_dma2 semaphore(%arg7 : memref<!tpu.dma_semaphore, #tpu.memory_space<semaphore_mem>>) src(%dma_wait3A_1743 : memref<1x4096xf32, #tpu.memory_space<any>>) dst(%dma_wait3A_1740 : memref<1x4096xf32, #tpu.memory_space<vmem>>)
    %dma_wait3A_1744 = arith.constant 5 : i32
    %dma_wait3A_1745 = arith.constant 85 : i32
    %dma_wait3A_1746 = arith.constant 0 : i32
    %dma_wait3A_1747 = tpu.memref_slice %arg6[%dma_wait3A_1745, %dma_wait3A_1746] : memref<128x4096xf32, #tpu.memory_space<vmem>> -> memref<1x4096xf32, #tpu.memory_space<vmem>>
    %dma_wait3A_1748 = arith.constant 0 : i32
    %dma_wait3A_1749 = tpu.memref_slice %arg2[%get3A_764, %dma_wait3A_1744, %dma_wait3A_1748] : memref<2305x8x4096xf32, #tpu.memory_space<any>> -> memref<1x1x4096xf32, #tpu.memory_space<any>>
    %dma_wait3A_1750 = tpu.memref_squeeze %dma_wait3A_1749 : memref<1x1x4096xf32, #tpu.memory_space<any>> -> memref<1x4096xf32, #tpu.memory_space<any>>
    tpu.wait_dma2 semaphore(%arg7 : memref<!tpu.dma_semaphore, #tpu.memory_space<semaphore_mem>>) src(%dma_wait3A_1750 : memref<1x4096xf32, #tpu.memory_space<any>>) dst(%dma_wait3A_1747 : memref<1x4096xf32, #tpu.memory_space<vmem>>)
    %dma_wait3A_1751 = arith.constant 5 : i32
    %dma_wait3A_1752 = arith.constant 86 : i32
    %dma_wait3A_1753 = arith.constant 0 : i32
    %dma_wait3A_1754 = tpu.memref_slice %arg6[%dma_wait3A_1752, %dma_wait3A_1753] : memref<128x4096xf32, #tpu.memory_space<vmem>> -> memref<1x4096xf32, #tpu.memory_space<vmem>>
    %dma_wait3A_1755 = arith.constant 0 : i32
    %dma_wait3A_1756 = tpu.memref_slice %arg2[%get3A_773, %dma_wait3A_1751, %dma_wait3A_1755] : memref<2305x8x4096xf32, #tpu.memory_space<any>> -> memref<1x1x4096xf32, #tpu.memory_space<any>>
    %dma_wait3A_1757 = tpu.memref_squeeze %dma_wait3A_1756 : memref<1x1x4096xf32, #tpu.memory_space<any>> -> memref<1x4096xf32, #tpu.memory_space<any>>
    tpu.wait_dma2 semaphore(%arg7 : memref<!tpu.dma_semaphore, #tpu.memory_space<semaphore_mem>>) src(%dma_wait3A_1757 : memref<1x4096xf32, #tpu.memory_space<any>>) dst(%dma_wait3A_1754 : memref<1x4096xf32, #tpu.memory_space<vmem>>)
    %dma_wait3A_1758 = arith.constant 5 : i32
    %dma_wait3A_1759 = arith.constant 87 : i32
    %dma_wait3A_1760 = arith.constant 0 : i32
    %dma_wait3A_1761 = tpu.memref_slice %arg6[%dma_wait3A_1759, %dma_wait3A_1760] : memref<128x4096xf32, #tpu.memory_space<vmem>> -> memref<1x4096xf32, #tpu.memory_space<vmem>>
    %dma_wait3A_1762 = arith.constant 0 : i32
    %dma_wait3A_1763 = tpu.memref_slice %arg2[%get3A_782, %dma_wait3A_1758, %dma_wait3A_1762] : memref<2305x8x4096xf32, #tpu.memory_space<any>> -> memref<1x1x4096xf32, #tpu.memory_space<any>>
    %dma_wait3A_1764 = tpu.memref_squeeze %dma_wait3A_1763 : memref<1x1x4096xf32, #tpu.memory_space<any>> -> memref<1x4096xf32, #tpu.memory_space<any>>
    tpu.wait_dma2 semaphore(%arg7 : memref<!tpu.dma_semaphore, #tpu.memory_space<semaphore_mem>>) src(%dma_wait3A_1764 : memref<1x4096xf32, #tpu.memory_space<any>>) dst(%dma_wait3A_1761 : memref<1x4096xf32, #tpu.memory_space<vmem>>)
    %dma_wait3A_1765 = arith.constant 5 : i32
    %dma_wait3A_1766 = arith.constant 88 : i32
    %dma_wait3A_1767 = arith.constant 0 : i32
    %dma_wait3A_1768 = tpu.memref_slice %arg6[%dma_wait3A_1766, %dma_wait3A_1767] : memref<128x4096xf32, #tpu.memory_space<vmem>> -> memref<1x4096xf32, #tpu.memory_space<vmem>>
    %dma_wait3A_1769 = arith.constant 0 : i32
    %dma_wait3A_1770 = tpu.memref_slice %arg2[%get3A_791, %dma_wait3A_1765, %dma_wait3A_1769] : memref<2305x8x4096xf32, #tpu.memory_space<any>> -> memref<1x1x4096xf32, #tpu.memory_space<any>>
    %dma_wait3A_1771 = tpu.memref_squeeze %dma_wait3A_1770 : memref<1x1x4096xf32, #tpu.memory_space<any>> -> memref<1x4096xf32, #tpu.memory_space<any>>
    tpu.wait_dma2 semaphore(%arg7 : memref<!tpu.dma_semaphore, #tpu.memory_space<semaphore_mem>>) src(%dma_wait3A_1771 : memref<1x4096xf32, #tpu.memory_space<any>>) dst(%dma_wait3A_1768 : memref<1x4096xf32, #tpu.memory_space<vmem>>)
    %dma_wait3A_1772 = arith.constant 5 : i32
    %dma_wait3A_1773 = arith.constant 89 : i32
    %dma_wait3A_1774 = arith.constant 0 : i32
    %dma_wait3A_1775 = tpu.memref_slice %arg6[%dma_wait3A_1773, %dma_wait3A_1774] : memref<128x4096xf32, #tpu.memory_space<vmem>> -> memref<1x4096xf32, #tpu.memory_space<vmem>>
    %dma_wait3A_1776 = arith.constant 0 : i32
    %dma_wait3A_1777 = tpu.memref_slice %arg2[%get3A_800, %dma_wait3A_1772, %dma_wait3A_1776] : memref<2305x8x4096xf32, #tpu.memory_space<any>> -> memref<1x1x4096xf32, #tpu.memory_space<any>>
    %dma_wait3A_1778 = tpu.memref_squeeze %dma_wait3A_1777 : memref<1x1x4096xf32, #tpu.memory_space<any>> -> memref<1x4096xf32, #tpu.memory_space<any>>
    tpu.wait_dma2 semaphore(%arg7 : memref<!tpu.dma_semaphore, #tpu.memory_space<semaphore_mem>>) src(%dma_wait3A_1778 : memref<1x4096xf32, #tpu.memory_space<any>>) dst(%dma_wait3A_1775 : memref<1x4096xf32, #tpu.memory_space<vmem>>)
    %dma_wait3A_1779 = arith.constant 5 : i32
    %dma_wait3A_1780 = arith.constant 90 : i32
    %dma_wait3A_1781 = arith.constant 0 : i32
    %dma_wait3A_1782 = tpu.memref_slice %arg6[%dma_wait3A_1780, %dma_wait3A_1781] : memref<128x4096xf32, #tpu.memory_space<vmem>> -> memref<1x4096xf32, #tpu.memory_space<vmem>>
    %dma_wait3A_1783 = arith.constant 0 : i32
    %dma_wait3A_1784 = tpu.memref_slice %arg2[%get3A_809, %dma_wait3A_1779, %dma_wait3A_1783] : memref<2305x8x4096xf32, #tpu.memory_space<any>> -> memref<1x1x4096xf32, #tpu.memory_space<any>>
    %dma_wait3A_1785 = tpu.memref_squeeze %dma_wait3A_1784 : memref<1x1x4096xf32, #tpu.memory_space<any>> -> memref<1x4096xf32, #tpu.memory_space<any>>
    tpu.wait_dma2 semaphore(%arg7 : memref<!tpu.dma_semaphore, #tpu.memory_space<semaphore_mem>>) src(%dma_wait3A_1785 : memref<1x4096xf32, #tpu.memory_space<any>>) dst(%dma_wait3A_1782 : memref<1x4096xf32, #tpu.memory_space<vmem>>)
    %dma_wait3A_1786 = arith.constant 5 : i32
    %dma_wait3A_1787 = arith.constant 91 : i32
    %dma_wait3A_1788 = arith.constant 0 : i32
    %dma_wait3A_1789 = tpu.memref_slice %arg6[%dma_wait3A_1787, %dma_wait3A_1788] : memref<128x4096xf32, #tpu.memory_space<vmem>> -> memref<1x4096xf32, #tpu.memory_space<vmem>>
    %dma_wait3A_1790 = arith.constant 0 : i32
    %dma_wait3A_1791 = tpu.memref_slice %arg2[%get3A_818, %dma_wait3A_1786, %dma_wait3A_1790] : memref<2305x8x4096xf32, #tpu.memory_space<any>> -> memref<1x1x4096xf32, #tpu.memory_space<any>>
    %dma_wait3A_1792 = tpu.memref_squeeze %dma_wait3A_1791 : memref<1x1x4096xf32, #tpu.memory_space<any>> -> memref<1x4096xf32, #tpu.memory_space<any>>
    tpu.wait_dma2 semaphore(%arg7 : memref<!tpu.dma_semaphore, #tpu.memory_space<semaphore_mem>>) src(%dma_wait3A_1792 : memref<1x4096xf32, #tpu.memory_space<any>>) dst(%dma_wait3A_1789 : memref<1x4096xf32, #tpu.memory_space<vmem>>)
    %dma_wait3A_1793 = arith.constant 5 : i32
    %dma_wait3A_1794 = arith.constant 92 : i32
    %dma_wait3A_1795 = arith.constant 0 : i32
    %dma_wait3A_1796 = tpu.memref_slice %arg6[%dma_wait3A_1794, %dma_wait3A_1795] : memref<128x4096xf32, #tpu.memory_space<vmem>> -> memref<1x4096xf32, #tpu.memory_space<vmem>>
    %dma_wait3A_1797 = arith.constant 0 : i32
    %dma_wait3A_1798 = tpu.memref_slice %arg2[%get3A_827, %dma_wait3A_1793, %dma_wait3A_1797] : memref<2305x8x4096xf32, #tpu.memory_space<any>> -> memref<1x1x4096xf32, #tpu.memory_space<any>>
    %dma_wait3A_1799 = tpu.memref_squeeze %dma_wait3A_1798 : memref<1x1x4096xf32, #tpu.memory_space<any>> -> memref<1x4096xf32, #tpu.memory_space<any>>
    tpu.wait_dma2 semaphore(%arg7 : memref<!tpu.dma_semaphore, #tpu.memory_space<semaphore_mem>>) src(%dma_wait3A_1799 : memref<1x4096xf32, #tpu.memory_space<any>>) dst(%dma_wait3A_1796 : memref<1x4096xf32, #tpu.memory_space<vmem>>)
    %dma_wait3A_1800 = arith.constant 5 : i32
    %dma_wait3A_1801 = arith.constant 93 : i32
    %dma_wait3A_1802 = arith.constant 0 : i32
    %dma_wait3A_1803 = tpu.memref_slice %arg6[%dma_wait3A_1801, %dma_wait3A_1802] : memref<128x4096xf32, #tpu.memory_space<vmem>> -> memref<1x4096xf32, #tpu.memory_space<vmem>>
    %dma_wait3A_1804 = arith.constant 0 : i32
    %dma_wait3A_1805 = tpu.memref_slice %arg2[%get3A_836, %dma_wait3A_1800, %dma_wait3A_1804] : memref<2305x8x4096xf32, #tpu.memory_space<any>> -> memref<1x1x4096xf32, #tpu.memory_space<any>>
    %dma_wait3A_1806 = tpu.memref_squeeze %dma_wait3A_1805 : memref<1x1x4096xf32, #tpu.memory_space<any>> -> memref<1x4096xf32, #tpu.memory_space<any>>
    tpu.wait_dma2 semaphore(%arg7 : memref<!tpu.dma_semaphore, #tpu.memory_space<semaphore_mem>>) src(%dma_wait3A_1806 : memref<1x4096xf32, #tpu.memory_space<any>>) dst(%dma_wait3A_1803 : memref<1x4096xf32, #tpu.memory_space<vmem>>)
    %dma_wait3A_1807 = arith.constant 5 : i32
    %dma_wait3A_1808 = arith.constant 94 : i32
    %dma_wait3A_1809 = arith.constant 0 : i32
    %dma_wait3A_1810 = tpu.memref_slice %arg6[%dma_wait3A_1808, %dma_wait3A_1809] : memref<128x4096xf32, #tpu.memory_space<vmem>> -> memref<1x4096xf32, #tpu.memory_space<vmem>>
    %dma_wait3A_1811 = arith.constant 0 : i32
    %dma_wait3A_1812 = tpu.memref_slice %arg2[%get3A_845, %dma_wait3A_1807, %dma_wait3A_1811] : memref<2305x8x4096xf32, #tpu.memory_space<any>> -> memref<1x1x4096xf32, #tpu.memory_space<any>>
    %dma_wait3A_1813 = tpu.memref_squeeze %dma_wait3A_1812 : memref<1x1x4096xf32, #tpu.memory_space<any>> -> memref<1x4096xf32, #tpu.memory_space<any>>
    tpu.wait_dma2 semaphore(%arg7 : memref<!tpu.dma_semaphore, #tpu.memory_space<semaphore_mem>>) src(%dma_wait3A_1813 : memref<1x4096xf32, #tpu.memory_space<any>>) dst(%dma_wait3A_1810 : memref<1x4096xf32, #tpu.memory_space<vmem>>)
    %dma_wait3A_1814 = arith.constant 5 : i32
    %dma_wait3A_1815 = arith.constant 95 : i32
    %dma_wait3A_1816 = arith.constant 0 : i32
    %dma_wait3A_1817 = tpu.memref_slice %arg6[%dma_wait3A_1815, %dma_wait3A_1816] : memref<128x4096xf32, #tpu.memory_space<vmem>> -> memref<1x4096xf32, #tpu.memory_space<vmem>>
    %dma_wait3A_1818 = arith.constant 0 : i32
    %dma_wait3A_1819 = tpu.memref_slice %arg2[%get3A_854, %dma_wait3A_1814, %dma_wait3A_1818] : memref<2305x8x4096xf32, #tpu.memory_space<any>> -> memref<1x1x4096xf32, #tpu.memory_space<any>>
    %dma_wait3A_1820 = tpu.memref_squeeze %dma_wait3A_1819 : memref<1x1x4096xf32, #tpu.memory_space<any>> -> memref<1x4096xf32, #tpu.memory_space<any>>
    tpu.wait_dma2 semaphore(%arg7 : memref<!tpu.dma_semaphore, #tpu.memory_space<semaphore_mem>>) src(%dma_wait3A_1820 : memref<1x4096xf32, #tpu.memory_space<any>>) dst(%dma_wait3A_1817 : memref<1x4096xf32, #tpu.memory_space<vmem>>)
    %dma_wait3A_1821 = arith.constant 6 : i32
    %dma_wait3A_1822 = arith.constant 96 : i32
    %dma_wait3A_1823 = arith.constant 0 : i32
    %dma_wait3A_1824 = tpu.memref_slice %arg6[%dma_wait3A_1822, %dma_wait3A_1823] : memref<128x4096xf32, #tpu.memory_space<vmem>> -> memref<1x4096xf32, #tpu.memory_space<vmem>>
    %dma_wait3A_1825 = arith.constant 0 : i32
    %dma_wait3A_1826 = tpu.memref_slice %arg2[%get3A_863, %dma_wait3A_1821, %dma_wait3A_1825] : memref<2305x8x4096xf32, #tpu.memory_space<any>> -> memref<1x1x4096xf32, #tpu.memory_space<any>>
    %dma_wait3A_1827 = tpu.memref_squeeze %dma_wait3A_1826 : memref<1x1x4096xf32, #tpu.memory_space<any>> -> memref<1x4096xf32, #tpu.memory_space<any>>
    tpu.wait_dma2 semaphore(%arg7 : memref<!tpu.dma_semaphore, #tpu.memory_space<semaphore_mem>>) src(%dma_wait3A_1827 : memref<1x4096xf32, #tpu.memory_space<any>>) dst(%dma_wait3A_1824 : memref<1x4096xf32, #tpu.memory_space<vmem>>)
    %dma_wait3A_1828 = arith.constant 6 : i32
    %dma_wait3A_1829 = arith.constant 97 : i32
    %dma_wait3A_1830 = arith.constant 0 : i32
    %dma_wait3A_1831 = tpu.memref_slice %arg6[%dma_wait3A_1829, %dma_wait3A_1830] : memref<128x4096xf32, #tpu.memory_space<vmem>> -> memref<1x4096xf32, #tpu.memory_space<vmem>>
    %dma_wait3A_1832 = arith.constant 0 : i32
    %dma_wait3A_1833 = tpu.memref_slice %arg2[%get3A_872, %dma_wait3A_1828, %dma_wait3A_1832] : memref<2305x8x4096xf32, #tpu.memory_space<any>> -> memref<1x1x4096xf32, #tpu.memory_space<any>>
    %dma_wait3A_1834 = tpu.memref_squeeze %dma_wait3A_1833 : memref<1x1x4096xf32, #tpu.memory_space<any>> -> memref<1x4096xf32, #tpu.memory_space<any>>
    tpu.wait_dma2 semaphore(%arg7 : memref<!tpu.dma_semaphore, #tpu.memory_space<semaphore_mem>>) src(%dma_wait3A_1834 : memref<1x4096xf32, #tpu.memory_space<any>>) dst(%dma_wait3A_1831 : memref<1x4096xf32, #tpu.memory_space<vmem>>)
    %dma_wait3A_1835 = arith.constant 6 : i32
    %dma_wait3A_1836 = arith.constant 98 : i32
    %dma_wait3A_1837 = arith.constant 0 : i32
    %dma_wait3A_1838 = tpu.memref_slice %arg6[%dma_wait3A_1836, %dma_wait3A_1837] : memref<128x4096xf32, #tpu.memory_space<vmem>> -> memref<1x4096xf32, #tpu.memory_space<vmem>>
    %dma_wait3A_1839 = arith.constant 0 : i32
    %dma_wait3A_1840 = tpu.memref_slice %arg2[%get3A_881, %dma_wait3A_1835, %dma_wait3A_1839] : memref<2305x8x4096xf32, #tpu.memory_space<any>> -> memref<1x1x4096xf32, #tpu.memory_space<any>>
    %dma_wait3A_1841 = tpu.memref_squeeze %dma_wait3A_1840 : memref<1x1x4096xf32, #tpu.memory_space<any>> -> memref<1x4096xf32, #tpu.memory_space<any>>
    tpu.wait_dma2 semaphore(%arg7 : memref<!tpu.dma_semaphore, #tpu.memory_space<semaphore_mem>>) src(%dma_wait3A_1841 : memref<1x4096xf32, #tpu.memory_space<any>>) dst(%dma_wait3A_1838 : memref<1x4096xf32, #tpu.memory_space<vmem>>)
    %dma_wait3A_1842 = arith.constant 6 : i32
    %dma_wait3A_1843 = arith.constant 99 : i32
    %dma_wait3A_1844 = arith.constant 0 : i32
    %dma_wait3A_1845 = tpu.memref_slice %arg6[%dma_wait3A_1843, %dma_wait3A_1844] : memref<128x4096xf32, #tpu.memory_space<vmem>> -> memref<1x4096xf32, #tpu.memory_space<vmem>>
    %dma_wait3A_1846 = arith.constant 0 : i32
    %dma_wait3A_1847 = tpu.memref_slice %arg2[%get3A_890, %dma_wait3A_1842, %dma_wait3A_1846] : memref<2305x8x4096xf32, #tpu.memory_space<any>> -> memref<1x1x4096xf32, #tpu.memory_space<any>>
    %dma_wait3A_1848 = tpu.memref_squeeze %dma_wait3A_1847 : memref<1x1x4096xf32, #tpu.memory_space<any>> -> memref<1x4096xf32, #tpu.memory_space<any>>
    tpu.wait_dma2 semaphore(%arg7 : memref<!tpu.dma_semaphore, #tpu.memory_space<semaphore_mem>>) src(%dma_wait3A_1848 : memref<1x4096xf32, #tpu.memory_space<any>>) dst(%dma_wait3A_1845 : memref<1x4096xf32, #tpu.memory_space<vmem>>)
    %dma_wait3A_1849 = arith.constant 6 : i32
    %dma_wait3A_1850 = arith.constant 100 : i32
    %dma_wait3A_1851 = arith.constant 0 : i32
    %dma_wait3A_1852 = tpu.memref_slice %arg6[%dma_wait3A_1850, %dma_wait3A_1851] : memref<128x4096xf32, #tpu.memory_space<vmem>> -> memref<1x4096xf32, #tpu.memory_space<vmem>>
    %dma_wait3A_1853 = arith.constant 0 : i32
    %dma_wait3A_1854 = tpu.memref_slice %arg2[%get3A_899, %dma_wait3A_1849, %dma_wait3A_1853] : memref<2305x8x4096xf32, #tpu.memory_space<any>> -> memref<1x1x4096xf32, #tpu.memory_space<any>>
    %dma_wait3A_1855 = tpu.memref_squeeze %dma_wait3A_1854 : memref<1x1x4096xf32, #tpu.memory_space<any>> -> memref<1x4096xf32, #tpu.memory_space<any>>
    tpu.wait_dma2 semaphore(%arg7 : memref<!tpu.dma_semaphore, #tpu.memory_space<semaphore_mem>>) src(%dma_wait3A_1855 : memref<1x4096xf32, #tpu.memory_space<any>>) dst(%dma_wait3A_1852 : memref<1x4096xf32, #tpu.memory_space<vmem>>)
    %dma_wait3A_1856 = arith.constant 6 : i32
    %dma_wait3A_1857 = arith.constant 101 : i32
    %dma_wait3A_1858 = arith.constant 0 : i32
    %dma_wait3A_1859 = tpu.memref_slice %arg6[%dma_wait3A_1857, %dma_wait3A_1858] : memref<128x4096xf32, #tpu.memory_space<vmem>> -> memref<1x4096xf32, #tpu.memory_space<vmem>>
    %dma_wait3A_1860 = arith.constant 0 : i32
    %dma_wait3A_1861 = tpu.memref_slice %arg2[%get3A_908, %dma_wait3A_1856, %dma_wait3A_1860] : memref<2305x8x4096xf32, #tpu.memory_space<any>> -> memref<1x1x4096xf32, #tpu.memory_space<any>>
    %dma_wait3A_1862 = tpu.memref_squeeze %dma_wait3A_1861 : memref<1x1x4096xf32, #tpu.memory_space<any>> -> memref<1x4096xf32, #tpu.memory_space<any>>
    tpu.wait_dma2 semaphore(%arg7 : memref<!tpu.dma_semaphore, #tpu.memory_space<semaphore_mem>>) src(%dma_wait3A_1862 : memref<1x4096xf32, #tpu.memory_space<any>>) dst(%dma_wait3A_1859 : memref<1x4096xf32, #tpu.memory_space<vmem>>)
    %dma_wait3A_1863 = arith.constant 6 : i32
    %dma_wait3A_1864 = arith.constant 102 : i32
    %dma_wait3A_1865 = arith.constant 0 : i32
    %dma_wait3A_1866 = tpu.memref_slice %arg6[%dma_wait3A_1864, %dma_wait3A_1865] : memref<128x4096xf32, #tpu.memory_space<vmem>> -> memref<1x4096xf32, #tpu.memory_space<vmem>>
    %dma_wait3A_1867 = arith.constant 0 : i32
    %dma_wait3A_1868 = tpu.memref_slice %arg2[%get3A_917, %dma_wait3A_1863, %dma_wait3A_1867] : memref<2305x8x4096xf32, #tpu.memory_space<any>> -> memref<1x1x4096xf32, #tpu.memory_space<any>>
    %dma_wait3A_1869 = tpu.memref_squeeze %dma_wait3A_1868 : memref<1x1x4096xf32, #tpu.memory_space<any>> -> memref<1x4096xf32, #tpu.memory_space<any>>
    tpu.wait_dma2 semaphore(%arg7 : memref<!tpu.dma_semaphore, #tpu.memory_space<semaphore_mem>>) src(%dma_wait3A_1869 : memref<1x4096xf32, #tpu.memory_space<any>>) dst(%dma_wait3A_1866 : memref<1x4096xf32, #tpu.memory_space<vmem>>)
    %dma_wait3A_1870 = arith.constant 6 : i32
    %dma_wait3A_1871 = arith.constant 103 : i32
    %dma_wait3A_1872 = arith.constant 0 : i32
    %dma_wait3A_1873 = tpu.memref_slice %arg6[%dma_wait3A_1871, %dma_wait3A_1872] : memref<128x4096xf32, #tpu.memory_space<vmem>> -> memref<1x4096xf32, #tpu.memory_space<vmem>>
    %dma_wait3A_1874 = arith.constant 0 : i32
    %dma_wait3A_1875 = tpu.memref_slice %arg2[%get3A_926, %dma_wait3A_1870, %dma_wait3A_1874] : memref<2305x8x4096xf32, #tpu.memory_space<any>> -> memref<1x1x4096xf32, #tpu.memory_space<any>>
    %dma_wait3A_1876 = tpu.memref_squeeze %dma_wait3A_1875 : memref<1x1x4096xf32, #tpu.memory_space<any>> -> memref<1x4096xf32, #tpu.memory_space<any>>
    tpu.wait_dma2 semaphore(%arg7 : memref<!tpu.dma_semaphore, #tpu.memory_space<semaphore_mem>>) src(%dma_wait3A_1876 : memref<1x4096xf32, #tpu.memory_space<any>>) dst(%dma_wait3A_1873 : memref<1x4096xf32, #tpu.memory_space<vmem>>)
    %dma_wait3A_1877 = arith.constant 6 : i32
    %dma_wait3A_1878 = arith.constant 104 : i32
    %dma_wait3A_1879 = arith.constant 0 : i32
    %dma_wait3A_1880 = tpu.memref_slice %arg6[%dma_wait3A_1878, %dma_wait3A_1879] : memref<128x4096xf32, #tpu.memory_space<vmem>> -> memref<1x4096xf32, #tpu.memory_space<vmem>>
    %dma_wait3A_1881 = arith.constant 0 : i32
    %dma_wait3A_1882 = tpu.memref_slice %arg2[%get3A_935, %dma_wait3A_1877, %dma_wait3A_1881] : memref<2305x8x4096xf32, #tpu.memory_space<any>> -> memref<1x1x4096xf32, #tpu.memory_space<any>>
    %dma_wait3A_1883 = tpu.memref_squeeze %dma_wait3A_1882 : memref<1x1x4096xf32, #tpu.memory_space<any>> -> memref<1x4096xf32, #tpu.memory_space<any>>
    tpu.wait_dma2 semaphore(%arg7 : memref<!tpu.dma_semaphore, #tpu.memory_space<semaphore_mem>>) src(%dma_wait3A_1883 : memref<1x4096xf32, #tpu.memory_space<any>>) dst(%dma_wait3A_1880 : memref<1x4096xf32, #tpu.memory_space<vmem>>)
    %dma_wait3A_1884 = arith.constant 6 : i32
    %dma_wait3A_1885 = arith.constant 105 : i32
    %dma_wait3A_1886 = arith.constant 0 : i32
    %dma_wait3A_1887 = tpu.memref_slice %arg6[%dma_wait3A_1885, %dma_wait3A_1886] : memref<128x4096xf32, #tpu.memory_space<vmem>> -> memref<1x4096xf32, #tpu.memory_space<vmem>>
    %dma_wait3A_1888 = arith.constant 0 : i32
    %dma_wait3A_1889 = tpu.memref_slice %arg2[%get3A_944, %dma_wait3A_1884, %dma_wait3A_1888] : memref<2305x8x4096xf32, #tpu.memory_space<any>> -> memref<1x1x4096xf32, #tpu.memory_space<any>>
    %dma_wait3A_1890 = tpu.memref_squeeze %dma_wait3A_1889 : memref<1x1x4096xf32, #tpu.memory_space<any>> -> memref<1x4096xf32, #tpu.memory_space<any>>
    tpu.wait_dma2 semaphore(%arg7 : memref<!tpu.dma_semaphore, #tpu.memory_space<semaphore_mem>>) src(%dma_wait3A_1890 : memref<1x4096xf32, #tpu.memory_space<any>>) dst(%dma_wait3A_1887 : memref<1x4096xf32, #tpu.memory_space<vmem>>)
    %dma_wait3A_1891 = arith.constant 6 : i32
    %dma_wait3A_1892 = arith.constant 106 : i32
    %dma_wait3A_1893 = arith.constant 0 : i32
    %dma_wait3A_1894 = tpu.memref_slice %arg6[%dma_wait3A_1892, %dma_wait3A_1893] : memref<128x4096xf32, #tpu.memory_space<vmem>> -> memref<1x4096xf32, #tpu.memory_space<vmem>>
    %dma_wait3A_1895 = arith.constant 0 : i32
    %dma_wait3A_1896 = tpu.memref_slice %arg2[%get3A_953, %dma_wait3A_1891, %dma_wait3A_1895] : memref<2305x8x4096xf32, #tpu.memory_space<any>> -> memref<1x1x4096xf32, #tpu.memory_space<any>>
    %dma_wait3A_1897 = tpu.memref_squeeze %dma_wait3A_1896 : memref<1x1x4096xf32, #tpu.memory_space<any>> -> memref<1x4096xf32, #tpu.memory_space<any>>
    tpu.wait_dma2 semaphore(%arg7 : memref<!tpu.dma_semaphore, #tpu.memory_space<semaphore_mem>>) src(%dma_wait3A_1897 : memref<1x4096xf32, #tpu.memory_space<any>>) dst(%dma_wait3A_1894 : memref<1x4096xf32, #tpu.memory_space<vmem>>)
    %dma_wait3A_1898 = arith.constant 6 : i32
    %dma_wait3A_1899 = arith.constant 107 : i32
    %dma_wait3A_1900 = arith.constant 0 : i32
    %dma_wait3A_1901 = tpu.memref_slice %arg6[%dma_wait3A_1899, %dma_wait3A_1900] : memref<128x4096xf32, #tpu.memory_space<vmem>> -> memref<1x4096xf32, #tpu.memory_space<vmem>>
    %dma_wait3A_1902 = arith.constant 0 : i32
    %dma_wait3A_1903 = tpu.memref_slice %arg2[%get3A_962, %dma_wait3A_1898, %dma_wait3A_1902] : memref<2305x8x4096xf32, #tpu.memory_space<any>> -> memref<1x1x4096xf32, #tpu.memory_space<any>>
    %dma_wait3A_1904 = tpu.memref_squeeze %dma_wait3A_1903 : memref<1x1x4096xf32, #tpu.memory_space<any>> -> memref<1x4096xf32, #tpu.memory_space<any>>
    tpu.wait_dma2 semaphore(%arg7 : memref<!tpu.dma_semaphore, #tpu.memory_space<semaphore_mem>>) src(%dma_wait3A_1904 : memref<1x4096xf32, #tpu.memory_space<any>>) dst(%dma_wait3A_1901 : memref<1x4096xf32, #tpu.memory_space<vmem>>)
    %dma_wait3A_1905 = arith.constant 6 : i32
    %dma_wait3A_1906 = arith.constant 108 : i32
    %dma_wait3A_1907 = arith.constant 0 : i32
    %dma_wait3A_1908 = tpu.memref_slice %arg6[%dma_wait3A_1906, %dma_wait3A_1907] : memref<128x4096xf32, #tpu.memory_space<vmem>> -> memref<1x4096xf32, #tpu.memory_space<vmem>>
    %dma_wait3A_1909 = arith.constant 0 : i32
    %dma_wait3A_1910 = tpu.memref_slice %arg2[%get3A_971, %dma_wait3A_1905, %dma_wait3A_1909] : memref<2305x8x4096xf32, #tpu.memory_space<any>> -> memref<1x1x4096xf32, #tpu.memory_space<any>>
    %dma_wait3A_1911 = tpu.memref_squeeze %dma_wait3A_1910 : memref<1x1x4096xf32, #tpu.memory_space<any>> -> memref<1x4096xf32, #tpu.memory_space<any>>
    tpu.wait_dma2 semaphore(%arg7 : memref<!tpu.dma_semaphore, #tpu.memory_space<semaphore_mem>>) src(%dma_wait3A_1911 : memref<1x4096xf32, #tpu.memory_space<any>>) dst(%dma_wait3A_1908 : memref<1x4096xf32, #tpu.memory_space<vmem>>)
    %dma_wait3A_1912 = arith.constant 6 : i32
    %dma_wait3A_1913 = arith.constant 109 : i32
    %dma_wait3A_1914 = arith.constant 0 : i32
    %dma_wait3A_1915 = tpu.memref_slice %arg6[%dma_wait3A_1913, %dma_wait3A_1914] : memref<128x4096xf32, #tpu.memory_space<vmem>> -> memref<1x4096xf32, #tpu.memory_space<vmem>>
    %dma_wait3A_1916 = arith.constant 0 : i32
    %dma_wait3A_1917 = tpu.memref_slice %arg2[%get3A_980, %dma_wait3A_1912, %dma_wait3A_1916] : memref<2305x8x4096xf32, #tpu.memory_space<any>> -> memref<1x1x4096xf32, #tpu.memory_space<any>>
    %dma_wait3A_1918 = tpu.memref_squeeze %dma_wait3A_1917 : memref<1x1x4096xf32, #tpu.memory_space<any>> -> memref<1x4096xf32, #tpu.memory_space<any>>
    tpu.wait_dma2 semaphore(%arg7 : memref<!tpu.dma_semaphore, #tpu.memory_space<semaphore_mem>>) src(%dma_wait3A_1918 : memref<1x4096xf32, #tpu.memory_space<any>>) dst(%dma_wait3A_1915 : memref<1x4096xf32, #tpu.memory_space<vmem>>)
    %dma_wait3A_1919 = arith.constant 6 : i32
    %dma_wait3A_1920 = arith.constant 110 : i32
    %dma_wait3A_1921 = arith.constant 0 : i32
    %dma_wait3A_1922 = tpu.memref_slice %arg6[%dma_wait3A_1920, %dma_wait3A_1921] : memref<128x4096xf32, #tpu.memory_space<vmem>> -> memref<1x4096xf32, #tpu.memory_space<vmem>>
    %dma_wait3A_1923 = arith.constant 0 : i32
    %dma_wait3A_1924 = tpu.memref_slice %arg2[%get3A_989, %dma_wait3A_1919, %dma_wait3A_1923] : memref<2305x8x4096xf32, #tpu.memory_space<any>> -> memref<1x1x4096xf32, #tpu.memory_space<any>>
    %dma_wait3A_1925 = tpu.memref_squeeze %dma_wait3A_1924 : memref<1x1x4096xf32, #tpu.memory_space<any>> -> memref<1x4096xf32, #tpu.memory_space<any>>
    tpu.wait_dma2 semaphore(%arg7 : memref<!tpu.dma_semaphore, #tpu.memory_space<semaphore_mem>>) src(%dma_wait3A_1925 : memref<1x4096xf32, #tpu.memory_space<any>>) dst(%dma_wait3A_1922 : memref<1x4096xf32, #tpu.memory_space<vmem>>)
    %dma_wait3A_1926 = arith.constant 6 : i32
    %dma_wait3A_1927 = arith.constant 111 : i32
    %dma_wait3A_1928 = arith.constant 0 : i32
    %dma_wait3A_1929 = tpu.memref_slice %arg6[%dma_wait3A_1927, %dma_wait3A_1928] : memref<128x4096xf32, #tpu.memory_space<vmem>> -> memref<1x4096xf32, #tpu.memory_space<vmem>>
    %dma_wait3A_1930 = arith.constant 0 : i32
    %dma_wait3A_1931 = tpu.memref_slice %arg2[%get3A_998, %dma_wait3A_1926, %dma_wait3A_1930] : memref<2305x8x4096xf32, #tpu.memory_space<any>> -> memref<1x1x4096xf32, #tpu.memory_space<any>>
    %dma_wait3A_1932 = tpu.memref_squeeze %dma_wait3A_1931 : memref<1x1x4096xf32, #tpu.memory_space<any>> -> memref<1x4096xf32, #tpu.memory_space<any>>
    tpu.wait_dma2 semaphore(%arg7 : memref<!tpu.dma_semaphore, #tpu.memory_space<semaphore_mem>>) src(%dma_wait3A_1932 : memref<1x4096xf32, #tpu.memory_space<any>>) dst(%dma_wait3A_1929 : memref<1x4096xf32, #tpu.memory_space<vmem>>)
    %dma_wait3A_1933 = arith.constant 7 : i32
    %dma_wait3A_1934 = arith.constant 112 : i32
    %dma_wait3A_1935 = arith.constant 0 : i32
    %dma_wait3A_1936 = tpu.memref_slice %arg6[%dma_wait3A_1934, %dma_wait3A_1935] : memref<128x4096xf32, #tpu.memory_space<vmem>> -> memref<1x4096xf32, #tpu.memory_space<vmem>>
    %dma_wait3A_1937 = arith.constant 0 : i32
    %dma_wait3A_1938 = tpu.memref_slice %arg2[%get3A_1007, %dma_wait3A_1933, %dma_wait3A_1937] : memref<2305x8x4096xf32, #tpu.memory_space<any>> -> memref<1x1x4096xf32, #tpu.memory_space<any>>
    %dma_wait3A_1939 = tpu.memref_squeeze %dma_wait3A_1938 : memref<1x1x4096xf32, #tpu.memory_space<any>> -> memref<1x4096xf32, #tpu.memory_space<any>>
    tpu.wait_dma2 semaphore(%arg7 : memref<!tpu.dma_semaphore, #tpu.memory_space<semaphore_mem>>) src(%dma_wait3A_1939 : memref<1x4096xf32, #tpu.memory_space<any>>) dst(%dma_wait3A_1936 : memref<1x4096xf32, #tpu.memory_space<vmem>>)
    %dma_wait3A_1940 = arith.constant 7 : i32
    %dma_wait3A_1941 = arith.constant 113 : i32
    %dma_wait3A_1942 = arith.constant 0 : i32
    %dma_wait3A_1943 = tpu.memref_slice %arg6[%dma_wait3A_1941, %dma_wait3A_1942] : memref<128x4096xf32, #tpu.memory_space<vmem>> -> memref<1x4096xf32, #tpu.memory_space<vmem>>
    %dma_wait3A_1944 = arith.constant 0 : i32
    %dma_wait3A_1945 = tpu.memref_slice %arg2[%get3A_1016, %dma_wait3A_1940, %dma_wait3A_1944] : memref<2305x8x4096xf32, #tpu.memory_space<any>> -> memref<1x1x4096xf32, #tpu.memory_space<any>>
    %dma_wait3A_1946 = tpu.memref_squeeze %dma_wait3A_1945 : memref<1x1x4096xf32, #tpu.memory_space<any>> -> memref<1x4096xf32, #tpu.memory_space<any>>
    tpu.wait_dma2 semaphore(%arg7 : memref<!tpu.dma_semaphore, #tpu.memory_space<semaphore_mem>>) src(%dma_wait3A_1946 : memref<1x4096xf32, #tpu.memory_space<any>>) dst(%dma_wait3A_1943 : memref<1x4096xf32, #tpu.memory_space<vmem>>)
    %dma_wait3A_1947 = arith.constant 7 : i32
    %dma_wait3A_1948 = arith.constant 114 : i32
    %dma_wait3A_1949 = arith.constant 0 : i32
    %dma_wait3A_1950 = tpu.memref_slice %arg6[%dma_wait3A_1948, %dma_wait3A_1949] : memref<128x4096xf32, #tpu.memory_space<vmem>> -> memref<1x4096xf32, #tpu.memory_space<vmem>>
    %dma_wait3A_1951 = arith.constant 0 : i32
    %dma_wait3A_1952 = tpu.memref_slice %arg2[%get3A_1025, %dma_wait3A_1947, %dma_wait3A_1951] : memref<2305x8x4096xf32, #tpu.memory_space<any>> -> memref<1x1x4096xf32, #tpu.memory_space<any>>
    %dma_wait3A_1953 = tpu.memref_squeeze %dma_wait3A_1952 : memref<1x1x4096xf32, #tpu.memory_space<any>> -> memref<1x4096xf32, #tpu.memory_space<any>>
    tpu.wait_dma2 semaphore(%arg7 : memref<!tpu.dma_semaphore, #tpu.memory_space<semaphore_mem>>) src(%dma_wait3A_1953 : memref<1x4096xf32, #tpu.memory_space<any>>) dst(%dma_wait3A_1950 : memref<1x4096xf32, #tpu.memory_space<vmem>>)
    %dma_wait3A_1954 = arith.constant 7 : i32
    %dma_wait3A_1955 = arith.constant 115 : i32
    %dma_wait3A_1956 = arith.constant 0 : i32
    %dma_wait3A_1957 = tpu.memref_slice %arg6[%dma_wait3A_1955, %dma_wait3A_1956] : memref<128x4096xf32, #tpu.memory_space<vmem>> -> memref<1x4096xf32, #tpu.memory_space<vmem>>
    %dma_wait3A_1958 = arith.constant 0 : i32
    %dma_wait3A_1959 = tpu.memref_slice %arg2[%get3A_1034, %dma_wait3A_1954, %dma_wait3A_1958] : memref<2305x8x4096xf32, #tpu.memory_space<any>> -> memref<1x1x4096xf32, #tpu.memory_space<any>>
    %dma_wait3A_1960 = tpu.memref_squeeze %dma_wait3A_1959 : memref<1x1x4096xf32, #tpu.memory_space<any>> -> memref<1x4096xf32, #tpu.memory_space<any>>
    tpu.wait_dma2 semaphore(%arg7 : memref<!tpu.dma_semaphore, #tpu.memory_space<semaphore_mem>>) src(%dma_wait3A_1960 : memref<1x4096xf32, #tpu.memory_space<any>>) dst(%dma_wait3A_1957 : memref<1x4096xf32, #tpu.memory_space<vmem>>)
    %dma_wait3A_1961 = arith.constant 7 : i32
    %dma_wait3A_1962 = arith.constant 116 : i32
    %dma_wait3A_1963 = arith.constant 0 : i32
    %dma_wait3A_1964 = tpu.memref_slice %arg6[%dma_wait3A_1962, %dma_wait3A_1963] : memref<128x4096xf32, #tpu.memory_space<vmem>> -> memref<1x4096xf32, #tpu.memory_space<vmem>>
    %dma_wait3A_1965 = arith.constant 0 : i32
    %dma_wait3A_1966 = tpu.memref_slice %arg2[%get3A_1043, %dma_wait3A_1961, %dma_wait3A_1965] : memref<2305x8x4096xf32, #tpu.memory_space<any>> -> memref<1x1x4096xf32, #tpu.memory_space<any>>
    %dma_wait3A_1967 = tpu.memref_squeeze %dma_wait3A_1966 : memref<1x1x4096xf32, #tpu.memory_space<any>> -> memref<1x4096xf32, #tpu.memory_space<any>>
    tpu.wait_dma2 semaphore(%arg7 : memref<!tpu.dma_semaphore, #tpu.memory_space<semaphore_mem>>) src(%dma_wait3A_1967 : memref<1x4096xf32, #tpu.memory_space<any>>) dst(%dma_wait3A_1964 : memref<1x4096xf32, #tpu.memory_space<vmem>>)
    %dma_wait3A_1968 = arith.constant 7 : i32
    %dma_wait3A_1969 = arith.constant 117 : i32
    %dma_wait3A_1970 = arith.constant 0 : i32
    %dma_wait3A_1971 = tpu.memref_slice %arg6[%dma_wait3A_1969, %dma_wait3A_1970] : memref<128x4096xf32, #tpu.memory_space<vmem>> -> memref<1x4096xf32, #tpu.memory_space<vmem>>
    %dma_wait3A_1972 = arith.constant 0 : i32
    %dma_wait3A_1973 = tpu.memref_slice %arg2[%get3A_1052, %dma_wait3A_1968, %dma_wait3A_1972] : memref<2305x8x4096xf32, #tpu.memory_space<any>> -> memref<1x1x4096xf32, #tpu.memory_space<any>>
    %dma_wait3A_1974 = tpu.memref_squeeze %dma_wait3A_1973 : memref<1x1x4096xf32, #tpu.memory_space<any>> -> memref<1x4096xf32, #tpu.memory_space<any>>
    tpu.wait_dma2 semaphore(%arg7 : memref<!tpu.dma_semaphore, #tpu.memory_space<semaphore_mem>>) src(%dma_wait3A_1974 : memref<1x4096xf32, #tpu.memory_space<any>>) dst(%dma_wait3A_1971 : memref<1x4096xf32, #tpu.memory_space<vmem>>)
    %dma_wait3A_1975 = arith.constant 7 : i32
    %dma_wait3A_1976 = arith.constant 118 : i32
    %dma_wait3A_1977 = arith.constant 0 : i32
    %dma_wait3A_1978 = tpu.memref_slice %arg6[%dma_wait3A_1976, %dma_wait3A_1977] : memref<128x4096xf32, #tpu.memory_space<vmem>> -> memref<1x4096xf32, #tpu.memory_space<vmem>>
    %dma_wait3A_1979 = arith.constant 0 : i32
    %dma_wait3A_1980 = tpu.memref_slice %arg2[%get3A_1061, %dma_wait3A_1975, %dma_wait3A_1979] : memref<2305x8x4096xf32, #tpu.memory_space<any>> -> memref<1x1x4096xf32, #tpu.memory_space<any>>
    %dma_wait3A_1981 = tpu.memref_squeeze %dma_wait3A_1980 : memref<1x1x4096xf32, #tpu.memory_space<any>> -> memref<1x4096xf32, #tpu.memory_space<any>>
    tpu.wait_dma2 semaphore(%arg7 : memref<!tpu.dma_semaphore, #tpu.memory_space<semaphore_mem>>) src(%dma_wait3A_1981 : memref<1x4096xf32, #tpu.memory_space<any>>) dst(%dma_wait3A_1978 : memref<1x4096xf32, #tpu.memory_space<vmem>>)
    %dma_wait3A_1982 = arith.constant 7 : i32
    %dma_wait3A_1983 = arith.constant 119 : i32
    %dma_wait3A_1984 = arith.constant 0 : i32
    %dma_wait3A_1985 = tpu.memref_slice %arg6[%dma_wait3A_1983, %dma_wait3A_1984] : memref<128x4096xf32, #tpu.memory_space<vmem>> -> memref<1x4096xf32, #tpu.memory_space<vmem>>
    %dma_wait3A_1986 = arith.constant 0 : i32
    %dma_wait3A_1987 = tpu.memref_slice %arg2[%get3A_1070, %dma_wait3A_1982, %dma_wait3A_1986] : memref<2305x8x4096xf32, #tpu.memory_space<any>> -> memref<1x1x4096xf32, #tpu.memory_space<any>>
    %dma_wait3A_1988 = tpu.memref_squeeze %dma_wait3A_1987 : memref<1x1x4096xf32, #tpu.memory_space<any>> -> memref<1x4096xf32, #tpu.memory_space<any>>
    tpu.wait_dma2 semaphore(%arg7 : memref<!tpu.dma_semaphore, #tpu.memory_space<semaphore_mem>>) src(%dma_wait3A_1988 : memref<1x4096xf32, #tpu.memory_space<any>>) dst(%dma_wait3A_1985 : memref<1x4096xf32, #tpu.memory_space<vmem>>)
    %dma_wait3A_1989 = arith.constant 7 : i32
    %dma_wait3A_1990 = arith.constant 120 : i32
    %dma_wait3A_1991 = arith.constant 0 : i32
    %dma_wait3A_1992 = tpu.memref_slice %arg6[%dma_wait3A_1990, %dma_wait3A_1991] : memref<128x4096xf32, #tpu.memory_space<vmem>> -> memref<1x4096xf32, #tpu.memory_space<vmem>>
    %dma_wait3A_1993 = arith.constant 0 : i32
    %dma_wait3A_1994 = tpu.memref_slice %arg2[%get3A_1079, %dma_wait3A_1989, %dma_wait3A_1993] : memref<2305x8x4096xf32, #tpu.memory_space<any>> -> memref<1x1x4096xf32, #tpu.memory_space<any>>
    %dma_wait3A_1995 = tpu.memref_squeeze %dma_wait3A_1994 : memref<1x1x4096xf32, #tpu.memory_space<any>> -> memref<1x4096xf32, #tpu.memory_space<any>>
    tpu.wait_dma2 semaphore(%arg7 : memref<!tpu.dma_semaphore, #tpu.memory_space<semaphore_mem>>) src(%dma_wait3A_1995 : memref<1x4096xf32, #tpu.memory_space<any>>) dst(%dma_wait3A_1992 : memref<1x4096xf32, #tpu.memory_space<vmem>>)
    %dma_wait3A_1996 = arith.constant 7 : i32
    %dma_wait3A_1997 = arith.constant 121 : i32
    %dma_wait3A_1998 = arith.constant 0 : i32
    %dma_wait3A_1999 = tpu.memref_slice %arg6[%dma_wait3A_1997, %dma_wait3A_1998] : memref<128x4096xf32, #tpu.memory_space<vmem>> -> memref<1x4096xf32, #tpu.memory_space<vmem>>
    %dma_wait3A_2000 = arith.constant 0 : i32
    %dma_wait3A_2001 = tpu.memref_slice %arg2[%get3A_1088, %dma_wait3A_1996, %dma_wait3A_2000] : memref<2305x8x4096xf32, #tpu.memory_space<any>> -> memref<1x1x4096xf32, #tpu.memory_space<any>>
    %dma_wait3A_2002 = tpu.memref_squeeze %dma_wait3A_2001 : memref<1x1x4096xf32, #tpu.memory_space<any>> -> memref<1x4096xf32, #tpu.memory_space<any>>
    tpu.wait_dma2 semaphore(%arg7 : memref<!tpu.dma_semaphore, #tpu.memory_space<semaphore_mem>>) src(%dma_wait3A_2002 : memref<1x4096xf32, #tpu.memory_space<any>>) dst(%dma_wait3A_1999 : memref<1x4096xf32, #tpu.memory_space<vmem>>)
    %dma_wait3A_2003 = arith.constant 7 : i32
    %dma_wait3A_2004 = arith.constant 122 : i32
    %dma_wait3A_2005 = arith.constant 0 : i32
    %dma_wait3A_2006 = tpu.memref_slice %arg6[%dma_wait3A_2004, %dma_wait3A_2005] : memref<128x4096xf32, #tpu.memory_space<vmem>> -> memref<1x4096xf32, #tpu.memory_space<vmem>>
    %dma_wait3A_2007 = arith.constant 0 : i32
    %dma_wait3A_2008 = tpu.memref_slice %arg2[%get3A_1097, %dma_wait3A_2003, %dma_wait3A_2007] : memref<2305x8x4096xf32, #tpu.memory_space<any>> -> memref<1x1x4096xf32, #tpu.memory_space<any>>
    %dma_wait3A_2009 = tpu.memref_squeeze %dma_wait3A_2008 : memref<1x1x4096xf32, #tpu.memory_space<any>> -> memref<1x4096xf32, #tpu.memory_space<any>>
    tpu.wait_dma2 semaphore(%arg7 : memref<!tpu.dma_semaphore, #tpu.memory_space<semaphore_mem>>) src(%dma_wait3A_2009 : memref<1x4096xf32, #tpu.memory_space<any>>) dst(%dma_wait3A_2006 : memref<1x4096xf32, #tpu.memory_space<vmem>>)
    %dma_wait3A_2010 = arith.constant 7 : i32
    %dma_wait3A_2011 = arith.constant 123 : i32
    %dma_wait3A_2012 = arith.constant 0 : i32
    %dma_wait3A_2013 = tpu.memref_slice %arg6[%dma_wait3A_2011, %dma_wait3A_2012] : memref<128x4096xf32, #tpu.memory_space<vmem>> -> memref<1x4096xf32, #tpu.memory_space<vmem>>
    %dma_wait3A_2014 = arith.constant 0 : i32
    %dma_wait3A_2015 = tpu.memref_slice %arg2[%get3A_1106, %dma_wait3A_2010, %dma_wait3A_2014] : memref<2305x8x4096xf32, #tpu.memory_space<any>> -> memref<1x1x4096xf32, #tpu.memory_space<any>>
    %dma_wait3A_2016 = tpu.memref_squeeze %dma_wait3A_2015 : memref<1x1x4096xf32, #tpu.memory_space<any>> -> memref<1x4096xf32, #tpu.memory_space<any>>
    tpu.wait_dma2 semaphore(%arg7 : memref<!tpu.dma_semaphore, #tpu.memory_space<semaphore_mem>>) src(%dma_wait3A_2016 : memref<1x4096xf32, #tpu.memory_space<any>>) dst(%dma_wait3A_2013 : memref<1x4096xf32, #tpu.memory_space<vmem>>)
    %dma_wait3A_2017 = arith.constant 7 : i32
    %dma_wait3A_2018 = arith.constant 124 : i32
    %dma_wait3A_2019 = arith.constant 0 : i32
    %dma_wait3A_2020 = tpu.memref_slice %arg6[%dma_wait3A_2018, %dma_wait3A_2019] : memref<128x4096xf32, #tpu.memory_space<vmem>> -> memref<1x4096xf32, #tpu.memory_space<vmem>>
    %dma_wait3A_2021 = arith.constant 0 : i32
    %dma_wait3A_2022 = tpu.memref_slice %arg2[%get3A_1115, %dma_wait3A_2017, %dma_wait3A_2021] : memref<2305x8x4096xf32, #tpu.memory_space<any>> -> memref<1x1x4096xf32, #tpu.memory_space<any>>
    %dma_wait3A_2023 = tpu.memref_squeeze %dma_wait3A_2022 : memref<1x1x4096xf32, #tpu.memory_space<any>> -> memref<1x4096xf32, #tpu.memory_space<any>>
    tpu.wait_dma2 semaphore(%arg7 : memref<!tpu.dma_semaphore, #tpu.memory_space<semaphore_mem>>) src(%dma_wait3A_2023 : memref<1x4096xf32, #tpu.memory_space<any>>) dst(%dma_wait3A_2020 : memref<1x4096xf32, #tpu.memory_space<vmem>>)
    %dma_wait3A_2024 = arith.constant 7 : i32
    %dma_wait3A_2025 = arith.constant 125 : i32
    %dma_wait3A_2026 = arith.constant 0 : i32
    %dma_wait3A_2027 = tpu.memref_slice %arg6[%dma_wait3A_2025, %dma_wait3A_2026] : memref<128x4096xf32, #tpu.memory_space<vmem>> -> memref<1x4096xf32, #tpu.memory_space<vmem>>
    %dma_wait3A_2028 = arith.constant 0 : i32
    %dma_wait3A_2029 = tpu.memref_slice %arg2[%get3A_1124, %dma_wait3A_2024, %dma_wait3A_2028] : memref<2305x8x4096xf32, #tpu.memory_space<any>> -> memref<1x1x4096xf32, #tpu.memory_space<any>>
    %dma_wait3A_2030 = tpu.memref_squeeze %dma_wait3A_2029 : memref<1x1x4096xf32, #tpu.memory_space<any>> -> memref<1x4096xf32, #tpu.memory_space<any>>
    tpu.wait_dma2 semaphore(%arg7 : memref<!tpu.dma_semaphore, #tpu.memory_space<semaphore_mem>>) src(%dma_wait3A_2030 : memref<1x4096xf32, #tpu.memory_space<any>>) dst(%dma_wait3A_2027 : memref<1x4096xf32, #tpu.memory_space<vmem>>)
    %dma_wait3A_2031 = arith.constant 7 : i32
    %dma_wait3A_2032 = arith.constant 126 : i32
    %dma_wait3A_2033 = arith.constant 0 : i32
    %dma_wait3A_2034 = tpu.memref_slice %arg6[%dma_wait3A_2032, %dma_wait3A_2033] : memref<128x4096xf32, #tpu.memory_space<vmem>> -> memref<1x4096xf32, #tpu.memory_space<vmem>>
    %dma_wait3A_2035 = arith.constant 0 : i32
    %dma_wait3A_2036 = tpu.memref_slice %arg2[%get3A_1133, %dma_wait3A_2031, %dma_wait3A_2035] : memref<2305x8x4096xf32, #tpu.memory_space<any>> -> memref<1x1x4096xf32, #tpu.memory_space<any>>
    %dma_wait3A_2037 = tpu.memref_squeeze %dma_wait3A_2036 : memref<1x1x4096xf32, #tpu.memory_space<any>> -> memref<1x4096xf32, #tpu.memory_space<any>>
    tpu.wait_dma2 semaphore(%arg7 : memref<!tpu.dma_semaphore, #tpu.memory_space<semaphore_mem>>) src(%dma_wait3A_2037 : memref<1x4096xf32, #tpu.memory_space<any>>) dst(%dma_wait3A_2034 : memref<1x4096xf32, #tpu.memory_space<vmem>>)
    %dma_wait3A_2038 = arith.constant 7 : i32
    %dma_wait3A_2039 = arith.constant 127 : i32
    %dma_wait3A_2040 = arith.constant 0 : i32
    %dma_wait3A_2041 = tpu.memref_slice %arg6[%dma_wait3A_2039, %dma_wait3A_2040] : memref<128x4096xf32, #tpu.memory_space<vmem>> -> memref<1x4096xf32, #tpu.memory_space<vmem>>
    %dma_wait3A_2042 = arith.constant 0 : i32
    %dma_wait3A_2043 = tpu.memref_slice %arg2[%get3A_1142, %dma_wait3A_2038, %dma_wait3A_2042] : memref<2305x8x4096xf32, #tpu.memory_space<any>> -> memref<1x1x4096xf32, #tpu.memory_space<any>>
    %dma_wait3A_2044 = tpu.memref_squeeze %dma_wait3A_2043 : memref<1x1x4096xf32, #tpu.memory_space<any>> -> memref<1x4096xf32, #tpu.memory_space<any>>
    tpu.wait_dma2 semaphore(%arg7 : memref<!tpu.dma_semaphore, #tpu.memory_space<semaphore_mem>>) src(%dma_wait3A_2044 : memref<1x4096xf32, #tpu.memory_space<any>>) dst(%dma_wait3A_2041 : memref<1x4096xf32, #tpu.memory_space<vmem>>)
    %get3A_2045 = arith.constant 0 : index
    %get3A_2046 = arith.constant 0 : index
    %get3A_2047 = vector.load %arg6[%get3A_2045, %get3A_2046] : memref<128x4096xf32, #tpu.memory_space<vmem>>, vector<128x4096xf32>
    %get3A_2048 = arith.constant 0 : index
    %get3A_2049 = arith.constant 0 : index
    %get3A_2050 = vector.load %arg3[%get3A_2048, %get3A_2049] : memref<4096x256xf32, #tpu.memory_space<vmem>>, vector<4096x256xf32>
    %dot_general3A = arith.constant dense<0.000000e+00> : vector<128x256xf32>
    %dot_general3A_2051 = tpu.matmul %get3A_2047, %get3A_2050, %dot_general3A {dimension_numbers = #tpu.dot_dimension_numbers<[1], [0], [0], [1], [0, 0, 1, 1], [], []>, transpose_lhs_hint = false} : vector<128x4096xf32>, vector<4096x256xf32>, vector<128x256xf32> -> vector<128x256xf32>
    %get3A_2052 = arith.constant 0 : index
    %get3A_2053 = arith.constant 0 : index
    %get3A_2054 = vector.load %arg4[%get3A_2052, %get3A_2053] : memref<1x256xf32, #tpu.memory_space<vmem>>, vector<1x256xf32>
    %add3A = vector.broadcast %get3A_2054 : vector<1x256xf32> to vector<128x256xf32>
    %add3A_2055 = arith.addf %dot_general3A_2051, %add3A : vector<128x256xf32>
    %get3A_2056 = arith.constant 0 : index
    %get3A_2057 = arith.constant 0 : index
    %get3A_2058 = vector.load %arg1[%get3A_2056, %get3A_2057] : memref<128x1xi32, #tpu.memory_space<vmem>>, vector<128x1xi32>
    %gt3A = arith.constant 0 : i32
    %gt3A_2059 = vector.broadcast %gt3A : i32 to vector<128x1xi32>
    %gt3A_2060 = arith.cmpi sgt, %get3A_2058, %gt3A_2059 : vector<128x1xi32>
    %jit3A = arith.constant 0.000000e+00 : f32
    %broadcast_in_dim3A = vector.shape_cast %gt3A_2060 : vector<128x1xi1> to vector<128x1xi1>
    %broadcast_in_dim3A_2061 = vector.broadcast %broadcast_in_dim3A : vector<128x1xi1> to vector<128x256xi1>
    %broadcast_in_dim3A_2062 = vector.broadcast %jit3A : f32 to vector<128x256xf32>
    %select_n3A = arith.select %broadcast_in_dim3A_2061, %add3A_2055, %broadcast_in_dim3A_2062 : vector<128x256xi1>, vector<128x256xf32>
    %swap3A = arith.constant 0 : index
    %swap3A_2063 = arith.constant 0 : index
    %swap3A_2064 = vector.load %arg5[%swap3A, %swap3A_2063] : memref<128x256xf32, #tpu.memory_space<vmem>>, vector<128x256xf32>
    tpu.vector_store %arg5[%swap3A, %swap3A_2063], %select_n3A {strides = array<i32>} : memref<128x256xf32, #tpu.memory_space<vmem>>, vector<128x256xf32>,
    return
  }
}

</mosaic_0001>

<sc_bundles>
// kernel: kernel.4.cloned.1.call-start
scs
__scs_entry_jumppad:
0x0: {  	(pc) =	sbr.rel $0x88, $3  }
0x1: {  	(tag) =	ssettag $0x0;
	lr =	simm.s32 $0x1  }
0x2: {  	[smem:$0x3F9D] =	sst lr;
	_ =	strace $0xD0000000  }
0x3: {  	_ = 	snop  }
0x4: {  	_ = 	snop  }
0x5: {  	_ = 	snop  }
0x6: {  	_ = 	snop  }
0x7: {  	_ = 	snop  }
__scs_overlays_trampoline_lowered:
0x8: {  	[smem:$0x3FAC] =	sst s0  }
0x9: {  	[smem:$0x3FAD] =	sst s1  }
0xa: {  	[smem:$0x3FAE] =	sst s2  }
0xb: {  	[smem:$0x3FAF] =	sst s3  }
0xc: {  	[smem:$0x3FB0] =	sst s4  }
0xd: {  	[smem:$0x3FB1] =	sst s5  }
0xe: {  	[smem:$0x3FB2] =	sst s6  }
0xf: {  	[smem:$0x3FB3] =	sst s7  }
0x10: {  	[smem:$0x3FB4] =	sst s8  }
0x11: {  	[smem:$0x3FB5] =	sst s9;
	s0 =	simm.s32 @!p0 $0x0  }
0x12: {  	s1 =	sld [smem:$0x3F9B];
	s0 =	simm.s32 @p0 $0x1  }
0x13: {  	[smem:$0x3FB6] =	sst s0;
	s0 =	simm.s32 @!p1 $0x0  }
0x14: {  	s2 =	sld [smem:$0x3F9A];
	s0 =	simm.s32 @p1 $0x1  }
0x15: {  	[smem:$0x3FB7] =	sst s0;
	s0 =	simm.s32 @!p2 $0x0  }
0x16: {  	s3 =	sld [smem:$0x3FDB];
	s0 =	simm.s32 @p2 $0x1  }
0x17: {  	s4 =	simm.s32 $0x1BF5;
	[smem:$0x3FB9] =	sst s0  }
0x18: {  	s0 =	sld [smem:$0x3F9C];
	_ =	swait.ge [sflag:s4], $0x0  }
0x19: {  	s7 =	sld [smem:$0x3F9D]  }
0x1a: {  	s8 =	sadd.s32 $0xFFFFE003, lr  }
0x1b: {  	s9 =	sadd.s32 $0xFFFFFEF7, lr;
	s5 =	simm.s32 $0xFFFFFFFF;
	p2 =	slt.u32 s8, $0xFFFFF086  }
0x1c: {  	p1 =	slt.u32 s9, $0xF7A;
	s5 =	simm.s32 @!p2 $0x0  }
0x1d: {  	s5 =	simm.s32 @p1 $0x1;
	p0 =	seq.s32 s7, s2  }
0x1e: {  	s7 =	smul.u32 @!p0 $0xF7A, s2;
	p2 =	seq.s32 @!p0 s5, $0x0  }
0x1f: {  	s9 =	smul.u32 $0xF7A, s1;
	s8 =	simm.s32 @!p0 $0x1BF5;
	p2 =	por !p2, p0  }
0x20: {  	[sflag:s8] =	ssyncset.s32 @!p0 $0xFFFFF086;
	s6 =	sadd.s32 @!p0 s3, s7;
	s7 =	simm.s32 @!p0 $0x108  }
0x21: {  	s3 =	sadd.s32 s3, s9;
	s6 =	sadd.s32 @!p0 $0x88, s6;
	s7 =	simm.s32 @p2 $0x1082  }
0x22: {  	[simem:s7], [sflag:s8] =	dma.local @!p0 [hbm:s6], $0xF7A  }
0x23: {  	s9 =	sor.u32 $0xD0000000, s2;
	s6 =	simm.s32 $0x108;
	_ =	swait.ge @!p0 [sflag:s8], $0x0  }
0x24: {  	s3 =	sadd.s32 $0x88, s3;
	s6 =	simm.s32 @!p1 $0x1082;
	[sflag:s4] =	ssyncset.s32 $0xFFFFF086  }
0x25: {  	[simem:s6], [sflag:s4] =	dma.local [hbm:s3], $0xF7A  }
0x26: {  	[smem:$0x3F9D] =	sst s1;
	(tag) =	ssettag s2;
	_ =	strace s9  }
0x27: {  	s1 =	sld [smem:$0x3FAD]  }
0x28: {  	s2 =	sld [smem:$0x3FAE]  }
0x29: {  	s4 =	sld [smem:$0x3FB0]  }
0x2a: {  	p0 =	seq.s32 s5, $0x0;
	s5 =	sld [smem:$0x3FB1]  }
0x2b: {  	s6 =	sld [smem:$0x3FB2]  }
0x2c: {  	s7 =	sld [smem:$0x3FB3]  }
0x2d: {  	s3 =	simm.s32 $0x108;
	s8 =	sld [smem:$0x3FB4]  }
0x2e: {  	s3 =	simm.s32 @!p0 $0x1082;
	s9 =	sld [smem:$0x3FB5]  }
0x2f: {  	lr =	sadd.s32 s0, s3;
	s0 =	sld [smem:$0x3FAC]  }
0x30: {  	s3 =	sld [smem:$0x3FAF]  }
0x31: {  	[smem:$0x3FB8] =	sst s10  }
0x32: {  	s10 =	sld [smem:$0x3FB6];
	_ =	sdelay $0x3  }
0x33: {  	p0 =	seq.s32 s10, $0x1;
	s10 =	sld [smem:$0x3FB8];
	_ =	sdelay $0x3  }
0x34: {  	[smem:$0x3FB8] =	sst s10  }
0x35: {  	s10 =	sld [smem:$0x3FB7];
	_ =	sdelay $0x3  }
0x36: {  	p1 =	seq.s32 s10, $0x1;
	s10 =	sld [smem:$0x3FB8];
	_ =	sdelay $0x3  }
0x37: {  	[smem:$0x3FB8] =	sst s10  }
0x38: {  	s10 =	sld [smem:$0x3FB9]  }
0x39: {  	_ = 	snop;
	(pc) =	sbr.ind lr, $3  }
0x3a: {  	_ = 	snop  }
0x3b: {  	_ = 	snop  }
0x3c: {  	p2 =	seq.s32 s10, $0x1;
	s10 =	sld [smem:$0x3FB8]  }
0x3d: {  	_ =	shalt  }
0x3e: {  	_ =	shalt  }
0x3f: {  	_ =	shalt  }
0x40: {  	_ =	shalt  }
0x41: {  	_ =	shalt  }
0x42: {  	_ =	shalt  }
0x43: {  	_ =	shalt  }
0x44: {  	_ =	shalt  }
0x45: {  	_ =	shalt  }
0x46: {  	_ =	shalt  }
0x47: {  	_ =	shalt  }
0x48: {  	_ =	shalt  }
0x49: {  	_ =	shalt  }
0x4a: {  	_ =	shalt  }
0x4b: {  	_ =	shalt  }
0x4c: {  	_ =	shalt  }
0x4d: {  	_ =	shalt  }
0x4e: {  	_ =	shalt  }
0x4f: {  	_ =	shalt  }
0x50: {  	_ =	shalt  }
0x51: {  	_ =	shalt  }
0x52: {  	_ =	shalt  }
0x53: {  	_ =	shalt  }
0x54: {  	_ =	shalt  }
0x55: {  	_ =	shalt  }
0x56: {  	_ =	shalt  }
0x57: {  	_ =	shalt  }
0x58: {  	_ =	shalt  }
0x59: {  	_ =	shalt  }
0x5a: {  	_ =	shalt  }
0x5b: {  	_ =	shalt  }
0x5c: {  	_ =	shalt  }
0x5d: {  	_ =	shalt  }
0x5e: {  	_ =	shalt  }
0x5f: {  	_ =	shalt  }
0x60: {  	_ =	shalt  }
0x61: {  	_ =	shalt  }
0x62: {  	_ =	shalt  }
0x63: {  	_ =	shalt  }
0x64: {  	_ =	shalt  }
0x65: {  	_ =	shalt  }
0x66: {  	_ =	shalt  }
0x67: {  	_ =	shalt  }
0x68: {  	_ =	shalt  }
0x69: {  	_ =	shalt  }
0x6a: {  	_ =	shalt  }
0x6b: {  	_ =	shalt  }
0x6c: {  	_ =	shalt  }
0x6d: {  	_ =	shalt  }
0x6e: {  	_ =	shalt  }
0x6f: {  	_ =	shalt  }
0x70: {  	_ =	shalt  }
0x71: {  	_ =	shalt  }
0x72: {  	_ =	shalt  }
0x73: {  	_ =	shalt  }
0x74: {  	_ =	shalt  }
0x75: {  	_ =	shalt  }
0x76: {  	_ =	shalt  }
0x77: {  	_ =	shalt  }
0x78: {  	_ =	shalt  }
0x79: {  	_ =	shalt  }
0x7a: {  	_ =	shalt  }
0x7b: {  	_ =	shalt  }
0x7c: {  	_ =	shalt  }
0x7d: {  	_ =	shalt  }
0x7e: {  	_ =	shalt  }
0x7f: {  	_ =	shalt  }
0x80: {  	_ =	shalt  }
0x81: {  	_ =	shalt  }
0x82: {  	_ =	shalt  }
0x83: {  	_ =	shalt  }
0x84: {  	_ =	shalt  }
0x85: {  	_ =	shalt  }
0x86: {  	_ =	shalt  }
0x87: {  	_ =	shalt  }
.Lfunc_end0:
.L_simem_size_0:
called_computation_lowered:
.L_overlay_start_0:
0x88: {  	s2 =	sld [smem:$0x3FD9]  }
0x89: {  	s3 =	sld [smem:$0x3FFE];
	_ =	sdelay $0x1  }
0x8a: {  	s1 =	srdreg.scid  }
0x8b: {  	s0 =	sand.u32 $0x1, s1  }
0x8c: {  	s17 =	sshll.u32 s0, $0xA;
	s2 =	sadd.s32 s3, s2  }
0x8d: {  	s2 =	sadd.s32 s2, s17  }
0x8e: {  	[smem:$0x3FC4] =	sst s2  }
0x8f: {  	_ = 	snop  }
0x90: {  	s2 =	sld [smem:$0x3FC9]  }
0x91: {  	s18 =	sld [smem:$0x3FD0];
	(tm) =	ssettm $0x1  }
0x92: {  	s4 =	sld [smem:$0x3FFB];
	_ =	sdelay $0x3  }
0x93: {  	_ =	strace s4  }
0x94: {  	s4 =	sld [smem:$0x3FFC];
	_ =	sdelay $0x3  }
0x95: {  	_ =	strace s4  }
0x96: {  	s4 =	sld [smem:$0x3FFD];
	_ =	sdelay $0x3  }
0x97: {  	_ =	strace s4  }
0x98: {  	_ =	strace $0x8FFFFFFF  }
0x99: {  	s19 =	sld [smem:$0x3FDB];
	_ =	sdelay $0x1  }
0x9a: {  	s5 =	simm.s32 $_scs_section_size  }
0x9b: {  	s6 =	simm.s32 $_size__tile_overlayer_lowered;
	s7 =	simm.s32 $_tile_overlayer_lowered  }
0x9c: {  	s22 =	simm.s32 $0x1BFF;
	s21 =	sshll.u32 s7, $0x1;
	s4 =	sadd.s32 s5, s19  }
0x9d: {  	s8 =	simm.s32 $0x0;
	s20 =	sshll.u32 s6, $0x1;
	s6 =	sadd.s32 s21, s4  }
0x9e: {  	[timem:s8], [sflag:s22] =	dma.local [hbm:s6], s20  }
0x9f: {  	_ =	swait.ge [sflag:s22], s20  }
0xa0: {  	s5 =	ssub.s32 $0x0, s20;
	[sflag:s22] =	ssyncset.done $0x0  }
0xa1: {  	[sflag:s22] =	ssyncadd.s32 s5;
	_ =	sdelay $0x1  }
0xa2: {  	s23 =	simm.s32 $0x1B8B  }
0xa3: {  	_ =	swait.ge [sflag:s23], $0x1  }
0xa4: {  	[sflag:s23] =	ssyncset.done $0x0  }
0xa5: {  	s25 =	simm.s32 $0x1B8E;
	s24 =	sld [smem:$0x3FFE];
	[sflag:s23] =	ssyncadd.s32 $0xFFFFFFFF  }
0xa6: {  	s26 =	simm.s32 $execute0_lowered;
	[smem:$0x3FD2] =	sst s25  }
0xa7: {  	s6 =	sshll.u32 s26, $0x1;
	_ =	strace $0x80000046;
	[dreg:$0x1] =	wrdreg $0xFFFFFFFF  }
0xa8: {  	s28 =	simm.s32 $_size_execute0_lowered;
	s4 =	sadd.s32 s4, s6;
	[dreg:$0x0] =	wrdreg $0x0  }
0xa9: {  	s6 =	sshll.u32 s28, $0x1;
	[dreg:$0x2] =	wrdreg s4  }
0xaa: {  	[dreg:$0x3] =	wrdreg s6  }
0xab: {  	[dreg:$0x4] =	wrdreg $0xC0  }
0xac: {  	_ =	task [dreg:s8], $0x5FFFF  }
0xad: {  	[dreg:$0x1] =	wrdreg $0xFFFFFFFF  }
0xae: {  	[dreg:$0x0] =	wrdreg $0x60  }
0xaf: {  	[dreg:$0x2] =	wrdreg s2  }
0xb0: {  	[dreg:$0x3] =	wrdreg s18  }
0xb1: {  	[dreg:$0x4] =	wrdreg s24  }
0xb2: {  	[dreg:$0x5] =	wrdreg $0x9  }
0xb3: {  	_ =	task.clear_ibuf [dreg:s8], $0x6FFFF;
	_ =	strace $0x90000046  }
0xb4: {  	s29 =	simm.s32 $0x9;
	_ =	strace $0x80000048  }
0xb5: {  	_ =	swait.ge [sflag:s29], $0x1  }
0xb6: {  	[sflag:s29] =	ssyncadd.s32 $0xFFFFFFFF  }
0xb7: {  	_ =	strace $0x90000048  }
0xb8: {  	_ =	sfence  }
0xb9: {  	s30 =	sld [smem:$0x0];
	_ =	sdelay $0x2  }
0xba: {  	s31 =	sshll.u32 s1, $0xD;
	s1 =	sshrl.u32 s1, $0x2  }
0xbb: {  	s3 =	sand.u32 $0x4000, s31;
	s1 =	sadd.s32 s1, s30  }
0xbc: {  	s0 =	sor.u32 s3, s0;
	s1 =	sshll.u32 s1, $0x11  }
0xbd: {  	s0 =	sor.u32 s1, s0  }
0xbe: {  	s0 =	sadd.s32 $0x8F2B, s0  }
0xbf: {  	[sflag:s0] =	ssyncadd.remote.s32 $0x1  }
0xc0: {  	_ =	sfence.sel $0xFFFF  }
0xc1: {  	[dreg:$0x0] =	wrdreg $0xFFFFFFFF;
	(pc) =	sbr.abs _section_cstart, $3  }
0xc2: {  	[dreg:$0x1] =	wrdreg $0xFFFFFFFF  }
0xc3: {  	_ =	task.clear_ibuf [dreg:s8], $0x2FFFF;
	_ =	strace $0x9FFFFFFF  }
0xc4: {  	(tm) =	ssettm $0x7FFFFFFF  }
0xc5: {  	_ =	shalt  }
tec
execute0_lowered:
.L_overlay_start_1:
0x0: {  	(tag) =	ssettag $0x1  }
0x1: {  	s1 =	stileid.u32  }
0x2: {  	p0 =	sgt.u32 s1, $0x3  }
.Ltmp0:
0x3: {  	s5 =	rddreg [dreg:$0x0];
	(pc) =	sbr.rel @p0 .LBB2_5-.Ltmp0, $4  }
0x4: {  	s3 =	rddreg [dreg:$0x1]  }
0x5: {  	s4 =	rddreg [dreg:$0x2];
	s2 =	simm.s32 $0x0  }
0x6: {  	[smem:$0x7FF] =	sst s2  }
0x7: {  	s0 =	rddreg [dreg:$0x3];
	_ =	strace $0x80000047  }
0x8: {  	s6 =	srdreg.scid;
	s7 =	sshll.u32 s1, $0x1  }
0x9: {  	s10 =	simm.s32 $0x800;
	s11 =	simm.s32 $0x880;
	s6 =	sand.u32 $0x1, s6  }
0xa: {  	s12 =	simm.s32 $0x0;
	s7 =	sor.u32 s6, s7;
	s6 =	ssub.s32 $0x2, s6  }
0xb: {  	s8 =	sshll.u32 s7, $0x1;
	s9 =	sshrl.u32 s6, $0x1;
	s7 =	sshll.u32 s7, $0x4  }
0xc: {  	s4 =	sadd.s32 s8, s4;
	s3 =	sadd.s32 s3, s8;
	s6 =	ssub.s32 s6, s9  }
0xd: {  	v0 =	vlaneseq.u32;
	s5 =	sadd.s32 s5, s7;
	s7 =	simm.s32 $0x80;
	s8 =	simm.s32 $0x400  }
0xe: {  	v1 =	vimm.s32 $0x0;
	v2 =	vor.u32 $0x100, v0;
	s9 =	simm.s32 $0x1;
	s4 =	sadd.s32 $0xE00, s4;
	s6 =	smax.u32 s6, $0x1  }
.LBB2_2:
0xf: {  	s13 =	simm.s32 $0x0  }
0x10: {  	[tilespmem:s13], [sflag:$0x1] =	stream.strided.gather [hbm4b:s5+s7], $0x800, s8, s7, $0x38;
	[tilespmem:$0x900] =	vst v63  }
0x11: {  	_ =	swait.ge [sflag:s9], $0x800  }
0x12: {  	[sflag:s9] =	ssyncset.done $0x0  }
0x13: {  	[sflag:s9] =	ssyncadd.s32 $0xFFFFF800  }
0x14: {  	[tilespmem:$0x800] =	vst v1  }
0x15: {  	v3 =	vld [tilespmem:s13+$0x0];
	_ =	sdelay $0x3  }
0x16: {  	v4 =	vmov s13  }
0x17: {  	vm1 =	vne.s32 v4, v0;
	vm0 =	veq.s32 v3, $0x7D00  }
0x18: {  	vm0 =	vmand vm1, vm0  }
0x19: {  	v3 =	vsel vm0, $0x1, v1  }
0x1a: {  	(xrf0) =	vadd.scan.msk.s32 $0xffff, v3;
	_ =	sdelay $0x2  }
0x1b: {  	v3 =	vmov s13  }
0x1c: {  	v3 =	vadd.s32 $0xFFFFFFFF, v3  }
0x1d: {  	v3 =	vbroadcast v3, $0x0  }
0x1e: {  	v4, _, _ =	vpop (xrf0)  }
0x1f: {  	v3 =	vadd.s32 v4, v3;
	(v2sf) =	vpush v4, $0xF  }
0x20: {  	vm15 =	vlt.s32 v3, $0x10  }
0x21: {  	vm0 =	vmand vm0, vm15;
	_ =	sdelay $0x4  }
0x22: {  	v5 =	vadd.s32 s13, v2  }
0x23: {  	s14 =	simm.s32 $0x10;
	[tilespmem:v3+s10+$0x0] =	vst.idx.msk vm0, v5  }
0x24: {  	s15 =	simm.s32 $0x20;
	s16 =	simm.s32 $0x10;
	v3 =	vld [tilespmem:s14+$0x0]  }
.LBB2_3:
0x25: {  	p0 =	sne.s32 s15, $0x7F0;
	_ =	sdelay $0x2  }
0x26: {  	v4 =	vmov s14  }
0x27: {  	vm1 =	vne.s32 v4, v0;
	vm0 =	veq.s32 v3, $0x7D00  }
0x28: {  	vm0 =	vmand vm1, vm0;
	s17 =	spop (v2sf)  }
0x29: {  	v3 =	vsel vm0, $0x1, v1;
	s13 =	sadd.s32 s13, s17  }
0x2a: {  	v4 =	vmov s13;
	(xrf0) =	vadd.scan.msk.s32 $0xffff, v3  }
0x2b: {  	v3 =	vadd.s32 $0xFFFFFFFF, v4  }
0x2c: {  	v3 =	vbroadcast v3, $0x0;
	_ =	sdelay $0x3  }
0x2d: {  	v4, _, _ =	vpop (xrf0)  }
0x2e: {  	v3 =	vadd.s32 v4, v3;
	(v2sf) =	vpush v4, $0xF  }
0x2f: {  	vm1 =	vlt.s32 v3, $0x10  }
0x30: {  	vm0 =	vmand vm0, vm1;
	_ =	sdelay $0x2  }
.Ltmp1:
0x31: {  	(pc) =	sbr.rel @p0 .LBB2_3-.Ltmp1, $4  }
0x32: {  	_ = 	snop  }
0x33: {  	v4 =	vadd.s32 s14, v2;
	s14 =	smov.u32 s15  }
0x34: {  	s16 =	sadd.s32 $0x10, s16;
	[tilespmem:v3+s10+$0x0] =	vst.idx.msk vm0, v4  }
0x35: {  	s15 =	sadd.s32 $0x10, s15;
	v3 =	vld [tilespmem:s16+$0x0]  }
0x36: {  	_ =	sdelay $0x2  }
0x37: {  	v4 =	vmov s14  }
0x38: {  	vm1 =	vne.s32 v4, v0;
	vm0 =	veq.s32 v3, $0x7D00  }
0x39: {  	vm0 =	vmand vm1, vm0  }
0x3a: {  	v3 =	vsel vm0, $0x1, v1  }
0x3b: {  	(xrf0) =	vadd.scan.msk.s32 $0xffff, v3;
	_ =	sdelay $0x5  }
0x3c: {  	s15 =	spop (v2sf);
	v3, _, _ =	vpop (xrf0)  }
0x3d: {  	s13 =	sadd.s32 s13, s15;
	(v2sf) =	vpush v3, $0xF  }
0x3e: {  	v62 =	vmov s13  }
0x3f: {  	v4 =	vadd.s32 $0xFFFFFFFF, v62  }
0x40: {  	v4 =	vbroadcast v4, $0x0;
	_ =	sdelay $0x1  }
0x41: {  	v3 =	vadd.s32 v3, v4  }
0x42: {  	vm14 =	vlt.s32 v3, $0x10  }
0x43: {  	vm0 =	vmand vm0, vm14;
	_ =	sdelay $0x4  }
0x44: {  	v63 =	vadd.s32 s14, v2  }
0x45: {  	[tilespmem:v3+s10+$0x0] =	vst.idx.msk vm0, v63  }
0x46: {  	[hbm4b:s3+s2] =	stream.linear.scatter [tilespmem:s10], [sflag:$0x1], $0x10, $0x38;
	[tilespmem:$0x900] =	vst v63  }
0x47: {  	s31 =	spop (v2sf)  }
0x48: {  	s13 =	sadd.s32 s13, s31  }
0x49: {  	_ =	swait.ge [sflag:s9], $0x10;
	v3 =	vmov s13  }
0x4a: {  	s12 =	sadd.s32 $0x1, s12;
	[sflag:s9] =	ssyncset.done $0x0;
	vm15 =	vgt.s32 v3, v0  }
0x4b: {  	p0 =	sne.s32 s12, s6;
	[sflag:s9] =	ssyncadd.s32 $0xFFFFFFF0;
	v3 =	vsel vm15, $0x1, v1  }
.Ltmp2:
0x4c: {  	[tilespmem:$0x880] =	vst v3;
	(pc) =	sbr.rel @p0 .LBB2_2-.Ltmp2, $4  }
0x4d: {  	[hbm4b:s4+s2] =	stream.linear.scatter [tilespmem:s11], [sflag:$0x1], $0x10, $0x38;
	[tilespmem:$0x900] =	vst v63  }
0x4e: {  	_ =	swait.ge [sflag:s9], $0x10  }
0x4f: {  	[sflag:s9] =	ssyncset.done $0x0  }
0x50: {  	[sflag:s9] =	ssyncadd.s32 $0xFFFFFFF0  }
.LBB2_5:
0x51: {  	_ =	sfence.sel $0x180000  }
0x52: {  	[bflag:$0x0] =	sbarrier.arrive $0xFFFF  }
0x53: {  	p0 =	sne.s32 s1, $0x0;
	_ =	strace $0x90000047  }
0x54: {  	s0 =	sadd.s32 @!p0 $0x100000, s0;
	[bflag:$0x2] =	sbarrier.arrive $0xFFFF  }
0x55: {  	[sflag:s0] =	ssyncadd.tile.s32 @!p0 $0x1;
	_ =	shalt  }
.Lfunc_end2:
_tile_overlayer_lowered:
.L_overlay_start_2:
0x56: {  	(tag) =	ssettag $0x2  }
0x57: {  	s0 =	rddreg [dreg:$0x0];
	s2 =	stileid.u32  }
0x58: {  	s1 =	rddreg [dreg:$0x1];
	p0 =	sne.s32 s2, $0x0  }
0x59: {  	s3 =	rddreg [dreg:$0x2];
	[bflag:$0x3] =	sbarrier.arrive $0xFFFF;
	s2 =	simm.s32 @!p0 $0x1C01  }
0x5a: {  	[timem:s3], [sflag:s2] =	dma.local @!p0 [hbm:s0], s1  }
0x5b: {  	s0 =	simm.s32 @!p0 $0x1  }
0x5c: {  	_ =	swait.ge @!p0 [sflag:s0], s1  }
0x5d: {  	s1 =	ssub.s32 @!p0 $0x0, s1;
	[sflag:s0] =	ssyncset.done @!p0 $0x0  }
0x5e: {  	[sflag:s0] =	ssyncadd.s32 @!p0 s1  }
0x5f: {  	[bflag:$0x3] =	sbarrier.arrive $0xFFFF  }
0x60: {  	_ =	shalt  }

</sc_bundles>
